<compile_context>
chip_gen: v7x
topology: tpu7x:2x2x1
jax: 0.10.2.dev20260603
libtpu: 0.0.44.dev20260713+nightly
codegen_flags: <defaults>
</compile_context>

<pallas_src>
import functools

import jax
import jax.numpy as jnp
from jax import lax
from jax.experimental import pallas as pl
from jax.experimental.pallas import tpu as pltpu
from jax.experimental.pallas import tpu_sc as plsc

_B = 4096
_D = 64
_LANES = 16

_info = plsc.get_sparse_core_info()
_NC = _info.num_cores
_NS = _info.num_subcores
_NW = _NC * _NS
_BPW = _B // _NW

_mesh = plsc.VectorSubcoreMesh(core_axis_name="c", subcore_axis_name="s")


@functools.partial(
    pl.kernel,
    mesh=_mesh,
    compiler_params=pltpu.CompilerParams(needs_layout_passes=False),
    out_type=jax.ShapeDtypeStruct((_B,), jnp.float32),
    scratch_types=[
        pltpu.VMEM((_BPW,), jnp.int32),
        pltpu.VMEM((_BPW,), jnp.int32),
        pltpu.VMEM((_BPW, _D), jnp.float32),
        pltpu.VMEM((_BPW, _D), jnp.float32),
        pltpu.VMEM((_BPW,), jnp.float32),
        pltpu.SemaphoreType.DMA,
        pltpu.SemaphoreType.DMA,
    ],
)
def _gather_dot(users_hbm, items_hbm, eu_hbm, ei_hbm, out_hbm,
                uidx, iidx, urows, irows, gout, sem_u, sem_i):
    wid = lax.axis_index("s") * _NC + lax.axis_index("c")
    base = wid * _BPW

    pltpu.sync_copy(users_hbm.at[pl.ds(base, _BPW)], uidx)
    pltpu.sync_copy(items_hbm.at[pl.ds(base, _BPW)], iidx)

    def fire(g, _):
        uvec = uidx[pl.ds(g * _LANES, _LANES)]
        ivec = iidx[pl.ds(g * _LANES, _LANES)]
        for r in range(_LANES):
            j = g * _LANES + r
            pltpu.async_copy(eu_hbm.at[pl.ds(uvec[r], 1), :],
                             urows.at[pl.ds(j, 1), :], sem_u)
            pltpu.async_copy(ei_hbm.at[pl.ds(ivec[r], 1), :],
                             irows.at[pl.ds(j, 1), :], sem_i)
        return 0

    lax.fori_loop(0, _BPW // _LANES, fire, 0)

    pltpu.make_async_copy(eu_hbm.at[pl.ds(0, _BPW), :], urows, sem_u).wait()
    pltpu.make_async_copy(ei_hbm.at[pl.ds(0, _BPW), :], irows, sem_i).wait()

    lane = lax.iota(jnp.int32, _LANES)
    perms = [jnp.bitwise_xor(lane, step) for step in (1, 2, 4, 8)]

    def group_body(g, _):
        acc = jnp.zeros((_LANES,), jnp.float32)
        for r in range(_LANES):
            b = g * _LANES + r
            s = urows[b, pl.ds(0, _LANES)] * irows[b, pl.ds(0, _LANES)]
            for k in range(1, _D // _LANES):
                s = s + (urows[b, pl.ds(k * _LANES, _LANES)]
                         * irows[b, pl.ds(k * _LANES, _LANES)])
            for p in perms:
                s = s + s.at[p].get(mode="promise_in_bounds")
            acc = jnp.where(lane == r, s, acc)
        gout[pl.ds(g * _LANES, _LANES)] = acc
        return 0

    lax.fori_loop(0, _BPW // _LANES, group_body, 0)

    pltpu.sync_copy(gout, out_hbm.at[pl.ds(base, _BPW)])


def kernel(users, items, emb_user, emb_item, W1_w, W1_b, W2_w, W2_b,
           edge_index_g, vals_g, edge_index_gs, vals_gs):
    return _gather_dot(users, items, emb_user, emb_item)

# --- scband reference (transcript-rebuilt; emitter-appended) ---
"""Pipeline reference for scband-ngcf-79774722556244 (READ-ONLY COPY).

The authoritative reference and input builder live on the scoring server;
editing this copy changes nothing except your own understanding.
"""

import jax, jax.numpy as jnp
import numpy as np

N_USERS = 25000
N_ITEMS = 25000
N = N_USERS + N_ITEMS
D = 64
L = 3
E = 800000
B = 4096


def spmm(edge_index, vals, x, n):
    src = edge_index[0]
    dst = edge_index[1]
    msg = vals[:, None] * x[src]
    return jax.ops.segment_sum(msg, dst, num_segments=n)


def setup_inputs(seed: int = 0) -> dict:
    key = jax.random.key(seed)
    ks = jax.random.split(key, 12)
    emb_user = jax.random.normal(ks[0], (N_USERS, D), dtype=jnp.float32) * 0.1
    emb_item = jax.random.normal(ks[1], (N_ITEMS, D), dtype=jnp.float32) * 0.1
    lim = float(np.sqrt(6.0 / (D + D)))  # xavier_uniform gain=1
    W1_w = jax.random.uniform(ks[2], (L, D, D), dtype=jnp.float32, minval=-lim, maxval=lim)
    W1_b = jnp.zeros((L, D), dtype=jnp.float32)
    W2_w = jax.random.uniform(ks[3], (L, D, D), dtype=jnp.float32, minval=-lim, maxval=lim)
    W2_b = jnp.zeros((L, D), dtype=jnp.float32)
    src = jax.random.randint(ks[4], (E,), 0, N, dtype=jnp.int32)
    dst = jax.random.randint(ks[5], (E,), 0, N, dtype=jnp.int32)
    edge_index_g = jnp.stack([src, dst], axis=0)
    vals_g = jax.random.uniform(ks[6], (E,), dtype=jnp.float32, minval=0.0, maxval=0.1)
    self_idx = jnp.arange(N, dtype=jnp.int32)
    edge_index_gs = jnp.concatenate([edge_index_g, jnp.stack([self_idx, self_idx], axis=0)], axis=1)
    vals_gs = jnp.concatenate([vals_g, jnp.ones((N,), dtype=jnp.float32)], axis=0)
    users = jax.random.randint(ks[7], (B,), 0, N_USERS, dtype=jnp.int32)
    items = jax.random.randint(ks[8], (B,), 0, N_ITEMS, dtype=jnp.int32)
    return {
        "users": users,
        "items": items,
        "emb_user": emb_user,
        "emb_item": emb_item,
        "W1_w": W1_w,
        "W1_b": W1_b,
        "W2_w": W2_w,
        "W2_b": W2_b,
        "edge_index_g": edge_index_g,
        "vals_g": vals_g,
        "edge_index_gs": edge_index_gs,
        "vals_gs": vals_gs,
    }


def reference(users, items, emb_user, emb_item, W1_w, W1_b, W2_w, W2_b,
              edge_index_g, vals_g, edge_index_gs, vals_gs):
    # computer()
    all_emb = jnp.concatenate([emb_user, emb_item], axis=0)
    embs = [all_emb]
    cur = all_emb
    for layer in range(L):
        E1 = spmm(edge_index_gs, vals_gs, cur, N)
        E1 = E1 @ W1_w[layer].T + W1_b[layer]
        E2 = spmm(edge_index_g, vals_g, cur * cur, N)
        E2 = E2 @ W2_w[layer].T + W2_b[layer]
        cur = jax.nn.leaky_relu(E1 + E2, negative_slope=0.2)
    # NOTE: faithful to the original torch code, embs only contains the initial
    # embeddings (the loop never appends), so ngcf_out is the mean over that
    # single entry and the propagation result `cur` is dead computation.
    stacked = jnp.stack(embs, axis=1)
    ngcf_out = jnp.mean(stacked, axis=1)
    all_users = ngcf_out[:N_USERS]
    all_items = ngcf_out[N_USERS:]
    users_emb = all_users[users]
    items_emb = all_items[items]
    inner_pro = users_emb * items_emb
    gamma = jnp.sum(inner_pro, axis=1)
    return gamma

if __name__ == "__main__":
    import jax
    _d = setup_inputs()
    print(jax.jit(kernel)(*tuple(_d.values())))

</pallas_src>

<mosaic_0001>
#map = affine_map<(d0, d1) -> (0)>
#map1 = affine_map<(d0, d1) -> (0, 0)>
module attributes {stable_mosaic.version = 14 : i64} {
  func.func @_gather_dot(%arg0: i32, %arg1: i32, %arg2: memref<4096xi32, #tpu.memory_space<hbm>>, %arg3: memref<4096xi32, #tpu.memory_space<hbm>>, %arg4: memref<25000x64xf32, #tpu.memory_space<hbm>>, %arg5: memref<25000x64xf32, #tpu.memory_space<hbm>>, %arg6: memref<4096xf32, #tpu.memory_space<hbm>>, %arg7: memref<128xi32, #tpu.memory_space<vmem>>, %arg8: memref<128xi32, #tpu.memory_space<vmem>>, %arg9: memref<128x64xf32, #tpu.memory_space<vmem>>, %arg10: memref<128x64xf32, #tpu.memory_space<vmem>>, %arg11: memref<128xf32, #tpu.memory_space<vmem>>, %arg12: memref<!tpu.dma_semaphore, #tpu.memory_space<semaphore_mem>>, %arg13: memref<!tpu.dma_semaphore, #tpu.memory_space<semaphore_mem>>) attributes {dimension_semantics = [#tpu.dimension_semantics<core_parallel>, #tpu.dimension_semantics<subcore_parallel>], iteration_bounds = array<i64: 2, 16>, scalar_prefetch = 0 : i64, scratch_operands = 7 : i64, tpu.core_type = #tpu.core_type<sc_vector_subcore>, window_params = [{transform_indices = #map}, {transform_indices = #map}, {transform_indices = #map1}, {transform_indices = #map1}, {transform_indices = #map}]} {
    %mul3A = arith.constant 2 : i32
    %mul3A_0 = arith.muli %arg1, %mul3A : i32
    %add3A = arith.addi %mul3A_0, %arg0 : i32
    %mul3A_1 = arith.constant 128 : i32
    %mul3A_2 = arith.muli %add3A, %mul3A_1 : i32
    "tpu.region"() ({
      %run_scoped3A = tpu.sem_alloc : memref<!tpu.dma_semaphore, #tpu.memory_space<semaphore_mem>>
      %dma_start3A = tpu.memref_slice %arg2[%mul3A_2] : memref<4096xi32, #tpu.memory_space<hbm>> -> memref<128xi32, #tpu.memory_space<hbm>>
      %dma_start3A_38 = tpu.memref_slice %arg2[%mul3A_2] : memref<4096xi32, #tpu.memory_space<hbm>> -> memref<128xi32, #tpu.memory_space<hbm>>
      tpu.enqueue_dma source(%dma_start3A_38 : memref<128xi32, #tpu.memory_space<hbm>>) target(%arg7 : memref<128xi32, #tpu.memory_space<vmem>>) target_semaphore(%run_scoped3A : memref<!tpu.dma_semaphore, #tpu.memory_space<semaphore_mem>>)
      %dma_wait3A_39 = tpu.memref_slice %arg2[%mul3A_2] : memref<4096xi32, #tpu.memory_space<hbm>> -> memref<128xi32, #tpu.memory_space<hbm>>
      %dma_wait3A_40 = tpu.memref_slice %arg2[%mul3A_2] : memref<4096xi32, #tpu.memory_space<hbm>> -> memref<128xi32, #tpu.memory_space<hbm>>
      tpu.wait_dma2 semaphore(%run_scoped3A : memref<!tpu.dma_semaphore, #tpu.memory_space<semaphore_mem>>) src(%dma_wait3A_40 : memref<128xi32, #tpu.memory_space<hbm>>) dst(%arg7 : memref<128xi32, #tpu.memory_space<vmem>>)
      tpu.yield
    }) : () -> ()
    "tpu.region"() ({
      %run_scoped3A = tpu.sem_alloc : memref<!tpu.dma_semaphore, #tpu.memory_space<semaphore_mem>>
      %dma_start3A = tpu.memref_slice %arg3[%mul3A_2] : memref<4096xi32, #tpu.memory_space<hbm>> -> memref<128xi32, #tpu.memory_space<hbm>>
      %dma_start3A_38 = tpu.memref_slice %arg3[%mul3A_2] : memref<4096xi32, #tpu.memory_space<hbm>> -> memref<128xi32, #tpu.memory_space<hbm>>
      tpu.enqueue_dma source(%dma_start3A_38 : memref<128xi32, #tpu.memory_space<hbm>>) target(%arg8 : memref<128xi32, #tpu.memory_space<vmem>>) target_semaphore(%run_scoped3A : memref<!tpu.dma_semaphore, #tpu.memory_space<semaphore_mem>>)
      %dma_wait3A_39 = tpu.memref_slice %arg3[%mul3A_2] : memref<4096xi32, #tpu.memory_space<hbm>> -> memref<128xi32, #tpu.memory_space<hbm>>
      %dma_wait3A_40 = tpu.memref_slice %arg3[%mul3A_2] : memref<4096xi32, #tpu.memory_space<hbm>> -> memref<128xi32, #tpu.memory_space<hbm>>
      tpu.wait_dma2 semaphore(%run_scoped3A : memref<!tpu.dma_semaphore, #tpu.memory_space<semaphore_mem>>) src(%dma_wait3A_40 : memref<128xi32, #tpu.memory_space<hbm>>) dst(%arg8 : memref<128xi32, #tpu.memory_space<vmem>>)
      tpu.yield
    }) : () -> ()
    %scan3A = arith.constant 0 : i32
    %scan3A_3 = arith.constant 0 : i32
    %scan3A_4 = arith.constant 8 : i32
    %scan3A_5 = arith.addi %scan3A_3, %scan3A_4 : i32
    %scan3A_6 = arith.constant 1 : i32
    %scan3A_7 = scf.for %scan3A_38 = %scan3A_3 to %scan3A_5 step %scan3A_6 iter_args(%scan3A_39 = %scan3A) -> (i32)  : i32 {
      %mul3A_40 = arith.constant 16 : i32
      %mul3A_41 = arith.muli %scan3A_38, %mul3A_40 : i32
      %get3A = arith.index_cast %mul3A_41 : i32 to index
      %get3A_42 = tpu.vector_load %arg7[%get3A] {strides = array<i32>} : memref<128xi32, #tpu.memory_space<vmem>>, vector<16xi32>,
      %mul3A_43 = arith.constant 16 : i32
      %mul3A_44 = arith.muli %scan3A_38, %mul3A_43 : i32
      %get3A_45 = arith.index_cast %mul3A_44 : i32 to index
      %get3A_46 = tpu.vector_load %arg8[%get3A_45] {strides = array<i32>} : memref<128xi32, #tpu.memory_space<vmem>>, vector<16xi32>,
      %mul3A_47 = arith.constant 16 : i32
      %mul3A_48 = arith.muli %scan3A_38, %mul3A_47 : i32
      %add3A_49 = arith.constant 0 : i32
      %add3A_50 = arith.addi %mul3A_48, %add3A_49 : i32
      %slice3A = vector.extract_strided_slice %get3A_42 {offsets = [0], sizes = [1], strides = [1]} : vector<16xi32> to vector<1xi32>
      %squeeze3A = vector.extract %slice3A[0] : i32 from vector<1xi32>
      %dma_start3A = arith.constant 0 : i32
      %dma_start3A_51 = tpu.memref_slice %arg9[%add3A_50, %dma_start3A] : memref<128x64xf32, #tpu.memory_space<vmem>> -> memref<1x64xf32, #tpu.memory_space<vmem>>
      %dma_start3A_52 = arith.constant 0 : i32
      %dma_start3A_53 = tpu.memref_slice %arg4[%squeeze3A, %dma_start3A_52] : memref<25000x64xf32, #tpu.memory_space<hbm>> -> memref<1x64xf32, #tpu.memory_space<hbm>>
      %dma_start3A_54 = arith.constant 0 : i32
      %dma_start3A_55 = tpu.memref_slice %arg9[%add3A_50, %dma_start3A_54] : memref<128x64xf32, #tpu.memory_space<vmem>> -> memref<1x64xf32, #tpu.memory_space<vmem>>
      %dma_start3A_56 = arith.constant 0 : i32
      %dma_start3A_57 = tpu.memref_slice %arg4[%squeeze3A, %dma_start3A_56] : memref<25000x64xf32, #tpu.memory_space<hbm>> -> memref<1x64xf32, #tpu.memory_space<hbm>>
      tpu.enqueue_dma source(%dma_start3A_57 : memref<1x64xf32, #tpu.memory_space<hbm>>) target(%dma_start3A_55 : memref<1x64xf32, #tpu.memory_space<vmem>>) target_semaphore(%arg12 : memref<!tpu.dma_semaphore, #tpu.memory_space<semaphore_mem>>)
      %slice3A_58 = vector.extract_strided_slice %get3A_46 {offsets = [0], sizes = [1], strides = [1]} : vector<16xi32> to vector<1xi32>
      %squeeze3A_59 = vector.extract %slice3A_58[0] : i32 from vector<1xi32>
      %dma_start3A_60 = arith.constant 0 : i32
      %dma_start3A_61 = tpu.memref_slice %arg10[%add3A_50, %dma_start3A_60] : memref<128x64xf32, #tpu.memory_space<vmem>> -> memref<1x64xf32, #tpu.memory_space<vmem>>
      %dma_start3A_62 = arith.constant 0 : i32
      %dma_start3A_63 = tpu.memref_slice %arg5[%squeeze3A_59, %dma_start3A_62] : memref<25000x64xf32, #tpu.memory_space<hbm>> -> memref<1x64xf32, #tpu.memory_space<hbm>>
      %dma_start3A_64 = arith.constant 0 : i32
      %dma_start3A_65 = tpu.memref_slice %arg10[%add3A_50, %dma_start3A_64] : memref<128x64xf32, #tpu.memory_space<vmem>> -> memref<1x64xf32, #tpu.memory_space<vmem>>
      %dma_start3A_66 = arith.constant 0 : i32
      %dma_start3A_67 = tpu.memref_slice %arg5[%squeeze3A_59, %dma_start3A_66] : memref<25000x64xf32, #tpu.memory_space<hbm>> -> memref<1x64xf32, #tpu.memory_space<hbm>>
      tpu.enqueue_dma source(%dma_start3A_67 : memref<1x64xf32, #tpu.memory_space<hbm>>) target(%dma_start3A_65 : memref<1x64xf32, #tpu.memory_space<vmem>>) target_semaphore(%arg13 : memref<!tpu.dma_semaphore, #tpu.memory_space<semaphore_mem>>)
      %mul3A_68 = arith.constant 16 : i32
      %mul3A_69 = arith.muli %scan3A_38, %mul3A_68 : i32
      %add3A_70 = arith.constant 1 : i32
      %add3A_71 = arith.addi %mul3A_69, %add3A_70 : i32
      %slice3A_72 = vector.extract_strided_slice %get3A_42 {offsets = [1], sizes = [1], strides = [1]} : vector<16xi32> to vector<1xi32>
      %squeeze3A_73 = vector.extract %slice3A_72[0] : i32 from vector<1xi32>
      %dma_start3A_74 = arith.constant 0 : i32
      %dma_start3A_75 = tpu.memref_slice %arg9[%add3A_71, %dma_start3A_74] : memref<128x64xf32, #tpu.memory_space<vmem>> -> memref<1x64xf32, #tpu.memory_space<vmem>>
      %dma_start3A_76 = arith.constant 0 : i32
      %dma_start3A_77 = tpu.memref_slice %arg4[%squeeze3A_73, %dma_start3A_76] : memref<25000x64xf32, #tpu.memory_space<hbm>> -> memref<1x64xf32, #tpu.memory_space<hbm>>
      %dma_start3A_78 = arith.constant 0 : i32
      %dma_start3A_79 = tpu.memref_slice %arg9[%add3A_71, %dma_start3A_78] : memref<128x64xf32, #tpu.memory_space<vmem>> -> memref<1x64xf32, #tpu.memory_space<vmem>>
      %dma_start3A_80 = arith.constant 0 : i32
      %dma_start3A_81 = tpu.memref_slice %arg4[%squeeze3A_73, %dma_start3A_80] : memref<25000x64xf32, #tpu.memory_space<hbm>> -> memref<1x64xf32, #tpu.memory_space<hbm>>
      tpu.enqueue_dma source(%dma_start3A_81 : memref<1x64xf32, #tpu.memory_space<hbm>>) target(%dma_start3A_79 : memref<1x64xf32, #tpu.memory_space<vmem>>) target_semaphore(%arg12 : memref<!tpu.dma_semaphore, #tpu.memory_space<semaphore_mem>>)
      %slice3A_82 = vector.extract_strided_slice %get3A_46 {offsets = [1], sizes = [1], strides = [1]} : vector<16xi32> to vector<1xi32>
      %squeeze3A_83 = vector.extract %slice3A_82[0] : i32 from vector<1xi32>
      %dma_start3A_84 = arith.constant 0 : i32
      %dma_start3A_85 = tpu.memref_slice %arg10[%add3A_71, %dma_start3A_84] : memref<128x64xf32, #tpu.memory_space<vmem>> -> memref<1x64xf32, #tpu.memory_space<vmem>>
      %dma_start3A_86 = arith.constant 0 : i32
      %dma_start3A_87 = tpu.memref_slice %arg5[%squeeze3A_83, %dma_start3A_86] : memref<25000x64xf32, #tpu.memory_space<hbm>> -> memref<1x64xf32, #tpu.memory_space<hbm>>
      %dma_start3A_88 = arith.constant 0 : i32
      %dma_start3A_89 = tpu.memref_slice %arg10[%add3A_71, %dma_start3A_88] : memref<128x64xf32, #tpu.memory_space<vmem>> -> memref<1x64xf32, #tpu.memory_space<vmem>>
      %dma_start3A_90 = arith.constant 0 : i32
      %dma_start3A_91 = tpu.memref_slice %arg5[%squeeze3A_83, %dma_start3A_90] : memref<25000x64xf32, #tpu.memory_space<hbm>> -> memref<1x64xf32, #tpu.memory_space<hbm>>
      tpu.enqueue_dma source(%dma_start3A_91 : memref<1x64xf32, #tpu.memory_space<hbm>>) target(%dma_start3A_89 : memref<1x64xf32, #tpu.memory_space<vmem>>) target_semaphore(%arg13 : memref<!tpu.dma_semaphore, #tpu.memory_space<semaphore_mem>>)
      %mul3A_92 = arith.constant 16 : i32
      %mul3A_93 = arith.muli %scan3A_38, %mul3A_92 : i32
      %add3A_94 = arith.constant 2 : i32
      %add3A_95 = arith.addi %mul3A_93, %add3A_94 : i32
      %slice3A_96 = vector.extract_strided_slice %get3A_42 {offsets = [2], sizes = [1], strides = [1]} : vector<16xi32> to vector<1xi32>
      %squeeze3A_97 = vector.extract %slice3A_96[0] : i32 from vector<1xi32>
      %dma_start3A_98 = arith.constant 0 : i32
      %dma_start3A_99 = tpu.memref_slice %arg9[%add3A_95, %dma_start3A_98] : memref<128x64xf32, #tpu.memory_space<vmem>> -> memref<1x64xf32, #tpu.memory_space<vmem>>
      %dma_start3A_100 = arith.constant 0 : i32
      %dma_start3A_101 = tpu.memref_slice %arg4[%squeeze3A_97, %dma_start3A_100] : memref<25000x64xf32, #tpu.memory_space<hbm>> -> memref<1x64xf32, #tpu.memory_space<hbm>>
      %dma_start3A_102 = arith.constant 0 : i32
      %dma_start3A_103 = tpu.memref_slice %arg9[%add3A_95, %dma_start3A_102] : memref<128x64xf32, #tpu.memory_space<vmem>> -> memref<1x64xf32, #tpu.memory_space<vmem>>
      %dma_start3A_104 = arith.constant 0 : i32
      %dma_start3A_105 = tpu.memref_slice %arg4[%squeeze3A_97, %dma_start3A_104] : memref<25000x64xf32, #tpu.memory_space<hbm>> -> memref<1x64xf32, #tpu.memory_space<hbm>>
      tpu.enqueue_dma source(%dma_start3A_105 : memref<1x64xf32, #tpu.memory_space<hbm>>) target(%dma_start3A_103 : memref<1x64xf32, #tpu.memory_space<vmem>>) target_semaphore(%arg12 : memref<!tpu.dma_semaphore, #tpu.memory_space<semaphore_mem>>)
      %slice3A_106 = vector.extract_strided_slice %get3A_46 {offsets = [2], sizes = [1], strides = [1]} : vector<16xi32> to vector<1xi32>
      %squeeze3A_107 = vector.extract %slice3A_106[0] : i32 from vector<1xi32>
      %dma_start3A_108 = arith.constant 0 : i32
      %dma_start3A_109 = tpu.memref_slice %arg10[%add3A_95, %dma_start3A_108] : memref<128x64xf32, #tpu.memory_space<vmem>> -> memref<1x64xf32, #tpu.memory_space<vmem>>
      %dma_start3A_110 = arith.constant 0 : i32
      %dma_start3A_111 = tpu.memref_slice %arg5[%squeeze3A_107, %dma_start3A_110] : memref<25000x64xf32, #tpu.memory_space<hbm>> -> memref<1x64xf32, #tpu.memory_space<hbm>>
      %dma_start3A_112 = arith.constant 0 : i32
      %dma_start3A_113 = tpu.memref_slice %arg10[%add3A_95, %dma_start3A_112] : memref<128x64xf32, #tpu.memory_space<vmem>> -> memref<1x64xf32, #tpu.memory_space<vmem>>
      %dma_start3A_114 = arith.constant 0 : i32
      %dma_start3A_115 = tpu.memref_slice %arg5[%squeeze3A_107, %dma_start3A_114] : memref<25000x64xf32, #tpu.memory_space<hbm>> -> memref<1x64xf32, #tpu.memory_space<hbm>>
      tpu.enqueue_dma source(%dma_start3A_115 : memref<1x64xf32, #tpu.memory_space<hbm>>) target(%dma_start3A_113 : memref<1x64xf32, #tpu.memory_space<vmem>>) target_semaphore(%arg13 : memref<!tpu.dma_semaphore, #tpu.memory_space<semaphore_mem>>)
      %mul3A_116 = arith.constant 16 : i32
      %mul3A_117 = arith.muli %scan3A_38, %mul3A_116 : i32
      %add3A_118 = arith.constant 3 : i32
      %add3A_119 = arith.addi %mul3A_117, %add3A_118 : i32
      %slice3A_120 = vector.extract_strided_slice %get3A_42 {offsets = [3], sizes = [1], strides = [1]} : vector<16xi32> to vector<1xi32>
      %squeeze3A_121 = vector.extract %slice3A_120[0] : i32 from vector<1xi32>
      %dma_start3A_122 = arith.constant 0 : i32
      %dma_start3A_123 = tpu.memref_slice %arg9[%add3A_119, %dma_start3A_122] : memref<128x64xf32, #tpu.memory_space<vmem>> -> memref<1x64xf32, #tpu.memory_space<vmem>>
      %dma_start3A_124 = arith.constant 0 : i32
      %dma_start3A_125 = tpu.memref_slice %arg4[%squeeze3A_121, %dma_start3A_124] : memref<25000x64xf32, #tpu.memory_space<hbm>> -> memref<1x64xf32, #tpu.memory_space<hbm>>
      %dma_start3A_126 = arith.constant 0 : i32
      %dma_start3A_127 = tpu.memref_slice %arg9[%add3A_119, %dma_start3A_126] : memref<128x64xf32, #tpu.memory_space<vmem>> -> memref<1x64xf32, #tpu.memory_space<vmem>>
      %dma_start3A_128 = arith.constant 0 : i32
      %dma_start3A_129 = tpu.memref_slice %arg4[%squeeze3A_121, %dma_start3A_128] : memref<25000x64xf32, #tpu.memory_space<hbm>> -> memref<1x64xf32, #tpu.memory_space<hbm>>
      tpu.enqueue_dma source(%dma_start3A_129 : memref<1x64xf32, #tpu.memory_space<hbm>>) target(%dma_start3A_127 : memref<1x64xf32, #tpu.memory_space<vmem>>) target_semaphore(%arg12 : memref<!tpu.dma_semaphore, #tpu.memory_space<semaphore_mem>>)
      %slice3A_130 = vector.extract_strided_slice %get3A_46 {offsets = [3], sizes = [1], strides = [1]} : vector<16xi32> to vector<1xi32>
      %squeeze3A_131 = vector.extract %slice3A_130[0] : i32 from vector<1xi32>
      %dma_start3A_132 = arith.constant 0 : i32
      %dma_start3A_133 = tpu.memref_slice %arg10[%add3A_119, %dma_start3A_132] : memref<128x64xf32, #tpu.memory_space<vmem>> -> memref<1x64xf32, #tpu.memory_space<vmem>>
      %dma_start3A_134 = arith.constant 0 : i32
      %dma_start3A_135 = tpu.memref_slice %arg5[%squeeze3A_131, %dma_start3A_134] : memref<25000x64xf32, #tpu.memory_space<hbm>> -> memref<1x64xf32, #tpu.memory_space<hbm>>
      %dma_start3A_136 = arith.constant 0 : i32
      %dma_start3A_137 = tpu.memref_slice %arg10[%add3A_119, %dma_start3A_136] : memref<128x64xf32, #tpu.memory_space<vmem>> -> memref<1x64xf32, #tpu.memory_space<vmem>>
      %dma_start3A_138 = arith.constant 0 : i32
      %dma_start3A_139 = tpu.memref_slice %arg5[%squeeze3A_131, %dma_start3A_138] : memref<25000x64xf32, #tpu.memory_space<hbm>> -> memref<1x64xf32, #tpu.memory_space<hbm>>
      tpu.enqueue_dma source(%dma_start3A_139 : memref<1x64xf32, #tpu.memory_space<hbm>>) target(%dma_start3A_137 : memref<1x64xf32, #tpu.memory_space<vmem>>) target_semaphore(%arg13 : memref<!tpu.dma_semaphore, #tpu.memory_space<semaphore_mem>>)
      %mul3A_140 = arith.constant 16 : i32
      %mul3A_141 = arith.muli %scan3A_38, %mul3A_140 : i32
      %add3A_142 = arith.constant 4 : i32
      %add3A_143 = arith.addi %mul3A_141, %add3A_142 : i32
      %slice3A_144 = vector.extract_strided_slice %get3A_42 {offsets = [4], sizes = [1], strides = [1]} : vector<16xi32> to vector<1xi32>
      %squeeze3A_145 = vector.extract %slice3A_144[0] : i32 from vector<1xi32>
      %dma_start3A_146 = arith.constant 0 : i32
      %dma_start3A_147 = tpu.memref_slice %arg9[%add3A_143, %dma_start3A_146] : memref<128x64xf32, #tpu.memory_space<vmem>> -> memref<1x64xf32, #tpu.memory_space<vmem>>
      %dma_start3A_148 = arith.constant 0 : i32
      %dma_start3A_149 = tpu.memref_slice %arg4[%squeeze3A_145, %dma_start3A_148] : memref<25000x64xf32, #tpu.memory_space<hbm>> -> memref<1x64xf32, #tpu.memory_space<hbm>>
      %dma_start3A_150 = arith.constant 0 : i32
      %dma_start3A_151 = tpu.memref_slice %arg9[%add3A_143, %dma_start3A_150] : memref<128x64xf32, #tpu.memory_space<vmem>> -> memref<1x64xf32, #tpu.memory_space<vmem>>
      %dma_start3A_152 = arith.constant 0 : i32
      %dma_start3A_153 = tpu.memref_slice %arg4[%squeeze3A_145, %dma_start3A_152] : memref<25000x64xf32, #tpu.memory_space<hbm>> -> memref<1x64xf32, #tpu.memory_space<hbm>>
      tpu.enqueue_dma source(%dma_start3A_153 : memref<1x64xf32, #tpu.memory_space<hbm>>) target(%dma_start3A_151 : memref<1x64xf32, #tpu.memory_space<vmem>>) target_semaphore(%arg12 : memref<!tpu.dma_semaphore, #tpu.memory_space<semaphore_mem>>)
      %slice3A_154 = vector.extract_strided_slice %get3A_46 {offsets = [4], sizes = [1], strides = [1]} : vector<16xi32> to vector<1xi32>
      %squeeze3A_155 = vector.extract %slice3A_154[0] : i32 from vector<1xi32>
      %dma_start3A_156 = arith.constant 0 : i32
      %dma_start3A_157 = tpu.memref_slice %arg10[%add3A_143, %dma_start3A_156] : memref<128x64xf32, #tpu.memory_space<vmem>> -> memref<1x64xf32, #tpu.memory_space<vmem>>
      %dma_start3A_158 = arith.constant 0 : i32
      %dma_start3A_159 = tpu.memref_slice %arg5[%squeeze3A_155, %dma_start3A_158] : memref<25000x64xf32, #tpu.memory_space<hbm>> -> memref<1x64xf32, #tpu.memory_space<hbm>>
      %dma_start3A_160 = arith.constant 0 : i32
      %dma_start3A_161 = tpu.memref_slice %arg10[%add3A_143, %dma_start3A_160] : memref<128x64xf32, #tpu.memory_space<vmem>> -> memref<1x64xf32, #tpu.memory_space<vmem>>
      %dma_start3A_162 = arith.constant 0 : i32
      %dma_start3A_163 = tpu.memref_slice %arg5[%squeeze3A_155, %dma_start3A_162] : memref<25000x64xf32, #tpu.memory_space<hbm>> -> memref<1x64xf32, #tpu.memory_space<hbm>>
      tpu.enqueue_dma source(%dma_start3A_163 : memref<1x64xf32, #tpu.memory_space<hbm>>) target(%dma_start3A_161 : memref<1x64xf32, #tpu.memory_space<vmem>>) target_semaphore(%arg13 : memref<!tpu.dma_semaphore, #tpu.memory_space<semaphore_mem>>)
      %mul3A_164 = arith.constant 16 : i32
      %mul3A_165 = arith.muli %scan3A_38, %mul3A_164 : i32
      %add3A_166 = arith.constant 5 : i32
      %add3A_167 = arith.addi %mul3A_165, %add3A_166 : i32
      %slice3A_168 = vector.extract_strided_slice %get3A_42 {offsets = [5], sizes = [1], strides = [1]} : vector<16xi32> to vector<1xi32>
      %squeeze3A_169 = vector.extract %slice3A_168[0] : i32 from vector<1xi32>
      %dma_start3A_170 = arith.constant 0 : i32
      %dma_start3A_171 = tpu.memref_slice %arg9[%add3A_167, %dma_start3A_170] : memref<128x64xf32, #tpu.memory_space<vmem>> -> memref<1x64xf32, #tpu.memory_space<vmem>>
      %dma_start3A_172 = arith.constant 0 : i32
      %dma_start3A_173 = tpu.memref_slice %arg4[%squeeze3A_169, %dma_start3A_172] : memref<25000x64xf32, #tpu.memory_space<hbm>> -> memref<1x64xf32, #tpu.memory_space<hbm>>
      %dma_start3A_174 = arith.constant 0 : i32
      %dma_start3A_175 = tpu.memref_slice %arg9[%add3A_167, %dma_start3A_174] : memref<128x64xf32, #tpu.memory_space<vmem>> -> memref<1x64xf32, #tpu.memory_space<vmem>>
      %dma_start3A_176 = arith.constant 0 : i32
      %dma_start3A_177 = tpu.memref_slice %arg4[%squeeze3A_169, %dma_start3A_176] : memref<25000x64xf32, #tpu.memory_space<hbm>> -> memref<1x64xf32, #tpu.memory_space<hbm>>
      tpu.enqueue_dma source(%dma_start3A_177 : memref<1x64xf32, #tpu.memory_space<hbm>>) target(%dma_start3A_175 : memref<1x64xf32, #tpu.memory_space<vmem>>) target_semaphore(%arg12 : memref<!tpu.dma_semaphore, #tpu.memory_space<semaphore_mem>>)
      %slice3A_178 = vector.extract_strided_slice %get3A_46 {offsets = [5], sizes = [1], strides = [1]} : vector<16xi32> to vector<1xi32>
      %squeeze3A_179 = vector.extract %slice3A_178[0] : i32 from vector<1xi32>
      %dma_start3A_180 = arith.constant 0 : i32
      %dma_start3A_181 = tpu.memref_slice %arg10[%add3A_167, %dma_start3A_180] : memref<128x64xf32, #tpu.memory_space<vmem>> -> memref<1x64xf32, #tpu.memory_space<vmem>>
      %dma_start3A_182 = arith.constant 0 : i32
      %dma_start3A_183 = tpu.memref_slice %arg5[%squeeze3A_179, %dma_start3A_182] : memref<25000x64xf32, #tpu.memory_space<hbm>> -> memref<1x64xf32, #tpu.memory_space<hbm>>
      %dma_start3A_184 = arith.constant 0 : i32
      %dma_start3A_185 = tpu.memref_slice %arg10[%add3A_167, %dma_start3A_184] : memref<128x64xf32, #tpu.memory_space<vmem>> -> memref<1x64xf32, #tpu.memory_space<vmem>>
      %dma_start3A_186 = arith.constant 0 : i32
      %dma_start3A_187 = tpu.memref_slice %arg5[%squeeze3A_179, %dma_start3A_186] : memref<25000x64xf32, #tpu.memory_space<hbm>> -> memref<1x64xf32, #tpu.memory_space<hbm>>
      tpu.enqueue_dma source(%dma_start3A_187 : memref<1x64xf32, #tpu.memory_space<hbm>>) target(%dma_start3A_185 : memref<1x64xf32, #tpu.memory_space<vmem>>) target_semaphore(%arg13 : memref<!tpu.dma_semaphore, #tpu.memory_space<semaphore_mem>>)
      %mul3A_188 = arith.constant 16 : i32
      %mul3A_189 = arith.muli %scan3A_38, %mul3A_188 : i32
      %add3A_190 = arith.constant 6 : i32
      %add3A_191 = arith.addi %mul3A_189, %add3A_190 : i32
      %slice3A_192 = vector.extract_strided_slice %get3A_42 {offsets = [6], sizes = [1], strides = [1]} : vector<16xi32> to vector<1xi32>
      %squeeze3A_193 = vector.extract %slice3A_192[0] : i32 from vector<1xi32>
      %dma_start3A_194 = arith.constant 0 : i32
      %dma_start3A_195 = tpu.memref_slice %arg9[%add3A_191, %dma_start3A_194] : memref<128x64xf32, #tpu.memory_space<vmem>> -> memref<1x64xf32, #tpu.memory_space<vmem>>
      %dma_start3A_196 = arith.constant 0 : i32
      %dma_start3A_197 = tpu.memref_slice %arg4[%squeeze3A_193, %dma_start3A_196] : memref<25000x64xf32, #tpu.memory_space<hbm>> -> memref<1x64xf32, #tpu.memory_space<hbm>>
      %dma_start3A_198 = arith.constant 0 : i32
      %dma_start3A_199 = tpu.memref_slice %arg9[%add3A_191, %dma_start3A_198] : memref<128x64xf32, #tpu.memory_space<vmem>> -> memref<1x64xf32, #tpu.memory_space<vmem>>
      %dma_start3A_200 = arith.constant 0 : i32
      %dma_start3A_201 = tpu.memref_slice %arg4[%squeeze3A_193, %dma_start3A_200] : memref<25000x64xf32, #tpu.memory_space<hbm>> -> memref<1x64xf32, #tpu.memory_space<hbm>>
      tpu.enqueue_dma source(%dma_start3A_201 : memref<1x64xf32, #tpu.memory_space<hbm>>) target(%dma_start3A_199 : memref<1x64xf32, #tpu.memory_space<vmem>>) target_semaphore(%arg12 : memref<!tpu.dma_semaphore, #tpu.memory_space<semaphore_mem>>)
      %slice3A_202 = vector.extract_strided_slice %get3A_46 {offsets = [6], sizes = [1], strides = [1]} : vector<16xi32> to vector<1xi32>
      %squeeze3A_203 = vector.extract %slice3A_202[0] : i32 from vector<1xi32>
      %dma_start3A_204 = arith.constant 0 : i32
      %dma_start3A_205 = tpu.memref_slice %arg10[%add3A_191, %dma_start3A_204] : memref<128x64xf32, #tpu.memory_space<vmem>> -> memref<1x64xf32, #tpu.memory_space<vmem>>
      %dma_start3A_206 = arith.constant 0 : i32
      %dma_start3A_207 = tpu.memref_slice %arg5[%squeeze3A_203, %dma_start3A_206] : memref<25000x64xf32, #tpu.memory_space<hbm>> -> memref<1x64xf32, #tpu.memory_space<hbm>>
      %dma_start3A_208 = arith.constant 0 : i32
      %dma_start3A_209 = tpu.memref_slice %arg10[%add3A_191, %dma_start3A_208] : memref<128x64xf32, #tpu.memory_space<vmem>> -> memref<1x64xf32, #tpu.memory_space<vmem>>
      %dma_start3A_210 = arith.constant 0 : i32
      %dma_start3A_211 = tpu.memref_slice %arg5[%squeeze3A_203, %dma_start3A_210] : memref<25000x64xf32, #tpu.memory_space<hbm>> -> memref<1x64xf32, #tpu.memory_space<hbm>>
      tpu.enqueue_dma source(%dma_start3A_211 : memref<1x64xf32, #tpu.memory_space<hbm>>) target(%dma_start3A_209 : memref<1x64xf32, #tpu.memory_space<vmem>>) target_semaphore(%arg13 : memref<!tpu.dma_semaphore, #tpu.memory_space<semaphore_mem>>)
      %mul3A_212 = arith.constant 16 : i32
      %mul3A_213 = arith.muli %scan3A_38, %mul3A_212 : i32
      %add3A_214 = arith.constant 7 : i32
      %add3A_215 = arith.addi %mul3A_213, %add3A_214 : i32
      %slice3A_216 = vector.extract_strided_slice %get3A_42 {offsets = [7], sizes = [1], strides = [1]} : vector<16xi32> to vector<1xi32>
      %squeeze3A_217 = vector.extract %slice3A_216[0] : i32 from vector<1xi32>
      %dma_start3A_218 = arith.constant 0 : i32
      %dma_start3A_219 = tpu.memref_slice %arg9[%add3A_215, %dma_start3A_218] : memref<128x64xf32, #tpu.memory_space<vmem>> -> memref<1x64xf32, #tpu.memory_space<vmem>>
      %dma_start3A_220 = arith.constant 0 : i32
      %dma_start3A_221 = tpu.memref_slice %arg4[%squeeze3A_217, %dma_start3A_220] : memref<25000x64xf32, #tpu.memory_space<hbm>> -> memref<1x64xf32, #tpu.memory_space<hbm>>
      %dma_start3A_222 = arith.constant 0 : i32
      %dma_start3A_223 = tpu.memref_slice %arg9[%add3A_215, %dma_start3A_222] : memref<128x64xf32, #tpu.memory_space<vmem>> -> memref<1x64xf32, #tpu.memory_space<vmem>>
      %dma_start3A_224 = arith.constant 0 : i32
      %dma_start3A_225 = tpu.memref_slice %arg4[%squeeze3A_217, %dma_start3A_224] : memref<25000x64xf32, #tpu.memory_space<hbm>> -> memref<1x64xf32, #tpu.memory_space<hbm>>
      tpu.enqueue_dma source(%dma_start3A_225 : memref<1x64xf32, #tpu.memory_space<hbm>>) target(%dma_start3A_223 : memref<1x64xf32, #tpu.memory_space<vmem>>) target_semaphore(%arg12 : memref<!tpu.dma_semaphore, #tpu.memory_space<semaphore_mem>>)
      %slice3A_226 = vector.extract_strided_slice %get3A_46 {offsets = [7], sizes = [1], strides = [1]} : vector<16xi32> to vector<1xi32>
      %squeeze3A_227 = vector.extract %slice3A_226[0] : i32 from vector<1xi32>
      %dma_start3A_228 = arith.constant 0 : i32
      %dma_start3A_229 = tpu.memref_slice %arg10[%add3A_215, %dma_start3A_228] : memref<128x64xf32, #tpu.memory_space<vmem>> -> memref<1x64xf32, #tpu.memory_space<vmem>>
      %dma_start3A_230 = arith.constant 0 : i32
      %dma_start3A_231 = tpu.memref_slice %arg5[%squeeze3A_227, %dma_start3A_230] : memref<25000x64xf32, #tpu.memory_space<hbm>> -> memref<1x64xf32, #tpu.memory_space<hbm>>
      %dma_start3A_232 = arith.constant 0 : i32
      %dma_start3A_233 = tpu.memref_slice %arg10[%add3A_215, %dma_start3A_232] : memref<128x64xf32, #tpu.memory_space<vmem>> -> memref<1x64xf32, #tpu.memory_space<vmem>>
      %dma_start3A_234 = arith.constant 0 : i32
      %dma_start3A_235 = tpu.memref_slice %arg5[%squeeze3A_227, %dma_start3A_234] : memref<25000x64xf32, #tpu.memory_space<hbm>> -> memref<1x64xf32, #tpu.memory_space<hbm>>
      tpu.enqueue_dma source(%dma_start3A_235 : memref<1x64xf32, #tpu.memory_space<hbm>>) target(%dma_start3A_233 : memref<1x64xf32, #tpu.memory_space<vmem>>) target_semaphore(%arg13 : memref<!tpu.dma_semaphore, #tpu.memory_space<semaphore_mem>>)
      %mul3A_236 = arith.constant 16 : i32
      %mul3A_237 = arith.muli %scan3A_38, %mul3A_236 : i32
      %add3A_238 = arith.constant 8 : i32
      %add3A_239 = arith.addi %mul3A_237, %add3A_238 : i32
      %slice3A_240 = vector.extract_strided_slice %get3A_42 {offsets = [8], sizes = [1], strides = [1]} : vector<16xi32> to vector<1xi32>
      %squeeze3A_241 = vector.extract %slice3A_240[0] : i32 from vector<1xi32>
      %dma_start3A_242 = arith.constant 0 : i32
      %dma_start3A_243 = tpu.memref_slice %arg9[%add3A_239, %dma_start3A_242] : memref<128x64xf32, #tpu.memory_space<vmem>> -> memref<1x64xf32, #tpu.memory_space<vmem>>
      %dma_start3A_244 = arith.constant 0 : i32
      %dma_start3A_245 = tpu.memref_slice %arg4[%squeeze3A_241, %dma_start3A_244] : memref<25000x64xf32, #tpu.memory_space<hbm>> -> memref<1x64xf32, #tpu.memory_space<hbm>>
      %dma_start3A_246 = arith.constant 0 : i32
      %dma_start3A_247 = tpu.memref_slice %arg9[%add3A_239, %dma_start3A_246] : memref<128x64xf32, #tpu.memory_space<vmem>> -> memref<1x64xf32, #tpu.memory_space<vmem>>
      %dma_start3A_248 = arith.constant 0 : i32
      %dma_start3A_249 = tpu.memref_slice %arg4[%squeeze3A_241, %dma_start3A_248] : memref<25000x64xf32, #tpu.memory_space<hbm>> -> memref<1x64xf32, #tpu.memory_space<hbm>>
      tpu.enqueue_dma source(%dma_start3A_249 : memref<1x64xf32, #tpu.memory_space<hbm>>) target(%dma_start3A_247 : memref<1x64xf32, #tpu.memory_space<vmem>>) target_semaphore(%arg12 : memref<!tpu.dma_semaphore, #tpu.memory_space<semaphore_mem>>)
      %slice3A_250 = vector.extract_strided_slice %get3A_46 {offsets = [8], sizes = [1], strides = [1]} : vector<16xi32> to vector<1xi32>
      %squeeze3A_251 = vector.extract %slice3A_250[0] : i32 from vector<1xi32>
      %dma_start3A_252 = arith.constant 0 : i32
      %dma_start3A_253 = tpu.memref_slice %arg10[%add3A_239, %dma_start3A_252] : memref<128x64xf32, #tpu.memory_space<vmem>> -> memref<1x64xf32, #tpu.memory_space<vmem>>
      %dma_start3A_254 = arith.constant 0 : i32
      %dma_start3A_255 = tpu.memref_slice %arg5[%squeeze3A_251, %dma_start3A_254] : memref<25000x64xf32, #tpu.memory_space<hbm>> -> memref<1x64xf32, #tpu.memory_space<hbm>>
      %dma_start3A_256 = arith.constant 0 : i32
      %dma_start3A_257 = tpu.memref_slice %arg10[%add3A_239, %dma_start3A_256] : memref<128x64xf32, #tpu.memory_space<vmem>> -> memref<1x64xf32, #tpu.memory_space<vmem>>
      %dma_start3A_258 = arith.constant 0 : i32
      %dma_start3A_259 = tpu.memref_slice %arg5[%squeeze3A_251, %dma_start3A_258] : memref<25000x64xf32, #tpu.memory_space<hbm>> -> memref<1x64xf32, #tpu.memory_space<hbm>>
      tpu.enqueue_dma source(%dma_start3A_259 : memref<1x64xf32, #tpu.memory_space<hbm>>) target(%dma_start3A_257 : memref<1x64xf32, #tpu.memory_space<vmem>>) target_semaphore(%arg13 : memref<!tpu.dma_semaphore, #tpu.memory_space<semaphore_mem>>)
      %mul3A_260 = arith.constant 16 : i32
      %mul3A_261 = arith.muli %scan3A_38, %mul3A_260 : i32
      %add3A_262 = arith.constant 9 : i32
      %add3A_263 = arith.addi %mul3A_261, %add3A_262 : i32
      %slice3A_264 = vector.extract_strided_slice %get3A_42 {offsets = [9], sizes = [1], strides = [1]} : vector<16xi32> to vector<1xi32>
      %squeeze3A_265 = vector.extract %slice3A_264[0] : i32 from vector<1xi32>
      %dma_start3A_266 = arith.constant 0 : i32
      %dma_start3A_267 = tpu.memref_slice %arg9[%add3A_263, %dma_start3A_266] : memref<128x64xf32, #tpu.memory_space<vmem>> -> memref<1x64xf32, #tpu.memory_space<vmem>>
      %dma_start3A_268 = arith.constant 0 : i32
      %dma_start3A_269 = tpu.memref_slice %arg4[%squeeze3A_265, %dma_start3A_268] : memref<25000x64xf32, #tpu.memory_space<hbm>> -> memref<1x64xf32, #tpu.memory_space<hbm>>
      %dma_start3A_270 = arith.constant 0 : i32
      %dma_start3A_271 = tpu.memref_slice %arg9[%add3A_263, %dma_start3A_270] : memref<128x64xf32, #tpu.memory_space<vmem>> -> memref<1x64xf32, #tpu.memory_space<vmem>>
      %dma_start3A_272 = arith.constant 0 : i32
      %dma_start3A_273 = tpu.memref_slice %arg4[%squeeze3A_265, %dma_start3A_272] : memref<25000x64xf32, #tpu.memory_space<hbm>> -> memref<1x64xf32, #tpu.memory_space<hbm>>
      tpu.enqueue_dma source(%dma_start3A_273 : memref<1x64xf32, #tpu.memory_space<hbm>>) target(%dma_start3A_271 : memref<1x64xf32, #tpu.memory_space<vmem>>) target_semaphore(%arg12 : memref<!tpu.dma_semaphore, #tpu.memory_space<semaphore_mem>>)
      %slice3A_274 = vector.extract_strided_slice %get3A_46 {offsets = [9], sizes = [1], strides = [1]} : vector<16xi32> to vector<1xi32>
      %squeeze3A_275 = vector.extract %slice3A_274[0] : i32 from vector<1xi32>
      %dma_start3A_276 = arith.constant 0 : i32
      %dma_start3A_277 = tpu.memref_slice %arg10[%add3A_263, %dma_start3A_276] : memref<128x64xf32, #tpu.memory_space<vmem>> -> memref<1x64xf32, #tpu.memory_space<vmem>>
      %dma_start3A_278 = arith.constant 0 : i32
      %dma_start3A_279 = tpu.memref_slice %arg5[%squeeze3A_275, %dma_start3A_278] : memref<25000x64xf32, #tpu.memory_space<hbm>> -> memref<1x64xf32, #tpu.memory_space<hbm>>
      %dma_start3A_280 = arith.constant 0 : i32
      %dma_start3A_281 = tpu.memref_slice %arg10[%add3A_263, %dma_start3A_280] : memref<128x64xf32, #tpu.memory_space<vmem>> -> memref<1x64xf32, #tpu.memory_space<vmem>>
      %dma_start3A_282 = arith.constant 0 : i32
      %dma_start3A_283 = tpu.memref_slice %arg5[%squeeze3A_275, %dma_start3A_282] : memref<25000x64xf32, #tpu.memory_space<hbm>> -> memref<1x64xf32, #tpu.memory_space<hbm>>
      tpu.enqueue_dma source(%dma_start3A_283 : memref<1x64xf32, #tpu.memory_space<hbm>>) target(%dma_start3A_281 : memref<1x64xf32, #tpu.memory_space<vmem>>) target_semaphore(%arg13 : memref<!tpu.dma_semaphore, #tpu.memory_space<semaphore_mem>>)
      %mul3A_284 = arith.constant 16 : i32
      %mul3A_285 = arith.muli %scan3A_38, %mul3A_284 : i32
      %add3A_286 = arith.constant 10 : i32
      %add3A_287 = arith.addi %mul3A_285, %add3A_286 : i32
      %slice3A_288 = vector.extract_strided_slice %get3A_42 {offsets = [10], sizes = [1], strides = [1]} : vector<16xi32> to vector<1xi32>
      %squeeze3A_289 = vector.extract %slice3A_288[0] : i32 from vector<1xi32>
      %dma_start3A_290 = arith.constant 0 : i32
      %dma_start3A_291 = tpu.memref_slice %arg9[%add3A_287, %dma_start3A_290] : memref<128x64xf32, #tpu.memory_space<vmem>> -> memref<1x64xf32, #tpu.memory_space<vmem>>
      %dma_start3A_292 = arith.constant 0 : i32
      %dma_start3A_293 = tpu.memref_slice %arg4[%squeeze3A_289, %dma_start3A_292] : memref<25000x64xf32, #tpu.memory_space<hbm>> -> memref<1x64xf32, #tpu.memory_space<hbm>>
      %dma_start3A_294 = arith.constant 0 : i32
      %dma_start3A_295 = tpu.memref_slice %arg9[%add3A_287, %dma_start3A_294] : memref<128x64xf32, #tpu.memory_space<vmem>> -> memref<1x64xf32, #tpu.memory_space<vmem>>
      %dma_start3A_296 = arith.constant 0 : i32
      %dma_start3A_297 = tpu.memref_slice %arg4[%squeeze3A_289, %dma_start3A_296] : memref<25000x64xf32, #tpu.memory_space<hbm>> -> memref<1x64xf32, #tpu.memory_space<hbm>>
      tpu.enqueue_dma source(%dma_start3A_297 : memref<1x64xf32, #tpu.memory_space<hbm>>) target(%dma_start3A_295 : memref<1x64xf32, #tpu.memory_space<vmem>>) target_semaphore(%arg12 : memref<!tpu.dma_semaphore, #tpu.memory_space<semaphore_mem>>)
      %slice3A_298 = vector.extract_strided_slice %get3A_46 {offsets = [10], sizes = [1], strides = [1]} : vector<16xi32> to vector<1xi32>
      %squeeze3A_299 = vector.extract %slice3A_298[0] : i32 from vector<1xi32>
      %dma_start3A_300 = arith.constant 0 : i32
      %dma_start3A_301 = tpu.memref_slice %arg10[%add3A_287, %dma_start3A_300] : memref<128x64xf32, #tpu.memory_space<vmem>> -> memref<1x64xf32, #tpu.memory_space<vmem>>
      %dma_start3A_302 = arith.constant 0 : i32
      %dma_start3A_303 = tpu.memref_slice %arg5[%squeeze3A_299, %dma_start3A_302] : memref<25000x64xf32, #tpu.memory_space<hbm>> -> memref<1x64xf32, #tpu.memory_space<hbm>>
      %dma_start3A_304 = arith.constant 0 : i32
      %dma_start3A_305 = tpu.memref_slice %arg10[%add3A_287, %dma_start3A_304] : memref<128x64xf32, #tpu.memory_space<vmem>> -> memref<1x64xf32, #tpu.memory_space<vmem>>
      %dma_start3A_306 = arith.constant 0 : i32
      %dma_start3A_307 = tpu.memref_slice %arg5[%squeeze3A_299, %dma_start3A_306] : memref<25000x64xf32, #tpu.memory_space<hbm>> -> memref<1x64xf32, #tpu.memory_space<hbm>>
      tpu.enqueue_dma source(%dma_start3A_307 : memref<1x64xf32, #tpu.memory_space<hbm>>) target(%dma_start3A_305 : memref<1x64xf32, #tpu.memory_space<vmem>>) target_semaphore(%arg13 : memref<!tpu.dma_semaphore, #tpu.memory_space<semaphore_mem>>)
      %mul3A_308 = arith.constant 16 : i32
      %mul3A_309 = arith.muli %scan3A_38, %mul3A_308 : i32
      %add3A_310 = arith.constant 11 : i32
      %add3A_311 = arith.addi %mul3A_309, %add3A_310 : i32
      %slice3A_312 = vector.extract_strided_slice %get3A_42 {offsets = [11], sizes = [1], strides = [1]} : vector<16xi32> to vector<1xi32>
      %squeeze3A_313 = vector.extract %slice3A_312[0] : i32 from vector<1xi32>
      %dma_start3A_314 = arith.constant 0 : i32
      %dma_start3A_315 = tpu.memref_slice %arg9[%add3A_311, %dma_start3A_314] : memref<128x64xf32, #tpu.memory_space<vmem>> -> memref<1x64xf32, #tpu.memory_space<vmem>>
      %dma_start3A_316 = arith.constant 0 : i32
      %dma_start3A_317 = tpu.memref_slice %arg4[%squeeze3A_313, %dma_start3A_316] : memref<25000x64xf32, #tpu.memory_space<hbm>> -> memref<1x64xf32, #tpu.memory_space<hbm>>
      %dma_start3A_318 = arith.constant 0 : i32
      %dma_start3A_319 = tpu.memref_slice %arg9[%add3A_311, %dma_start3A_318] : memref<128x64xf32, #tpu.memory_space<vmem>> -> memref<1x64xf32, #tpu.memory_space<vmem>>
      %dma_start3A_320 = arith.constant 0 : i32
      %dma_start3A_321 = tpu.memref_slice %arg4[%squeeze3A_313, %dma_start3A_320] : memref<25000x64xf32, #tpu.memory_space<hbm>> -> memref<1x64xf32, #tpu.memory_space<hbm>>
      tpu.enqueue_dma source(%dma_start3A_321 : memref<1x64xf32, #tpu.memory_space<hbm>>) target(%dma_start3A_319 : memref<1x64xf32, #tpu.memory_space<vmem>>) target_semaphore(%arg12 : memref<!tpu.dma_semaphore, #tpu.memory_space<semaphore_mem>>)
      %slice3A_322 = vector.extract_strided_slice %get3A_46 {offsets = [11], sizes = [1], strides = [1]} : vector<16xi32> to vector<1xi32>
      %squeeze3A_323 = vector.extract %slice3A_322[0] : i32 from vector<1xi32>
      %dma_start3A_324 = arith.constant 0 : i32
      %dma_start3A_325 = tpu.memref_slice %arg10[%add3A_311, %dma_start3A_324] : memref<128x64xf32, #tpu.memory_space<vmem>> -> memref<1x64xf32, #tpu.memory_space<vmem>>
      %dma_start3A_326 = arith.constant 0 : i32
      %dma_start3A_327 = tpu.memref_slice %arg5[%squeeze3A_323, %dma_start3A_326] : memref<25000x64xf32, #tpu.memory_space<hbm>> -> memref<1x64xf32, #tpu.memory_space<hbm>>
      %dma_start3A_328 = arith.constant 0 : i32
      %dma_start3A_329 = tpu.memref_slice %arg10[%add3A_311, %dma_start3A_328] : memref<128x64xf32, #tpu.memory_space<vmem>> -> memref<1x64xf32, #tpu.memory_space<vmem>>
      %dma_start3A_330 = arith.constant 0 : i32
      %dma_start3A_331 = tpu.memref_slice %arg5[%squeeze3A_323, %dma_start3A_330] : memref<25000x64xf32, #tpu.memory_space<hbm>> -> memref<1x64xf32, #tpu.memory_space<hbm>>
      tpu.enqueue_dma source(%dma_start3A_331 : memref<1x64xf32, #tpu.memory_space<hbm>>) target(%dma_start3A_329 : memref<1x64xf32, #tpu.memory_space<vmem>>) target_semaphore(%arg13 : memref<!tpu.dma_semaphore, #tpu.memory_space<semaphore_mem>>)
      %mul3A_332 = arith.constant 16 : i32
      %mul3A_333 = arith.muli %scan3A_38, %mul3A_332 : i32
      %add3A_334 = arith.constant 12 : i32
      %add3A_335 = arith.addi %mul3A_333, %add3A_334 : i32
      %slice3A_336 = vector.extract_strided_slice %get3A_42 {offsets = [12], sizes = [1], strides = [1]} : vector<16xi32> to vector<1xi32>
      %squeeze3A_337 = vector.extract %slice3A_336[0] : i32 from vector<1xi32>
      %dma_start3A_338 = arith.constant 0 : i32
      %dma_start3A_339 = tpu.memref_slice %arg9[%add3A_335, %dma_start3A_338] : memref<128x64xf32, #tpu.memory_space<vmem>> -> memref<1x64xf32, #tpu.memory_space<vmem>>
      %dma_start3A_340 = arith.constant 0 : i32
      %dma_start3A_341 = tpu.memref_slice %arg4[%squeeze3A_337, %dma_start3A_340] : memref<25000x64xf32, #tpu.memory_space<hbm>> -> memref<1x64xf32, #tpu.memory_space<hbm>>
      %dma_start3A_342 = arith.constant 0 : i32
      %dma_start3A_343 = tpu.memref_slice %arg9[%add3A_335, %dma_start3A_342] : memref<128x64xf32, #tpu.memory_space<vmem>> -> memref<1x64xf32, #tpu.memory_space<vmem>>
      %dma_start3A_344 = arith.constant 0 : i32
      %dma_start3A_345 = tpu.memref_slice %arg4[%squeeze3A_337, %dma_start3A_344] : memref<25000x64xf32, #tpu.memory_space<hbm>> -> memref<1x64xf32, #tpu.memory_space<hbm>>
      tpu.enqueue_dma source(%dma_start3A_345 : memref<1x64xf32, #tpu.memory_space<hbm>>) target(%dma_start3A_343 : memref<1x64xf32, #tpu.memory_space<vmem>>) target_semaphore(%arg12 : memref<!tpu.dma_semaphore, #tpu.memory_space<semaphore_mem>>)
      %slice3A_346 = vector.extract_strided_slice %get3A_46 {offsets = [12], sizes = [1], strides = [1]} : vector<16xi32> to vector<1xi32>
      %squeeze3A_347 = vector.extract %slice3A_346[0] : i32 from vector<1xi32>
      %dma_start3A_348 = arith.constant 0 : i32
      %dma_start3A_349 = tpu.memref_slice %arg10[%add3A_335, %dma_start3A_348] : memref<128x64xf32, #tpu.memory_space<vmem>> -> memref<1x64xf32, #tpu.memory_space<vmem>>
      %dma_start3A_350 = arith.constant 0 : i32
      %dma_start3A_351 = tpu.memref_slice %arg5[%squeeze3A_347, %dma_start3A_350] : memref<25000x64xf32, #tpu.memory_space<hbm>> -> memref<1x64xf32, #tpu.memory_space<hbm>>
      %dma_start3A_352 = arith.constant 0 : i32
      %dma_start3A_353 = tpu.memref_slice %arg10[%add3A_335, %dma_start3A_352] : memref<128x64xf32, #tpu.memory_space<vmem>> -> memref<1x64xf32, #tpu.memory_space<vmem>>
      %dma_start3A_354 = arith.constant 0 : i32
      %dma_start3A_355 = tpu.memref_slice %arg5[%squeeze3A_347, %dma_start3A_354] : memref<25000x64xf32, #tpu.memory_space<hbm>> -> memref<1x64xf32, #tpu.memory_space<hbm>>
      tpu.enqueue_dma source(%dma_start3A_355 : memref<1x64xf32, #tpu.memory_space<hbm>>) target(%dma_start3A_353 : memref<1x64xf32, #tpu.memory_space<vmem>>) target_semaphore(%arg13 : memref<!tpu.dma_semaphore, #tpu.memory_space<semaphore_mem>>)
      %mul3A_356 = arith.constant 16 : i32
      %mul3A_357 = arith.muli %scan3A_38, %mul3A_356 : i32
      %add3A_358 = arith.constant 13 : i32
      %add3A_359 = arith.addi %mul3A_357, %add3A_358 : i32
      %slice3A_360 = vector.extract_strided_slice %get3A_42 {offsets = [13], sizes = [1], strides = [1]} : vector<16xi32> to vector<1xi32>
      %squeeze3A_361 = vector.extract %slice3A_360[0] : i32 from vector<1xi32>
      %dma_start3A_362 = arith.constant 0 : i32
      %dma_start3A_363 = tpu.memref_slice %arg9[%add3A_359, %dma_start3A_362] : memref<128x64xf32, #tpu.memory_space<vmem>> -> memref<1x64xf32, #tpu.memory_space<vmem>>
      %dma_start3A_364 = arith.constant 0 : i32
      %dma_start3A_365 = tpu.memref_slice %arg4[%squeeze3A_361, %dma_start3A_364] : memref<25000x64xf32, #tpu.memory_space<hbm>> -> memref<1x64xf32, #tpu.memory_space<hbm>>
      %dma_start3A_366 = arith.constant 0 : i32
      %dma_start3A_367 = tpu.memref_slice %arg9[%add3A_359, %dma_start3A_366] : memref<128x64xf32, #tpu.memory_space<vmem>> -> memref<1x64xf32, #tpu.memory_space<vmem>>
      %dma_start3A_368 = arith.constant 0 : i32
      %dma_start3A_369 = tpu.memref_slice %arg4[%squeeze3A_361, %dma_start3A_368] : memref<25000x64xf32, #tpu.memory_space<hbm>> -> memref<1x64xf32, #tpu.memory_space<hbm>>
      tpu.enqueue_dma source(%dma_start3A_369 : memref<1x64xf32, #tpu.memory_space<hbm>>) target(%dma_start3A_367 : memref<1x64xf32, #tpu.memory_space<vmem>>) target_semaphore(%arg12 : memref<!tpu.dma_semaphore, #tpu.memory_space<semaphore_mem>>)
      %slice3A_370 = vector.extract_strided_slice %get3A_46 {offsets = [13], sizes = [1], strides = [1]} : vector<16xi32> to vector<1xi32>
      %squeeze3A_371 = vector.extract %slice3A_370[0] : i32 from vector<1xi32>
      %dma_start3A_372 = arith.constant 0 : i32
      %dma_start3A_373 = tpu.memref_slice %arg10[%add3A_359, %dma_start3A_372] : memref<128x64xf32, #tpu.memory_space<vmem>> -> memref<1x64xf32, #tpu.memory_space<vmem>>
      %dma_start3A_374 = arith.constant 0 : i32
      %dma_start3A_375 = tpu.memref_slice %arg5[%squeeze3A_371, %dma_start3A_374] : memref<25000x64xf32, #tpu.memory_space<hbm>> -> memref<1x64xf32, #tpu.memory_space<hbm>>
      %dma_start3A_376 = arith.constant 0 : i32
      %dma_start3A_377 = tpu.memref_slice %arg10[%add3A_359, %dma_start3A_376] : memref<128x64xf32, #tpu.memory_space<vmem>> -> memref<1x64xf32, #tpu.memory_space<vmem>>
      %dma_start3A_378 = arith.constant 0 : i32
      %dma_start3A_379 = tpu.memref_slice %arg5[%squeeze3A_371, %dma_start3A_378] : memref<25000x64xf32, #tpu.memory_space<hbm>> -> memref<1x64xf32, #tpu.memory_space<hbm>>
      tpu.enqueue_dma source(%dma_start3A_379 : memref<1x64xf32, #tpu.memory_space<hbm>>) target(%dma_start3A_377 : memref<1x64xf32, #tpu.memory_space<vmem>>) target_semaphore(%arg13 : memref<!tpu.dma_semaphore, #tpu.memory_space<semaphore_mem>>)
      %mul3A_380 = arith.constant 16 : i32
      %mul3A_381 = arith.muli %scan3A_38, %mul3A_380 : i32
      %add3A_382 = arith.constant 14 : i32
      %add3A_383 = arith.addi %mul3A_381, %add3A_382 : i32
      %slice3A_384 = vector.extract_strided_slice %get3A_42 {offsets = [14], sizes = [1], strides = [1]} : vector<16xi32> to vector<1xi32>
      %squeeze3A_385 = vector.extract %slice3A_384[0] : i32 from vector<1xi32>
      %dma_start3A_386 = arith.constant 0 : i32
      %dma_start3A_387 = tpu.memref_slice %arg9[%add3A_383, %dma_start3A_386] : memref<128x64xf32, #tpu.memory_space<vmem>> -> memref<1x64xf32, #tpu.memory_space<vmem>>
      %dma_start3A_388 = arith.constant 0 : i32
      %dma_start3A_389 = tpu.memref_slice %arg4[%squeeze3A_385, %dma_start3A_388] : memref<25000x64xf32, #tpu.memory_space<hbm>> -> memref<1x64xf32, #tpu.memory_space<hbm>>
      %dma_start3A_390 = arith.constant 0 : i32
      %dma_start3A_391 = tpu.memref_slice %arg9[%add3A_383, %dma_start3A_390] : memref<128x64xf32, #tpu.memory_space<vmem>> -> memref<1x64xf32, #tpu.memory_space<vmem>>
      %dma_start3A_392 = arith.constant 0 : i32
      %dma_start3A_393 = tpu.memref_slice %arg4[%squeeze3A_385, %dma_start3A_392] : memref<25000x64xf32, #tpu.memory_space<hbm>> -> memref<1x64xf32, #tpu.memory_space<hbm>>
      tpu.enqueue_dma source(%dma_start3A_393 : memref<1x64xf32, #tpu.memory_space<hbm>>) target(%dma_start3A_391 : memref<1x64xf32, #tpu.memory_space<vmem>>) target_semaphore(%arg12 : memref<!tpu.dma_semaphore, #tpu.memory_space<semaphore_mem>>)
      %slice3A_394 = vector.extract_strided_slice %get3A_46 {offsets = [14], sizes = [1], strides = [1]} : vector<16xi32> to vector<1xi32>
      %squeeze3A_395 = vector.extract %slice3A_394[0] : i32 from vector<1xi32>
      %dma_start3A_396 = arith.constant 0 : i32
      %dma_start3A_397 = tpu.memref_slice %arg10[%add3A_383, %dma_start3A_396] : memref<128x64xf32, #tpu.memory_space<vmem>> -> memref<1x64xf32, #tpu.memory_space<vmem>>
      %dma_start3A_398 = arith.constant 0 : i32
      %dma_start3A_399 = tpu.memref_slice %arg5[%squeeze3A_395, %dma_start3A_398] : memref<25000x64xf32, #tpu.memory_space<hbm>> -> memref<1x64xf32, #tpu.memory_space<hbm>>
      %dma_start3A_400 = arith.constant 0 : i32
      %dma_start3A_401 = tpu.memref_slice %arg10[%add3A_383, %dma_start3A_400] : memref<128x64xf32, #tpu.memory_space<vmem>> -> memref<1x64xf32, #tpu.memory_space<vmem>>
      %dma_start3A_402 = arith.constant 0 : i32
      %dma_start3A_403 = tpu.memref_slice %arg5[%squeeze3A_395, %dma_start3A_402] : memref<25000x64xf32, #tpu.memory_space<hbm>> -> memref<1x64xf32, #tpu.memory_space<hbm>>
      tpu.enqueue_dma source(%dma_start3A_403 : memref<1x64xf32, #tpu.memory_space<hbm>>) target(%dma_start3A_401 : memref<1x64xf32, #tpu.memory_space<vmem>>) target_semaphore(%arg13 : memref<!tpu.dma_semaphore, #tpu.memory_space<semaphore_mem>>)
      %mul3A_404 = arith.constant 16 : i32
      %mul3A_405 = arith.muli %scan3A_38, %mul3A_404 : i32
      %add3A_406 = arith.constant 15 : i32
      %add3A_407 = arith.addi %mul3A_405, %add3A_406 : i32
      %slice3A_408 = vector.extract_strided_slice %get3A_42 {offsets = [15], sizes = [1], strides = [1]} : vector<16xi32> to vector<1xi32>
      %squeeze3A_409 = vector.extract %slice3A_408[0] : i32 from vector<1xi32>
      %dma_start3A_410 = arith.constant 0 : i32
      %dma_start3A_411 = tpu.memref_slice %arg9[%add3A_407, %dma_start3A_410] : memref<128x64xf32, #tpu.memory_space<vmem>> -> memref<1x64xf32, #tpu.memory_space<vmem>>
      %dma_start3A_412 = arith.constant 0 : i32
      %dma_start3A_413 = tpu.memref_slice %arg4[%squeeze3A_409, %dma_start3A_412] : memref<25000x64xf32, #tpu.memory_space<hbm>> -> memref<1x64xf32, #tpu.memory_space<hbm>>
      %dma_start3A_414 = arith.constant 0 : i32
      %dma_start3A_415 = tpu.memref_slice %arg9[%add3A_407, %dma_start3A_414] : memref<128x64xf32, #tpu.memory_space<vmem>> -> memref<1x64xf32, #tpu.memory_space<vmem>>
      %dma_start3A_416 = arith.constant 0 : i32
      %dma_start3A_417 = tpu.memref_slice %arg4[%squeeze3A_409, %dma_start3A_416] : memref<25000x64xf32, #tpu.memory_space<hbm>> -> memref<1x64xf32, #tpu.memory_space<hbm>>
      tpu.enqueue_dma source(%dma_start3A_417 : memref<1x64xf32, #tpu.memory_space<hbm>>) target(%dma_start3A_415 : memref<1x64xf32, #tpu.memory_space<vmem>>) target_semaphore(%arg12 : memref<!tpu.dma_semaphore, #tpu.memory_space<semaphore_mem>>)
      %slice3A_418 = vector.extract_strided_slice %get3A_46 {offsets = [15], sizes = [1], strides = [1]} : vector<16xi32> to vector<1xi32>
      %squeeze3A_419 = vector.extract %slice3A_418[0] : i32 from vector<1xi32>
      %dma_start3A_420 = arith.constant 0 : i32
      %dma_start3A_421 = tpu.memref_slice %arg10[%add3A_407, %dma_start3A_420] : memref<128x64xf32, #tpu.memory_space<vmem>> -> memref<1x64xf32, #tpu.memory_space<vmem>>
      %dma_start3A_422 = arith.constant 0 : i32
      %dma_start3A_423 = tpu.memref_slice %arg5[%squeeze3A_419, %dma_start3A_422] : memref<25000x64xf32, #tpu.memory_space<hbm>> -> memref<1x64xf32, #tpu.memory_space<hbm>>
      %dma_start3A_424 = arith.constant 0 : i32
      %dma_start3A_425 = tpu.memref_slice %arg10[%add3A_407, %dma_start3A_424] : memref<128x64xf32, #tpu.memory_space<vmem>> -> memref<1x64xf32, #tpu.memory_space<vmem>>
      %dma_start3A_426 = arith.constant 0 : i32
      %dma_start3A_427 = tpu.memref_slice %arg5[%squeeze3A_419, %dma_start3A_426] : memref<25000x64xf32, #tpu.memory_space<hbm>> -> memref<1x64xf32, #tpu.memory_space<hbm>>
      tpu.enqueue_dma source(%dma_start3A_427 : memref<1x64xf32, #tpu.memory_space<hbm>>) target(%dma_start3A_425 : memref<1x64xf32, #tpu.memory_space<vmem>>) target_semaphore(%arg13 : memref<!tpu.dma_semaphore, #tpu.memory_space<semaphore_mem>>)
      %scan3A_428 = arith.constant 0 : i32
      scf.yield %scan3A_428 : i32
    }
    %scan3A_8 = arith.constant 8 : i32
    %dma_wait3A = arith.constant 0 : i32
    %dma_wait3A_9 = arith.constant 0 : i32
    %dma_wait3A_10 = tpu.memref_slice %arg4[%dma_wait3A, %dma_wait3A_9] : memref<25000x64xf32, #tpu.memory_space<hbm>> -> memref<128x64xf32, #tpu.memory_space<hbm>>
    %dma_wait3A_11 = arith.constant 0 : i32
    %dma_wait3A_12 = arith.constant 0 : i32
    %dma_wait3A_13 = tpu.memref_slice %arg4[%dma_wait3A_11, %dma_wait3A_12] : memref<25000x64xf32, #tpu.memory_space<hbm>> -> memref<128x64xf32, #tpu.memory_space<hbm>>
    tpu.wait_dma2 semaphore(%arg12 : memref<!tpu.dma_semaphore, #tpu.memory_space<semaphore_mem>>) src(%dma_wait3A_13 : memref<128x64xf32, #tpu.memory_space<hbm>>) dst(%arg9 : memref<128x64xf32, #tpu.memory_space<vmem>>)
    %dma_wait3A_14 = arith.constant 0 : i32
    %dma_wait3A_15 = arith.constant 0 : i32
    %dma_wait3A_16 = tpu.memref_slice %arg5[%dma_wait3A_14, %dma_wait3A_15] : memref<25000x64xf32, #tpu.memory_space<hbm>> -> memref<128x64xf32, #tpu.memory_space<hbm>>
    %dma_wait3A_17 = arith.constant 0 : i32
    %dma_wait3A_18 = arith.constant 0 : i32
    %dma_wait3A_19 = tpu.memref_slice %arg5[%dma_wait3A_17, %dma_wait3A_18] : memref<25000x64xf32, #tpu.memory_space<hbm>> -> memref<128x64xf32, #tpu.memory_space<hbm>>
    tpu.wait_dma2 semaphore(%arg13 : memref<!tpu.dma_semaphore, #tpu.memory_space<semaphore_mem>>) src(%dma_wait3A_19 : memref<128x64xf32, #tpu.memory_space<hbm>>) dst(%arg10 : memref<128x64xf32, #tpu.memory_space<vmem>>)
    %iota3A = tpu.iota {dimensions = array<i32: 0>} : vector<16xi32>
    %xor3A = arith.constant 1 : i32
    %xor3A_20 = vector.broadcast %xor3A : i32 to vector<16xi32>
    %xor3A_21 = arith.xori %iota3A, %xor3A_20 : vector<16xi32>
    %xor3A_22 = arith.constant 2 : i32
    %xor3A_23 = vector.broadcast %xor3A_22 : i32 to vector<16xi32>
    %xor3A_24 = arith.xori %iota3A, %xor3A_23 : vector<16xi32>
    %xor3A_25 = arith.constant 4 : i32
    %xor3A_26 = vector.broadcast %xor3A_25 : i32 to vector<16xi32>
    %xor3A_27 = arith.xori %iota3A, %xor3A_26 : vector<16xi32>
    %xor3A_28 = arith.constant 8 : i32
    %xor3A_29 = vector.broadcast %xor3A_28 : i32 to vector<16xi32>
    %xor3A_30 = arith.xori %iota3A, %xor3A_29 : vector<16xi32>
    %scan3A_31 = arith.constant 0 : i32
    %scan3A_32 = arith.constant 0 : i32
    %scan3A_33 = arith.constant 8 : i32
    %scan3A_34 = arith.addi %scan3A_32, %scan3A_33 : i32
    %scan3A_35 = arith.constant 1 : i32
    %scan3A_36 = scf.for %scan3A_38 = %scan3A_32 to %scan3A_34 step %scan3A_35 iter_args(%scan3A_39 = %scan3A_31) -> (i32)  : i32 {
      %broadcast_in_dim3A = arith.constant 0.000000e+00 : f32
      %broadcast_in_dim3A_40 = vector.broadcast %broadcast_in_dim3A : f32 to vector<16xf32>
      %mul3A_41 = arith.constant 16 : i32
      %mul3A_42 = arith.muli %scan3A_38, %mul3A_41 : i32
      %add3A_43 = arith.constant 0 : i32
      %add3A_44 = arith.addi %mul3A_42, %add3A_43 : i32
      %get3A = arith.index_cast %add3A_44 : i32 to index
      %get3A_45 = arith.constant 0 : index
      %get3A_46 = tpu.vector_load %arg9[%get3A, %get3A_45] {strides = array<i32>} : memref<128x64xf32, #tpu.memory_space<vmem>>, vector<16xf32>,
      %get3A_47 = arith.index_cast %add3A_44 : i32 to index
      %get3A_48 = arith.constant 0 : index
      %get3A_49 = tpu.vector_load %arg10[%get3A_47, %get3A_48] {strides = array<i32>} : memref<128x64xf32, #tpu.memory_space<vmem>>, vector<16xf32>,
      %mul3A_50 = arith.mulf %get3A_46, %get3A_49 : vector<16xf32>
      %get3A_51 = arith.index_cast %add3A_44 : i32 to index
      %get3A_52 = arith.constant 16 : index
      %get3A_53 = tpu.vector_load %arg9[%get3A_51, %get3A_52] {strides = array<i32>} : memref<128x64xf32, #tpu.memory_space<vmem>>, vector<16xf32>,
      %get3A_54 = arith.index_cast %add3A_44 : i32 to index
      %get3A_55 = arith.constant 16 : index
      %get3A_56 = tpu.vector_load %arg10[%get3A_54, %get3A_55] {strides = array<i32>} : memref<128x64xf32, #tpu.memory_space<vmem>>, vector<16xf32>,
      %mul3A_57 = arith.mulf %get3A_53, %get3A_56 : vector<16xf32>
      %add3A_58 = arith.addf %mul3A_50, %mul3A_57 : vector<16xf32>
      %get3A_59 = arith.index_cast %add3A_44 : i32 to index
      %get3A_60 = arith.constant 32 : index
      %get3A_61 = tpu.vector_load %arg9[%get3A_59, %get3A_60] {strides = array<i32>} : memref<128x64xf32, #tpu.memory_space<vmem>>, vector<16xf32>,
      %get3A_62 = arith.index_cast %add3A_44 : i32 to index
      %get3A_63 = arith.constant 32 : index
      %get3A_64 = tpu.vector_load %arg10[%get3A_62, %get3A_63] {strides = array<i32>} : memref<128x64xf32, #tpu.memory_space<vmem>>, vector<16xf32>,
      %mul3A_65 = arith.mulf %get3A_61, %get3A_64 : vector<16xf32>
      %add3A_66 = arith.addf %add3A_58, %mul3A_65 : vector<16xf32>
      %get3A_67 = arith.index_cast %add3A_44 : i32 to index
      %get3A_68 = arith.constant 48 : index
      %get3A_69 = tpu.vector_load %arg9[%get3A_67, %get3A_68] {strides = array<i32>} : memref<128x64xf32, #tpu.memory_space<vmem>>, vector<16xf32>,
      %get3A_70 = arith.index_cast %add3A_44 : i32 to index
      %get3A_71 = arith.constant 48 : index
      %get3A_72 = tpu.vector_load %arg10[%get3A_70, %get3A_71] {strides = array<i32>} : memref<128x64xf32, #tpu.memory_space<vmem>>, vector<16xf32>,
      %mul3A_73 = arith.mulf %get3A_69, %get3A_72 : vector<16xf32>
      %add3A_74 = arith.addf %add3A_66, %mul3A_73 : vector<16xf32>
      %lt3A = arith.constant 0 : i32
      %lt3A_75 = vector.broadcast %lt3A : i32 to vector<16xi32>
      %lt3A_76 = arith.cmpi slt, %xor3A_21, %lt3A_75 : vector<16xi32>
      %add3A_77 = arith.constant 16 : i32
      %add3A_78 = vector.broadcast %add3A_77 : i32 to vector<16xi32>
      %add3A_79 = arith.addi %xor3A_21, %add3A_78 : vector<16xi32>
      %select_n3A = arith.select %lt3A_76, %add3A_79, %xor3A_21 : vector<16xi1>, vector<16xi32>
      %broadcast_in_dim3A_80 = vector.shape_cast %select_n3A : vector<16xi32> to vector<16x1xi32>
      %gather3A = vector.shape_cast %broadcast_in_dim3A_80 : vector<16x1xi32> to vector<16xi32>
      %gather3A_81 = tpu.dynamic_gather %add3A_74[%gather3A] in [0] : vector<16xf32>, vector<16xi32> -> vector<16xf32>
      %add3A_82 = arith.addf %add3A_74, %gather3A_81 : vector<16xf32>
      %lt3A_83 = arith.constant 0 : i32
      %lt3A_84 = vector.broadcast %lt3A_83 : i32 to vector<16xi32>
      %lt3A_85 = arith.cmpi slt, %xor3A_24, %lt3A_84 : vector<16xi32>
      %add3A_86 = arith.constant 16 : i32
      %add3A_87 = vector.broadcast %add3A_86 : i32 to vector<16xi32>
      %add3A_88 = arith.addi %xor3A_24, %add3A_87 : vector<16xi32>
      %select_n3A_89 = arith.select %lt3A_85, %add3A_88, %xor3A_24 : vector<16xi1>, vector<16xi32>
      %broadcast_in_dim3A_90 = vector.shape_cast %select_n3A_89 : vector<16xi32> to vector<16x1xi32>
      %gather3A_91 = vector.shape_cast %broadcast_in_dim3A_90 : vector<16x1xi32> to vector<16xi32>
      %gather3A_92 = tpu.dynamic_gather %add3A_82[%gather3A_91] in [0] : vector<16xf32>, vector<16xi32> -> vector<16xf32>
      %add3A_93 = arith.addf %add3A_82, %gather3A_92 : vector<16xf32>
      %lt3A_94 = arith.constant 0 : i32
      %lt3A_95 = vector.broadcast %lt3A_94 : i32 to vector<16xi32>
      %lt3A_96 = arith.cmpi slt, %xor3A_27, %lt3A_95 : vector<16xi32>
      %add3A_97 = arith.constant 16 : i32
      %add3A_98 = vector.broadcast %add3A_97 : i32 to vector<16xi32>
      %add3A_99 = arith.addi %xor3A_27, %add3A_98 : vector<16xi32>
      %select_n3A_100 = arith.select %lt3A_96, %add3A_99, %xor3A_27 : vector<16xi1>, vector<16xi32>
      %broadcast_in_dim3A_101 = vector.shape_cast %select_n3A_100 : vector<16xi32> to vector<16x1xi32>
      %gather3A_102 = vector.shape_cast %broadcast_in_dim3A_101 : vector<16x1xi32> to vector<16xi32>
      %gather3A_103 = tpu.dynamic_gather %add3A_93[%gather3A_102] in [0] : vector<16xf32>, vector<16xi32> -> vector<16xf32>
      %add3A_104 = arith.addf %add3A_93, %gather3A_103 : vector<16xf32>
      %lt3A_105 = arith.constant 0 : i32
      %lt3A_106 = vector.broadcast %lt3A_105 : i32 to vector<16xi32>
      %lt3A_107 = arith.cmpi slt, %xor3A_30, %lt3A_106 : vector<16xi32>
      %add3A_108 = arith.constant 16 : i32
      %add3A_109 = vector.broadcast %add3A_108 : i32 to vector<16xi32>
      %add3A_110 = arith.addi %xor3A_30, %add3A_109 : vector<16xi32>
      %select_n3A_111 = arith.select %lt3A_107, %add3A_110, %xor3A_30 : vector<16xi1>, vector<16xi32>
      %broadcast_in_dim3A_112 = vector.shape_cast %select_n3A_111 : vector<16xi32> to vector<16x1xi32>
      %gather3A_113 = vector.shape_cast %broadcast_in_dim3A_112 : vector<16x1xi32> to vector<16xi32>
      %gather3A_114 = tpu.dynamic_gather %add3A_104[%gather3A_113] in [0] : vector<16xf32>, vector<16xi32> -> vector<16xf32>
      %add3A_115 = arith.addf %add3A_104, %gather3A_114 : vector<16xf32>
      %eq3A = arith.constant 0 : i32
      %eq3A_116 = vector.broadcast %eq3A : i32 to vector<16xi32>
      %eq3A_117 = arith.cmpi eq, %iota3A, %eq3A_116 : vector<16xi32>
      %select_n3A_118 = arith.select %eq3A_117, %add3A_115, %broadcast_in_dim3A_40 : vector<16xi1>, vector<16xf32>
      %mul3A_119 = arith.constant 16 : i32
      %mul3A_120 = arith.muli %scan3A_38, %mul3A_119 : i32
      %add3A_121 = arith.constant 1 : i32
      %add3A_122 = arith.addi %mul3A_120, %add3A_121 : i32
      %get3A_123 = arith.index_cast %add3A_122 : i32 to index
      %get3A_124 = arith.constant 0 : index
      %get3A_125 = tpu.vector_load %arg9[%get3A_123, %get3A_124] {strides = array<i32>} : memref<128x64xf32, #tpu.memory_space<vmem>>, vector<16xf32>,
      %get3A_126 = arith.index_cast %add3A_122 : i32 to index
      %get3A_127 = arith.constant 0 : index
      %get3A_128 = tpu.vector_load %arg10[%get3A_126, %get3A_127] {strides = array<i32>} : memref<128x64xf32, #tpu.memory_space<vmem>>, vector<16xf32>,
      %mul3A_129 = arith.mulf %get3A_125, %get3A_128 : vector<16xf32>
      %get3A_130 = arith.index_cast %add3A_122 : i32 to index
      %get3A_131 = arith.constant 16 : index
      %get3A_132 = tpu.vector_load %arg9[%get3A_130, %get3A_131] {strides = array<i32>} : memref<128x64xf32, #tpu.memory_space<vmem>>, vector<16xf32>,
      %get3A_133 = arith.index_cast %add3A_122 : i32 to index
      %get3A_134 = arith.constant 16 : index
      %get3A_135 = tpu.vector_load %arg10[%get3A_133, %get3A_134] {strides = array<i32>} : memref<128x64xf32, #tpu.memory_space<vmem>>, vector<16xf32>,
      %mul3A_136 = arith.mulf %get3A_132, %get3A_135 : vector<16xf32>
      %add3A_137 = arith.addf %mul3A_129, %mul3A_136 : vector<16xf32>
      %get3A_138 = arith.index_cast %add3A_122 : i32 to index
      %get3A_139 = arith.constant 32 : index
      %get3A_140 = tpu.vector_load %arg9[%get3A_138, %get3A_139] {strides = array<i32>} : memref<128x64xf32, #tpu.memory_space<vmem>>, vector<16xf32>,
      %get3A_141 = arith.index_cast %add3A_122 : i32 to index
      %get3A_142 = arith.constant 32 : index
      %get3A_143 = tpu.vector_load %arg10[%get3A_141, %get3A_142] {strides = array<i32>} : memref<128x64xf32, #tpu.memory_space<vmem>>, vector<16xf32>,
      %mul3A_144 = arith.mulf %get3A_140, %get3A_143 : vector<16xf32>
      %add3A_145 = arith.addf %add3A_137, %mul3A_144 : vector<16xf32>
      %get3A_146 = arith.index_cast %add3A_122 : i32 to index
      %get3A_147 = arith.constant 48 : index
      %get3A_148 = tpu.vector_load %arg9[%get3A_146, %get3A_147] {strides = array<i32>} : memref<128x64xf32, #tpu.memory_space<vmem>>, vector<16xf32>,
      %get3A_149 = arith.index_cast %add3A_122 : i32 to index
      %get3A_150 = arith.constant 48 : index
      %get3A_151 = tpu.vector_load %arg10[%get3A_149, %get3A_150] {strides = array<i32>} : memref<128x64xf32, #tpu.memory_space<vmem>>, vector<16xf32>,
      %mul3A_152 = arith.mulf %get3A_148, %get3A_151 : vector<16xf32>
      %add3A_153 = arith.addf %add3A_145, %mul3A_152 : vector<16xf32>
      %lt3A_154 = arith.constant 0 : i32
      %lt3A_155 = vector.broadcast %lt3A_154 : i32 to vector<16xi32>
      %lt3A_156 = arith.cmpi slt, %xor3A_21, %lt3A_155 : vector<16xi32>
      %add3A_157 = arith.constant 16 : i32
      %add3A_158 = vector.broadcast %add3A_157 : i32 to vector<16xi32>
      %add3A_159 = arith.addi %xor3A_21, %add3A_158 : vector<16xi32>
      %select_n3A_160 = arith.select %lt3A_156, %add3A_159, %xor3A_21 : vector<16xi1>, vector<16xi32>
      %broadcast_in_dim3A_161 = vector.shape_cast %select_n3A_160 : vector<16xi32> to vector<16x1xi32>
      %gather3A_162 = vector.shape_cast %broadcast_in_dim3A_161 : vector<16x1xi32> to vector<16xi32>
      %gather3A_163 = tpu.dynamic_gather %add3A_153[%gather3A_162] in [0] : vector<16xf32>, vector<16xi32> -> vector<16xf32>
      %add3A_164 = arith.addf %add3A_153, %gather3A_163 : vector<16xf32>
      %lt3A_165 = arith.constant 0 : i32
      %lt3A_166 = vector.broadcast %lt3A_165 : i32 to vector<16xi32>
      %lt3A_167 = arith.cmpi slt, %xor3A_24, %lt3A_166 : vector<16xi32>
      %add3A_168 = arith.constant 16 : i32
      %add3A_169 = vector.broadcast %add3A_168 : i32 to vector<16xi32>
      %add3A_170 = arith.addi %xor3A_24, %add3A_169 : vector<16xi32>
      %select_n3A_171 = arith.select %lt3A_167, %add3A_170, %xor3A_24 : vector<16xi1>, vector<16xi32>
      %broadcast_in_dim3A_172 = vector.shape_cast %select_n3A_171 : vector<16xi32> to vector<16x1xi32>
      %gather3A_173 = vector.shape_cast %broadcast_in_dim3A_172 : vector<16x1xi32> to vector<16xi32>
      %gather3A_174 = tpu.dynamic_gather %add3A_164[%gather3A_173] in [0] : vector<16xf32>, vector<16xi32> -> vector<16xf32>
      %add3A_175 = arith.addf %add3A_164, %gather3A_174 : vector<16xf32>
      %lt3A_176 = arith.constant 0 : i32
      %lt3A_177 = vector.broadcast %lt3A_176 : i32 to vector<16xi32>
      %lt3A_178 = arith.cmpi slt, %xor3A_27, %lt3A_177 : vector<16xi32>
      %add3A_179 = arith.constant 16 : i32
      %add3A_180 = vector.broadcast %add3A_179 : i32 to vector<16xi32>
      %add3A_181 = arith.addi %xor3A_27, %add3A_180 : vector<16xi32>
      %select_n3A_182 = arith.select %lt3A_178, %add3A_181, %xor3A_27 : vector<16xi1>, vector<16xi32>
      %broadcast_in_dim3A_183 = vector.shape_cast %select_n3A_182 : vector<16xi32> to vector<16x1xi32>
      %gather3A_184 = vector.shape_cast %broadcast_in_dim3A_183 : vector<16x1xi32> to vector<16xi32>
      %gather3A_185 = tpu.dynamic_gather %add3A_175[%gather3A_184] in [0] : vector<16xf32>, vector<16xi32> -> vector<16xf32>
      %add3A_186 = arith.addf %add3A_175, %gather3A_185 : vector<16xf32>
      %lt3A_187 = arith.constant 0 : i32
      %lt3A_188 = vector.broadcast %lt3A_187 : i32 to vector<16xi32>
      %lt3A_189 = arith.cmpi slt, %xor3A_30, %lt3A_188 : vector<16xi32>
      %add3A_190 = arith.constant 16 : i32
      %add3A_191 = vector.broadcast %add3A_190 : i32 to vector<16xi32>
      %add3A_192 = arith.addi %xor3A_30, %add3A_191 : vector<16xi32>
      %select_n3A_193 = arith.select %lt3A_189, %add3A_192, %xor3A_30 : vector<16xi1>, vector<16xi32>
      %broadcast_in_dim3A_194 = vector.shape_cast %select_n3A_193 : vector<16xi32> to vector<16x1xi32>
      %gather3A_195 = vector.shape_cast %broadcast_in_dim3A_194 : vector<16x1xi32> to vector<16xi32>
      %gather3A_196 = tpu.dynamic_gather %add3A_186[%gather3A_195] in [0] : vector<16xf32>, vector<16xi32> -> vector<16xf32>
      %add3A_197 = arith.addf %add3A_186, %gather3A_196 : vector<16xf32>
      %eq3A_198 = arith.constant 1 : i32
      %eq3A_199 = vector.broadcast %eq3A_198 : i32 to vector<16xi32>
      %eq3A_200 = arith.cmpi eq, %iota3A, %eq3A_199 : vector<16xi32>
      %select_n3A_201 = arith.select %eq3A_200, %add3A_197, %select_n3A_118 : vector<16xi1>, vector<16xf32>
      %mul3A_202 = arith.constant 16 : i32
      %mul3A_203 = arith.muli %scan3A_38, %mul3A_202 : i32
      %add3A_204 = arith.constant 2 : i32
      %add3A_205 = arith.addi %mul3A_203, %add3A_204 : i32
      %get3A_206 = arith.index_cast %add3A_205 : i32 to index
      %get3A_207 = arith.constant 0 : index
      %get3A_208 = tpu.vector_load %arg9[%get3A_206, %get3A_207] {strides = array<i32>} : memref<128x64xf32, #tpu.memory_space<vmem>>, vector<16xf32>,
      %get3A_209 = arith.index_cast %add3A_205 : i32 to index
      %get3A_210 = arith.constant 0 : index
      %get3A_211 = tpu.vector_load %arg10[%get3A_209, %get3A_210] {strides = array<i32>} : memref<128x64xf32, #tpu.memory_space<vmem>>, vector<16xf32>,
      %mul3A_212 = arith.mulf %get3A_208, %get3A_211 : vector<16xf32>
      %get3A_213 = arith.index_cast %add3A_205 : i32 to index
      %get3A_214 = arith.constant 16 : index
      %get3A_215 = tpu.vector_load %arg9[%get3A_213, %get3A_214] {strides = array<i32>} : memref<128x64xf32, #tpu.memory_space<vmem>>, vector<16xf32>,
      %get3A_216 = arith.index_cast %add3A_205 : i32 to index
      %get3A_217 = arith.constant 16 : index
      %get3A_218 = tpu.vector_load %arg10[%get3A_216, %get3A_217] {strides = array<i32>} : memref<128x64xf32, #tpu.memory_space<vmem>>, vector<16xf32>,
      %mul3A_219 = arith.mulf %get3A_215, %get3A_218 : vector<16xf32>
      %add3A_220 = arith.addf %mul3A_212, %mul3A_219 : vector<16xf32>
      %get3A_221 = arith.index_cast %add3A_205 : i32 to index
      %get3A_222 = arith.constant 32 : index
      %get3A_223 = tpu.vector_load %arg9[%get3A_221, %get3A_222] {strides = array<i32>} : memref<128x64xf32, #tpu.memory_space<vmem>>, vector<16xf32>,
      %get3A_224 = arith.index_cast %add3A_205 : i32 to index
      %get3A_225 = arith.constant 32 : index
      %get3A_226 = tpu.vector_load %arg10[%get3A_224, %get3A_225] {strides = array<i32>} : memref<128x64xf32, #tpu.memory_space<vmem>>, vector<16xf32>,
      %mul3A_227 = arith.mulf %get3A_223, %get3A_226 : vector<16xf32>
      %add3A_228 = arith.addf %add3A_220, %mul3A_227 : vector<16xf32>
      %get3A_229 = arith.index_cast %add3A_205 : i32 to index
      %get3A_230 = arith.constant 48 : index
      %get3A_231 = tpu.vector_load %arg9[%get3A_229, %get3A_230] {strides = array<i32>} : memref<128x64xf32, #tpu.memory_space<vmem>>, vector<16xf32>,
      %get3A_232 = arith.index_cast %add3A_205 : i32 to index
      %get3A_233 = arith.constant 48 : index
      %get3A_234 = tpu.vector_load %arg10[%get3A_232, %get3A_233] {strides = array<i32>} : memref<128x64xf32, #tpu.memory_space<vmem>>, vector<16xf32>,
      %mul3A_235 = arith.mulf %get3A_231, %get3A_234 : vector<16xf32>
      %add3A_236 = arith.addf %add3A_228, %mul3A_235 : vector<16xf32>
      %lt3A_237 = arith.constant 0 : i32
      %lt3A_238 = vector.broadcast %lt3A_237 : i32 to vector<16xi32>
      %lt3A_239 = arith.cmpi slt, %xor3A_21, %lt3A_238 : vector<16xi32>
      %add3A_240 = arith.constant 16 : i32
      %add3A_241 = vector.broadcast %add3A_240 : i32 to vector<16xi32>
      %add3A_242 = arith.addi %xor3A_21, %add3A_241 : vector<16xi32>
      %select_n3A_243 = arith.select %lt3A_239, %add3A_242, %xor3A_21 : vector<16xi1>, vector<16xi32>
      %broadcast_in_dim3A_244 = vector.shape_cast %select_n3A_243 : vector<16xi32> to vector<16x1xi32>
      %gather3A_245 = vector.shape_cast %broadcast_in_dim3A_244 : vector<16x1xi32> to vector<16xi32>
      %gather3A_246 = tpu.dynamic_gather %add3A_236[%gather3A_245] in [0] : vector<16xf32>, vector<16xi32> -> vector<16xf32>
      %add3A_247 = arith.addf %add3A_236, %gather3A_246 : vector<16xf32>
      %lt3A_248 = arith.constant 0 : i32
      %lt3A_249 = vector.broadcast %lt3A_248 : i32 to vector<16xi32>
      %lt3A_250 = arith.cmpi slt, %xor3A_24, %lt3A_249 : vector<16xi32>
      %add3A_251 = arith.constant 16 : i32
      %add3A_252 = vector.broadcast %add3A_251 : i32 to vector<16xi32>
      %add3A_253 = arith.addi %xor3A_24, %add3A_252 : vector<16xi32>
      %select_n3A_254 = arith.select %lt3A_250, %add3A_253, %xor3A_24 : vector<16xi1>, vector<16xi32>
      %broadcast_in_dim3A_255 = vector.shape_cast %select_n3A_254 : vector<16xi32> to vector<16x1xi32>
      %gather3A_256 = vector.shape_cast %broadcast_in_dim3A_255 : vector<16x1xi32> to vector<16xi32>
      %gather3A_257 = tpu.dynamic_gather %add3A_247[%gather3A_256] in [0] : vector<16xf32>, vector<16xi32> -> vector<16xf32>
      %add3A_258 = arith.addf %add3A_247, %gather3A_257 : vector<16xf32>
      %lt3A_259 = arith.constant 0 : i32
      %lt3A_260 = vector.broadcast %lt3A_259 : i32 to vector<16xi32>
      %lt3A_261 = arith.cmpi slt, %xor3A_27, %lt3A_260 : vector<16xi32>
      %add3A_262 = arith.constant 16 : i32
      %add3A_263 = vector.broadcast %add3A_262 : i32 to vector<16xi32>
      %add3A_264 = arith.addi %xor3A_27, %add3A_263 : vector<16xi32>
      %select_n3A_265 = arith.select %lt3A_261, %add3A_264, %xor3A_27 : vector<16xi1>, vector<16xi32>
      %broadcast_in_dim3A_266 = vector.shape_cast %select_n3A_265 : vector<16xi32> to vector<16x1xi32>
      %gather3A_267 = vector.shape_cast %broadcast_in_dim3A_266 : vector<16x1xi32> to vector<16xi32>
      %gather3A_268 = tpu.dynamic_gather %add3A_258[%gather3A_267] in [0] : vector<16xf32>, vector<16xi32> -> vector<16xf32>
      %add3A_269 = arith.addf %add3A_258, %gather3A_268 : vector<16xf32>
      %lt3A_270 = arith.constant 0 : i32
      %lt3A_271 = vector.broadcast %lt3A_270 : i32 to vector<16xi32>
      %lt3A_272 = arith.cmpi slt, %xor3A_30, %lt3A_271 : vector<16xi32>
      %add3A_273 = arith.constant 16 : i32
      %add3A_274 = vector.broadcast %add3A_273 : i32 to vector<16xi32>
      %add3A_275 = arith.addi %xor3A_30, %add3A_274 : vector<16xi32>
      %select_n3A_276 = arith.select %lt3A_272, %add3A_275, %xor3A_30 : vector<16xi1>, vector<16xi32>
      %broadcast_in_dim3A_277 = vector.shape_cast %select_n3A_276 : vector<16xi32> to vector<16x1xi32>
      %gather3A_278 = vector.shape_cast %broadcast_in_dim3A_277 : vector<16x1xi32> to vector<16xi32>
      %gather3A_279 = tpu.dynamic_gather %add3A_269[%gather3A_278] in [0] : vector<16xf32>, vector<16xi32> -> vector<16xf32>
      %add3A_280 = arith.addf %add3A_269, %gather3A_279 : vector<16xf32>
      %eq3A_281 = arith.constant 2 : i32
      %eq3A_282 = vector.broadcast %eq3A_281 : i32 to vector<16xi32>
      %eq3A_283 = arith.cmpi eq, %iota3A, %eq3A_282 : vector<16xi32>
      %select_n3A_284 = arith.select %eq3A_283, %add3A_280, %select_n3A_201 : vector<16xi1>, vector<16xf32>
      %mul3A_285 = arith.constant 16 : i32
      %mul3A_286 = arith.muli %scan3A_38, %mul3A_285 : i32
      %add3A_287 = arith.constant 3 : i32
      %add3A_288 = arith.addi %mul3A_286, %add3A_287 : i32
      %get3A_289 = arith.index_cast %add3A_288 : i32 to index
      %get3A_290 = arith.constant 0 : index
      %get3A_291 = tpu.vector_load %arg9[%get3A_289, %get3A_290] {strides = array<i32>} : memref<128x64xf32, #tpu.memory_space<vmem>>, vector<16xf32>,
      %get3A_292 = arith.index_cast %add3A_288 : i32 to index
      %get3A_293 = arith.constant 0 : index
      %get3A_294 = tpu.vector_load %arg10[%get3A_292, %get3A_293] {strides = array<i32>} : memref<128x64xf32, #tpu.memory_space<vmem>>, vector<16xf32>,
      %mul3A_295 = arith.mulf %get3A_291, %get3A_294 : vector<16xf32>
      %get3A_296 = arith.index_cast %add3A_288 : i32 to index
      %get3A_297 = arith.constant 16 : index
      %get3A_298 = tpu.vector_load %arg9[%get3A_296, %get3A_297] {strides = array<i32>} : memref<128x64xf32, #tpu.memory_space<vmem>>, vector<16xf32>,
      %get3A_299 = arith.index_cast %add3A_288 : i32 to index
      %get3A_300 = arith.constant 16 : index
      %get3A_301 = tpu.vector_load %arg10[%get3A_299, %get3A_300] {strides = array<i32>} : memref<128x64xf32, #tpu.memory_space<vmem>>, vector<16xf32>,
      %mul3A_302 = arith.mulf %get3A_298, %get3A_301 : vector<16xf32>
      %add3A_303 = arith.addf %mul3A_295, %mul3A_302 : vector<16xf32>
      %get3A_304 = arith.index_cast %add3A_288 : i32 to index
      %get3A_305 = arith.constant 32 : index
      %get3A_306 = tpu.vector_load %arg9[%get3A_304, %get3A_305] {strides = array<i32>} : memref<128x64xf32, #tpu.memory_space<vmem>>, vector<16xf32>,
      %get3A_307 = arith.index_cast %add3A_288 : i32 to index
      %get3A_308 = arith.constant 32 : index
      %get3A_309 = tpu.vector_load %arg10[%get3A_307, %get3A_308] {strides = array<i32>} : memref<128x64xf32, #tpu.memory_space<vmem>>, vector<16xf32>,
      %mul3A_310 = arith.mulf %get3A_306, %get3A_309 : vector<16xf32>
      %add3A_311 = arith.addf %add3A_303, %mul3A_310 : vector<16xf32>
      %get3A_312 = arith.index_cast %add3A_288 : i32 to index
      %get3A_313 = arith.constant 48 : index
      %get3A_314 = tpu.vector_load %arg9[%get3A_312, %get3A_313] {strides = array<i32>} : memref<128x64xf32, #tpu.memory_space<vmem>>, vector<16xf32>,
      %get3A_315 = arith.index_cast %add3A_288 : i32 to index
      %get3A_316 = arith.constant 48 : index
      %get3A_317 = tpu.vector_load %arg10[%get3A_315, %get3A_316] {strides = array<i32>} : memref<128x64xf32, #tpu.memory_space<vmem>>, vector<16xf32>,
      %mul3A_318 = arith.mulf %get3A_314, %get3A_317 : vector<16xf32>
      %add3A_319 = arith.addf %add3A_311, %mul3A_318 : vector<16xf32>
      %lt3A_320 = arith.constant 0 : i32
      %lt3A_321 = vector.broadcast %lt3A_320 : i32 to vector<16xi32>
      %lt3A_322 = arith.cmpi slt, %xor3A_21, %lt3A_321 : vector<16xi32>
      %add3A_323 = arith.constant 16 : i32
      %add3A_324 = vector.broadcast %add3A_323 : i32 to vector<16xi32>
      %add3A_325 = arith.addi %xor3A_21, %add3A_324 : vector<16xi32>
      %select_n3A_326 = arith.select %lt3A_322, %add3A_325, %xor3A_21 : vector<16xi1>, vector<16xi32>
      %broadcast_in_dim3A_327 = vector.shape_cast %select_n3A_326 : vector<16xi32> to vector<16x1xi32>
      %gather3A_328 = vector.shape_cast %broadcast_in_dim3A_327 : vector<16x1xi32> to vector<16xi32>
      %gather3A_329 = tpu.dynamic_gather %add3A_319[%gather3A_328] in [0] : vector<16xf32>, vector<16xi32> -> vector<16xf32>
      %add3A_330 = arith.addf %add3A_319, %gather3A_329 : vector<16xf32>
      %lt3A_331 = arith.constant 0 : i32
      %lt3A_332 = vector.broadcast %lt3A_331 : i32 to vector<16xi32>
      %lt3A_333 = arith.cmpi slt, %xor3A_24, %lt3A_332 : vector<16xi32>
      %add3A_334 = arith.constant 16 : i32
      %add3A_335 = vector.broadcast %add3A_334 : i32 to vector<16xi32>
      %add3A_336 = arith.addi %xor3A_24, %add3A_335 : vector<16xi32>
      %select_n3A_337 = arith.select %lt3A_333, %add3A_336, %xor3A_24 : vector<16xi1>, vector<16xi32>
      %broadcast_in_dim3A_338 = vector.shape_cast %select_n3A_337 : vector<16xi32> to vector<16x1xi32>
      %gather3A_339 = vector.shape_cast %broadcast_in_dim3A_338 : vector<16x1xi32> to vector<16xi32>
      %gather3A_340 = tpu.dynamic_gather %add3A_330[%gather3A_339] in [0] : vector<16xf32>, vector<16xi32> -> vector<16xf32>
      %add3A_341 = arith.addf %add3A_330, %gather3A_340 : vector<16xf32>
      %lt3A_342 = arith.constant 0 : i32
      %lt3A_343 = vector.broadcast %lt3A_342 : i32 to vector<16xi32>
      %lt3A_344 = arith.cmpi slt, %xor3A_27, %lt3A_343 : vector<16xi32>
      %add3A_345 = arith.constant 16 : i32
      %add3A_346 = vector.broadcast %add3A_345 : i32 to vector<16xi32>
      %add3A_347 = arith.addi %xor3A_27, %add3A_346 : vector<16xi32>
      %select_n3A_348 = arith.select %lt3A_344, %add3A_347, %xor3A_27 : vector<16xi1>, vector<16xi32>
      %broadcast_in_dim3A_349 = vector.shape_cast %select_n3A_348 : vector<16xi32> to vector<16x1xi32>
      %gather3A_350 = vector.shape_cast %broadcast_in_dim3A_349 : vector<16x1xi32> to vector<16xi32>
      %gather3A_351 = tpu.dynamic_gather %add3A_341[%gather3A_350] in [0] : vector<16xf32>, vector<16xi32> -> vector<16xf32>
      %add3A_352 = arith.addf %add3A_341, %gather3A_351 : vector<16xf32>
      %lt3A_353 = arith.constant 0 : i32
      %lt3A_354 = vector.broadcast %lt3A_353 : i32 to vector<16xi32>
      %lt3A_355 = arith.cmpi slt, %xor3A_30, %lt3A_354 : vector<16xi32>
      %add3A_356 = arith.constant 16 : i32
      %add3A_357 = vector.broadcast %add3A_356 : i32 to vector<16xi32>
      %add3A_358 = arith.addi %xor3A_30, %add3A_357 : vector<16xi32>
      %select_n3A_359 = arith.select %lt3A_355, %add3A_358, %xor3A_30 : vector<16xi1>, vector<16xi32>
      %broadcast_in_dim3A_360 = vector.shape_cast %select_n3A_359 : vector<16xi32> to vector<16x1xi32>
      %gather3A_361 = vector.shape_cast %broadcast_in_dim3A_360 : vector<16x1xi32> to vector<16xi32>
      %gather3A_362 = tpu.dynamic_gather %add3A_352[%gather3A_361] in [0] : vector<16xf32>, vector<16xi32> -> vector<16xf32>
      %add3A_363 = arith.addf %add3A_352, %gather3A_362 : vector<16xf32>
      %eq3A_364 = arith.constant 3 : i32
      %eq3A_365 = vector.broadcast %eq3A_364 : i32 to vector<16xi32>
      %eq3A_366 = arith.cmpi eq, %iota3A, %eq3A_365 : vector<16xi32>
      %select_n3A_367 = arith.select %eq3A_366, %add3A_363, %select_n3A_284 : vector<16xi1>, vector<16xf32>
      %mul3A_368 = arith.constant 16 : i32
      %mul3A_369 = arith.muli %scan3A_38, %mul3A_368 : i32
      %add3A_370 = arith.constant 4 : i32
      %add3A_371 = arith.addi %mul3A_369, %add3A_370 : i32
      %get3A_372 = arith.index_cast %add3A_371 : i32 to index
      %get3A_373 = arith.constant 0 : index
      %get3A_374 = tpu.vector_load %arg9[%get3A_372, %get3A_373] {strides = array<i32>} : memref<128x64xf32, #tpu.memory_space<vmem>>, vector<16xf32>,
      %get3A_375 = arith.index_cast %add3A_371 : i32 to index
      %get3A_376 = arith.constant 0 : index
      %get3A_377 = tpu.vector_load %arg10[%get3A_375, %get3A_376] {strides = array<i32>} : memref<128x64xf32, #tpu.memory_space<vmem>>, vector<16xf32>,
      %mul3A_378 = arith.mulf %get3A_374, %get3A_377 : vector<16xf32>
      %get3A_379 = arith.index_cast %add3A_371 : i32 to index
      %get3A_380 = arith.constant 16 : index
      %get3A_381 = tpu.vector_load %arg9[%get3A_379, %get3A_380] {strides = array<i32>} : memref<128x64xf32, #tpu.memory_space<vmem>>, vector<16xf32>,
      %get3A_382 = arith.index_cast %add3A_371 : i32 to index
      %get3A_383 = arith.constant 16 : index
      %get3A_384 = tpu.vector_load %arg10[%get3A_382, %get3A_383] {strides = array<i32>} : memref<128x64xf32, #tpu.memory_space<vmem>>, vector<16xf32>,
      %mul3A_385 = arith.mulf %get3A_381, %get3A_384 : vector<16xf32>
      %add3A_386 = arith.addf %mul3A_378, %mul3A_385 : vector<16xf32>
      %get3A_387 = arith.index_cast %add3A_371 : i32 to index
      %get3A_388 = arith.constant 32 : index
      %get3A_389 = tpu.vector_load %arg9[%get3A_387, %get3A_388] {strides = array<i32>} : memref<128x64xf32, #tpu.memory_space<vmem>>, vector<16xf32>,
      %get3A_390 = arith.index_cast %add3A_371 : i32 to index
      %get3A_391 = arith.constant 32 : index
      %get3A_392 = tpu.vector_load %arg10[%get3A_390, %get3A_391] {strides = array<i32>} : memref<128x64xf32, #tpu.memory_space<vmem>>, vector<16xf32>,
      %mul3A_393 = arith.mulf %get3A_389, %get3A_392 : vector<16xf32>
      %add3A_394 = arith.addf %add3A_386, %mul3A_393 : vector<16xf32>
      %get3A_395 = arith.index_cast %add3A_371 : i32 to index
      %get3A_396 = arith.constant 48 : index
      %get3A_397 = tpu.vector_load %arg9[%get3A_395, %get3A_396] {strides = array<i32>} : memref<128x64xf32, #tpu.memory_space<vmem>>, vector<16xf32>,
      %get3A_398 = arith.index_cast %add3A_371 : i32 to index
      %get3A_399 = arith.constant 48 : index
      %get3A_400 = tpu.vector_load %arg10[%get3A_398, %get3A_399] {strides = array<i32>} : memref<128x64xf32, #tpu.memory_space<vmem>>, vector<16xf32>,
      %mul3A_401 = arith.mulf %get3A_397, %get3A_400 : vector<16xf32>
      %add3A_402 = arith.addf %add3A_394, %mul3A_401 : vector<16xf32>
      %lt3A_403 = arith.constant 0 : i32
      %lt3A_404 = vector.broadcast %lt3A_403 : i32 to vector<16xi32>
      %lt3A_405 = arith.cmpi slt, %xor3A_21, %lt3A_404 : vector<16xi32>
      %add3A_406 = arith.constant 16 : i32
      %add3A_407 = vector.broadcast %add3A_406 : i32 to vector<16xi32>
      %add3A_408 = arith.addi %xor3A_21, %add3A_407 : vector<16xi32>
      %select_n3A_409 = arith.select %lt3A_405, %add3A_408, %xor3A_21 : vector<16xi1>, vector<16xi32>
      %broadcast_in_dim3A_410 = vector.shape_cast %select_n3A_409 : vector<16xi32> to vector<16x1xi32>
      %gather3A_411 = vector.shape_cast %broadcast_in_dim3A_410 : vector<16x1xi32> to vector<16xi32>
      %gather3A_412 = tpu.dynamic_gather %add3A_402[%gather3A_411] in [0] : vector<16xf32>, vector<16xi32> -> vector<16xf32>
      %add3A_413 = arith.addf %add3A_402, %gather3A_412 : vector<16xf32>
      %lt3A_414 = arith.constant 0 : i32
      %lt3A_415 = vector.broadcast %lt3A_414 : i32 to vector<16xi32>
      %lt3A_416 = arith.cmpi slt, %xor3A_24, %lt3A_415 : vector<16xi32>
      %add3A_417 = arith.constant 16 : i32
      %add3A_418 = vector.broadcast %add3A_417 : i32 to vector<16xi32>
      %add3A_419 = arith.addi %xor3A_24, %add3A_418 : vector<16xi32>
      %select_n3A_420 = arith.select %lt3A_416, %add3A_419, %xor3A_24 : vector<16xi1>, vector<16xi32>
      %broadcast_in_dim3A_421 = vector.shape_cast %select_n3A_420 : vector<16xi32> to vector<16x1xi32>
      %gather3A_422 = vector.shape_cast %broadcast_in_dim3A_421 : vector<16x1xi32> to vector<16xi32>
      %gather3A_423 = tpu.dynamic_gather %add3A_413[%gather3A_422] in [0] : vector<16xf32>, vector<16xi32> -> vector<16xf32>
      %add3A_424 = arith.addf %add3A_413, %gather3A_423 : vector<16xf32>
      %lt3A_425 = arith.constant 0 : i32
      %lt3A_426 = vector.broadcast %lt3A_425 : i32 to vector<16xi32>
      %lt3A_427 = arith.cmpi slt, %xor3A_27, %lt3A_426 : vector<16xi32>
      %add3A_428 = arith.constant 16 : i32
      %add3A_429 = vector.broadcast %add3A_428 : i32 to vector<16xi32>
      %add3A_430 = arith.addi %xor3A_27, %add3A_429 : vector<16xi32>
      %select_n3A_431 = arith.select %lt3A_427, %add3A_430, %xor3A_27 : vector<16xi1>, vector<16xi32>
      %broadcast_in_dim3A_432 = vector.shape_cast %select_n3A_431 : vector<16xi32> to vector<16x1xi32>
      %gather3A_433 = vector.shape_cast %broadcast_in_dim3A_432 : vector<16x1xi32> to vector<16xi32>
      %gather3A_434 = tpu.dynamic_gather %add3A_424[%gather3A_433] in [0] : vector<16xf32>, vector<16xi32> -> vector<16xf32>
      %add3A_435 = arith.addf %add3A_424, %gather3A_434 : vector<16xf32>
      %lt3A_436 = arith.constant 0 : i32
      %lt3A_437 = vector.broadcast %lt3A_436 : i32 to vector<16xi32>
      %lt3A_438 = arith.cmpi slt, %xor3A_30, %lt3A_437 : vector<16xi32>
      %add3A_439 = arith.constant 16 : i32
      %add3A_440 = vector.broadcast %add3A_439 : i32 to vector<16xi32>
      %add3A_441 = arith.addi %xor3A_30, %add3A_440 : vector<16xi32>
      %select_n3A_442 = arith.select %lt3A_438, %add3A_441, %xor3A_30 : vector<16xi1>, vector<16xi32>
      %broadcast_in_dim3A_443 = vector.shape_cast %select_n3A_442 : vector<16xi32> to vector<16x1xi32>
      %gather3A_444 = vector.shape_cast %broadcast_in_dim3A_443 : vector<16x1xi32> to vector<16xi32>
      %gather3A_445 = tpu.dynamic_gather %add3A_435[%gather3A_444] in [0] : vector<16xf32>, vector<16xi32> -> vector<16xf32>
      %add3A_446 = arith.addf %add3A_435, %gather3A_445 : vector<16xf32>
      %eq3A_447 = arith.constant 4 : i32
      %eq3A_448 = vector.broadcast %eq3A_447 : i32 to vector<16xi32>
      %eq3A_449 = arith.cmpi eq, %iota3A, %eq3A_448 : vector<16xi32>
      %select_n3A_450 = arith.select %eq3A_449, %add3A_446, %select_n3A_367 : vector<16xi1>, vector<16xf32>
      %mul3A_451 = arith.constant 16 : i32
      %mul3A_452 = arith.muli %scan3A_38, %mul3A_451 : i32
      %add3A_453 = arith.constant 5 : i32
      %add3A_454 = arith.addi %mul3A_452, %add3A_453 : i32
      %get3A_455 = arith.index_cast %add3A_454 : i32 to index
      %get3A_456 = arith.constant 0 : index
      %get3A_457 = tpu.vector_load %arg9[%get3A_455, %get3A_456] {strides = array<i32>} : memref<128x64xf32, #tpu.memory_space<vmem>>, vector<16xf32>,
      %get3A_458 = arith.index_cast %add3A_454 : i32 to index
      %get3A_459 = arith.constant 0 : index
      %get3A_460 = tpu.vector_load %arg10[%get3A_458, %get3A_459] {strides = array<i32>} : memref<128x64xf32, #tpu.memory_space<vmem>>, vector<16xf32>,
      %mul3A_461 = arith.mulf %get3A_457, %get3A_460 : vector<16xf32>
      %get3A_462 = arith.index_cast %add3A_454 : i32 to index
      %get3A_463 = arith.constant 16 : index
      %get3A_464 = tpu.vector_load %arg9[%get3A_462, %get3A_463] {strides = array<i32>} : memref<128x64xf32, #tpu.memory_space<vmem>>, vector<16xf32>,
      %get3A_465 = arith.index_cast %add3A_454 : i32 to index
      %get3A_466 = arith.constant 16 : index
      %get3A_467 = tpu.vector_load %arg10[%get3A_465, %get3A_466] {strides = array<i32>} : memref<128x64xf32, #tpu.memory_space<vmem>>, vector<16xf32>,
      %mul3A_468 = arith.mulf %get3A_464, %get3A_467 : vector<16xf32>
      %add3A_469 = arith.addf %mul3A_461, %mul3A_468 : vector<16xf32>
      %get3A_470 = arith.index_cast %add3A_454 : i32 to index
      %get3A_471 = arith.constant 32 : index
      %get3A_472 = tpu.vector_load %arg9[%get3A_470, %get3A_471] {strides = array<i32>} : memref<128x64xf32, #tpu.memory_space<vmem>>, vector<16xf32>,
      %get3A_473 = arith.index_cast %add3A_454 : i32 to index
      %get3A_474 = arith.constant 32 : index
      %get3A_475 = tpu.vector_load %arg10[%get3A_473, %get3A_474] {strides = array<i32>} : memref<128x64xf32, #tpu.memory_space<vmem>>, vector<16xf32>,
      %mul3A_476 = arith.mulf %get3A_472, %get3A_475 : vector<16xf32>
      %add3A_477 = arith.addf %add3A_469, %mul3A_476 : vector<16xf32>
      %get3A_478 = arith.index_cast %add3A_454 : i32 to index
      %get3A_479 = arith.constant 48 : index
      %get3A_480 = tpu.vector_load %arg9[%get3A_478, %get3A_479] {strides = array<i32>} : memref<128x64xf32, #tpu.memory_space<vmem>>, vector<16xf32>,
      %get3A_481 = arith.index_cast %add3A_454 : i32 to index
      %get3A_482 = arith.constant 48 : index
      %get3A_483 = tpu.vector_load %arg10[%get3A_481, %get3A_482] {strides = array<i32>} : memref<128x64xf32, #tpu.memory_space<vmem>>, vector<16xf32>,
      %mul3A_484 = arith.mulf %get3A_480, %get3A_483 : vector<16xf32>
      %add3A_485 = arith.addf %add3A_477, %mul3A_484 : vector<16xf32>
      %lt3A_486 = arith.constant 0 : i32
      %lt3A_487 = vector.broadcast %lt3A_486 : i32 to vector<16xi32>
      %lt3A_488 = arith.cmpi slt, %xor3A_21, %lt3A_487 : vector<16xi32>
      %add3A_489 = arith.constant 16 : i32
      %add3A_490 = vector.broadcast %add3A_489 : i32 to vector<16xi32>
      %add3A_491 = arith.addi %xor3A_21, %add3A_490 : vector<16xi32>
      %select_n3A_492 = arith.select %lt3A_488, %add3A_491, %xor3A_21 : vector<16xi1>, vector<16xi32>
      %broadcast_in_dim3A_493 = vector.shape_cast %select_n3A_492 : vector<16xi32> to vector<16x1xi32>
      %gather3A_494 = vector.shape_cast %broadcast_in_dim3A_493 : vector<16x1xi32> to vector<16xi32>
      %gather3A_495 = tpu.dynamic_gather %add3A_485[%gather3A_494] in [0] : vector<16xf32>, vector<16xi32> -> vector<16xf32>
      %add3A_496 = arith.addf %add3A_485, %gather3A_495 : vector<16xf32>
      %lt3A_497 = arith.constant 0 : i32
      %lt3A_498 = vector.broadcast %lt3A_497 : i32 to vector<16xi32>
      %lt3A_499 = arith.cmpi slt, %xor3A_24, %lt3A_498 : vector<16xi32>
      %add3A_500 = arith.constant 16 : i32
      %add3A_501 = vector.broadcast %add3A_500 : i32 to vector<16xi32>
      %add3A_502 = arith.addi %xor3A_24, %add3A_501 : vector<16xi32>
      %select_n3A_503 = arith.select %lt3A_499, %add3A_502, %xor3A_24 : vector<16xi1>, vector<16xi32>
      %broadcast_in_dim3A_504 = vector.shape_cast %select_n3A_503 : vector<16xi32> to vector<16x1xi32>
      %gather3A_505 = vector.shape_cast %broadcast_in_dim3A_504 : vector<16x1xi32> to vector<16xi32>
      %gather3A_506 = tpu.dynamic_gather %add3A_496[%gather3A_505] in [0] : vector<16xf32>, vector<16xi32> -> vector<16xf32>
      %add3A_507 = arith.addf %add3A_496, %gather3A_506 : vector<16xf32>
      %lt3A_508 = arith.constant 0 : i32
      %lt3A_509 = vector.broadcast %lt3A_508 : i32 to vector<16xi32>
      %lt3A_510 = arith.cmpi slt, %xor3A_27, %lt3A_509 : vector<16xi32>
      %add3A_511 = arith.constant 16 : i32
      %add3A_512 = vector.broadcast %add3A_511 : i32 to vector<16xi32>
      %add3A_513 = arith.addi %xor3A_27, %add3A_512 : vector<16xi32>
      %select_n3A_514 = arith.select %lt3A_510, %add3A_513, %xor3A_27 : vector<16xi1>, vector<16xi32>
      %broadcast_in_dim3A_515 = vector.shape_cast %select_n3A_514 : vector<16xi32> to vector<16x1xi32>
      %gather3A_516 = vector.shape_cast %broadcast_in_dim3A_515 : vector<16x1xi32> to vector<16xi32>
      %gather3A_517 = tpu.dynamic_gather %add3A_507[%gather3A_516] in [0] : vector<16xf32>, vector<16xi32> -> vector<16xf32>
      %add3A_518 = arith.addf %add3A_507, %gather3A_517 : vector<16xf32>
      %lt3A_519 = arith.constant 0 : i32
      %lt3A_520 = vector.broadcast %lt3A_519 : i32 to vector<16xi32>
      %lt3A_521 = arith.cmpi slt, %xor3A_30, %lt3A_520 : vector<16xi32>
      %add3A_522 = arith.constant 16 : i32
      %add3A_523 = vector.broadcast %add3A_522 : i32 to vector<16xi32>
      %add3A_524 = arith.addi %xor3A_30, %add3A_523 : vector<16xi32>
      %select_n3A_525 = arith.select %lt3A_521, %add3A_524, %xor3A_30 : vector<16xi1>, vector<16xi32>
      %broadcast_in_dim3A_526 = vector.shape_cast %select_n3A_525 : vector<16xi32> to vector<16x1xi32>
      %gather3A_527 = vector.shape_cast %broadcast_in_dim3A_526 : vector<16x1xi32> to vector<16xi32>
      %gather3A_528 = tpu.dynamic_gather %add3A_518[%gather3A_527] in [0] : vector<16xf32>, vector<16xi32> -> vector<16xf32>
      %add3A_529 = arith.addf %add3A_518, %gather3A_528 : vector<16xf32>
      %eq3A_530 = arith.constant 5 : i32
      %eq3A_531 = vector.broadcast %eq3A_530 : i32 to vector<16xi32>
      %eq3A_532 = arith.cmpi eq, %iota3A, %eq3A_531 : vector<16xi32>
      %select_n3A_533 = arith.select %eq3A_532, %add3A_529, %select_n3A_450 : vector<16xi1>, vector<16xf32>
      %mul3A_534 = arith.constant 16 : i32
      %mul3A_535 = arith.muli %scan3A_38, %mul3A_534 : i32
      %add3A_536 = arith.constant 6 : i32
      %add3A_537 = arith.addi %mul3A_535, %add3A_536 : i32
      %get3A_538 = arith.index_cast %add3A_537 : i32 to index
      %get3A_539 = arith.constant 0 : index
      %get3A_540 = tpu.vector_load %arg9[%get3A_538, %get3A_539] {strides = array<i32>} : memref<128x64xf32, #tpu.memory_space<vmem>>, vector<16xf32>,
      %get3A_541 = arith.index_cast %add3A_537 : i32 to index
      %get3A_542 = arith.constant 0 : index
      %get3A_543 = tpu.vector_load %arg10[%get3A_541, %get3A_542] {strides = array<i32>} : memref<128x64xf32, #tpu.memory_space<vmem>>, vector<16xf32>,
      %mul3A_544 = arith.mulf %get3A_540, %get3A_543 : vector<16xf32>
      %get3A_545 = arith.index_cast %add3A_537 : i32 to index
      %get3A_546 = arith.constant 16 : index
      %get3A_547 = tpu.vector_load %arg9[%get3A_545, %get3A_546] {strides = array<i32>} : memref<128x64xf32, #tpu.memory_space<vmem>>, vector<16xf32>,
      %get3A_548 = arith.index_cast %add3A_537 : i32 to index
      %get3A_549 = arith.constant 16 : index
      %get3A_550 = tpu.vector_load %arg10[%get3A_548, %get3A_549] {strides = array<i32>} : memref<128x64xf32, #tpu.memory_space<vmem>>, vector<16xf32>,
      %mul3A_551 = arith.mulf %get3A_547, %get3A_550 : vector<16xf32>
      %add3A_552 = arith.addf %mul3A_544, %mul3A_551 : vector<16xf32>
      %get3A_553 = arith.index_cast %add3A_537 : i32 to index
      %get3A_554 = arith.constant 32 : index
      %get3A_555 = tpu.vector_load %arg9[%get3A_553, %get3A_554] {strides = array<i32>} : memref<128x64xf32, #tpu.memory_space<vmem>>, vector<16xf32>,
      %get3A_556 = arith.index_cast %add3A_537 : i32 to index
      %get3A_557 = arith.constant 32 : index
      %get3A_558 = tpu.vector_load %arg10[%get3A_556, %get3A_557] {strides = array<i32>} : memref<128x64xf32, #tpu.memory_space<vmem>>, vector<16xf32>,
      %mul3A_559 = arith.mulf %get3A_555, %get3A_558 : vector<16xf32>
      %add3A_560 = arith.addf %add3A_552, %mul3A_559 : vector<16xf32>
      %get3A_561 = arith.index_cast %add3A_537 : i32 to index
      %get3A_562 = arith.constant 48 : index
      %get3A_563 = tpu.vector_load %arg9[%get3A_561, %get3A_562] {strides = array<i32>} : memref<128x64xf32, #tpu.memory_space<vmem>>, vector<16xf32>,
      %get3A_564 = arith.index_cast %add3A_537 : i32 to index
      %get3A_565 = arith.constant 48 : index
      %get3A_566 = tpu.vector_load %arg10[%get3A_564, %get3A_565] {strides = array<i32>} : memref<128x64xf32, #tpu.memory_space<vmem>>, vector<16xf32>,
      %mul3A_567 = arith.mulf %get3A_563, %get3A_566 : vector<16xf32>
      %add3A_568 = arith.addf %add3A_560, %mul3A_567 : vector<16xf32>
      %lt3A_569 = arith.constant 0 : i32
      %lt3A_570 = vector.broadcast %lt3A_569 : i32 to vector<16xi32>
      %lt3A_571 = arith.cmpi slt, %xor3A_21, %lt3A_570 : vector<16xi32>
      %add3A_572 = arith.constant 16 : i32
      %add3A_573 = vector.broadcast %add3A_572 : i32 to vector<16xi32>
      %add3A_574 = arith.addi %xor3A_21, %add3A_573 : vector<16xi32>
      %select_n3A_575 = arith.select %lt3A_571, %add3A_574, %xor3A_21 : vector<16xi1>, vector<16xi32>
      %broadcast_in_dim3A_576 = vector.shape_cast %select_n3A_575 : vector<16xi32> to vector<16x1xi32>
      %gather3A_577 = vector.shape_cast %broadcast_in_dim3A_576 : vector<16x1xi32> to vector<16xi32>
      %gather3A_578 = tpu.dynamic_gather %add3A_568[%gather3A_577] in [0] : vector<16xf32>, vector<16xi32> -> vector<16xf32>
      %add3A_579 = arith.addf %add3A_568, %gather3A_578 : vector<16xf32>
      %lt3A_580 = arith.constant 0 : i32
      %lt3A_581 = vector.broadcast %lt3A_580 : i32 to vector<16xi32>
      %lt3A_582 = arith.cmpi slt, %xor3A_24, %lt3A_581 : vector<16xi32>
      %add3A_583 = arith.constant 16 : i32
      %add3A_584 = vector.broadcast %add3A_583 : i32 to vector<16xi32>
      %add3A_585 = arith.addi %xor3A_24, %add3A_584 : vector<16xi32>
      %select_n3A_586 = arith.select %lt3A_582, %add3A_585, %xor3A_24 : vector<16xi1>, vector<16xi32>
      %broadcast_in_dim3A_587 = vector.shape_cast %select_n3A_586 : vector<16xi32> to vector<16x1xi32>
      %gather3A_588 = vector.shape_cast %broadcast_in_dim3A_587 : vector<16x1xi32> to vector<16xi32>
      %gather3A_589 = tpu.dynamic_gather %add3A_579[%gather3A_588] in [0] : vector<16xf32>, vector<16xi32> -> vector<16xf32>
      %add3A_590 = arith.addf %add3A_579, %gather3A_589 : vector<16xf32>
      %lt3A_591 = arith.constant 0 : i32
      %lt3A_592 = vector.broadcast %lt3A_591 : i32 to vector<16xi32>
      %lt3A_593 = arith.cmpi slt, %xor3A_27, %lt3A_592 : vector<16xi32>
      %add3A_594 = arith.constant 16 : i32
      %add3A_595 = vector.broadcast %add3A_594 : i32 to vector<16xi32>
      %add3A_596 = arith.addi %xor3A_27, %add3A_595 : vector<16xi32>
      %select_n3A_597 = arith.select %lt3A_593, %add3A_596, %xor3A_27 : vector<16xi1>, vector<16xi32>
      %broadcast_in_dim3A_598 = vector.shape_cast %select_n3A_597 : vector<16xi32> to vector<16x1xi32>
      %gather3A_599 = vector.shape_cast %broadcast_in_dim3A_598 : vector<16x1xi32> to vector<16xi32>
      %gather3A_600 = tpu.dynamic_gather %add3A_590[%gather3A_599] in [0] : vector<16xf32>, vector<16xi32> -> vector<16xf32>
      %add3A_601 = arith.addf %add3A_590, %gather3A_600 : vector<16xf32>
      %lt3A_602 = arith.constant 0 : i32
      %lt3A_603 = vector.broadcast %lt3A_602 : i32 to vector<16xi32>
      %lt3A_604 = arith.cmpi slt, %xor3A_30, %lt3A_603 : vector<16xi32>
      %add3A_605 = arith.constant 16 : i32
      %add3A_606 = vector.broadcast %add3A_605 : i32 to vector<16xi32>
      %add3A_607 = arith.addi %xor3A_30, %add3A_606 : vector<16xi32>
      %select_n3A_608 = arith.select %lt3A_604, %add3A_607, %xor3A_30 : vector<16xi1>, vector<16xi32>
      %broadcast_in_dim3A_609 = vector.shape_cast %select_n3A_608 : vector<16xi32> to vector<16x1xi32>
      %gather3A_610 = vector.shape_cast %broadcast_in_dim3A_609 : vector<16x1xi32> to vector<16xi32>
      %gather3A_611 = tpu.dynamic_gather %add3A_601[%gather3A_610] in [0] : vector<16xf32>, vector<16xi32> -> vector<16xf32>
      %add3A_612 = arith.addf %add3A_601, %gather3A_611 : vector<16xf32>
      %eq3A_613 = arith.constant 6 : i32
      %eq3A_614 = vector.broadcast %eq3A_613 : i32 to vector<16xi32>
      %eq3A_615 = arith.cmpi eq, %iota3A, %eq3A_614 : vector<16xi32>
      %select_n3A_616 = arith.select %eq3A_615, %add3A_612, %select_n3A_533 : vector<16xi1>, vector<16xf32>
      %mul3A_617 = arith.constant 16 : i32
      %mul3A_618 = arith.muli %scan3A_38, %mul3A_617 : i32
      %add3A_619 = arith.constant 7 : i32
      %add3A_620 = arith.addi %mul3A_618, %add3A_619 : i32
      %get3A_621 = arith.index_cast %add3A_620 : i32 to index
      %get3A_622 = arith.constant 0 : index
      %get3A_623 = tpu.vector_load %arg9[%get3A_621, %get3A_622] {strides = array<i32>} : memref<128x64xf32, #tpu.memory_space<vmem>>, vector<16xf32>,
      %get3A_624 = arith.index_cast %add3A_620 : i32 to index
      %get3A_625 = arith.constant 0 : index
      %get3A_626 = tpu.vector_load %arg10[%get3A_624, %get3A_625] {strides = array<i32>} : memref<128x64xf32, #tpu.memory_space<vmem>>, vector<16xf32>,
      %mul3A_627 = arith.mulf %get3A_623, %get3A_626 : vector<16xf32>
      %get3A_628 = arith.index_cast %add3A_620 : i32 to index
      %get3A_629 = arith.constant 16 : index
      %get3A_630 = tpu.vector_load %arg9[%get3A_628, %get3A_629] {strides = array<i32>} : memref<128x64xf32, #tpu.memory_space<vmem>>, vector<16xf32>,
      %get3A_631 = arith.index_cast %add3A_620 : i32 to index
      %get3A_632 = arith.constant 16 : index
      %get3A_633 = tpu.vector_load %arg10[%get3A_631, %get3A_632] {strides = array<i32>} : memref<128x64xf32, #tpu.memory_space<vmem>>, vector<16xf32>,
      %mul3A_634 = arith.mulf %get3A_630, %get3A_633 : vector<16xf32>
      %add3A_635 = arith.addf %mul3A_627, %mul3A_634 : vector<16xf32>
      %get3A_636 = arith.index_cast %add3A_620 : i32 to index
      %get3A_637 = arith.constant 32 : index
      %get3A_638 = tpu.vector_load %arg9[%get3A_636, %get3A_637] {strides = array<i32>} : memref<128x64xf32, #tpu.memory_space<vmem>>, vector<16xf32>,
      %get3A_639 = arith.index_cast %add3A_620 : i32 to index
      %get3A_640 = arith.constant 32 : index
      %get3A_641 = tpu.vector_load %arg10[%get3A_639, %get3A_640] {strides = array<i32>} : memref<128x64xf32, #tpu.memory_space<vmem>>, vector<16xf32>,
      %mul3A_642 = arith.mulf %get3A_638, %get3A_641 : vector<16xf32>
      %add3A_643 = arith.addf %add3A_635, %mul3A_642 : vector<16xf32>
      %get3A_644 = arith.index_cast %add3A_620 : i32 to index
      %get3A_645 = arith.constant 48 : index
      %get3A_646 = tpu.vector_load %arg9[%get3A_644, %get3A_645] {strides = array<i32>} : memref<128x64xf32, #tpu.memory_space<vmem>>, vector<16xf32>,
      %get3A_647 = arith.index_cast %add3A_620 : i32 to index
      %get3A_648 = arith.constant 48 : index
      %get3A_649 = tpu.vector_load %arg10[%get3A_647, %get3A_648] {strides = array<i32>} : memref<128x64xf32, #tpu.memory_space<vmem>>, vector<16xf32>,
      %mul3A_650 = arith.mulf %get3A_646, %get3A_649 : vector<16xf32>
      %add3A_651 = arith.addf %add3A_643, %mul3A_650 : vector<16xf32>
      %lt3A_652 = arith.constant 0 : i32
      %lt3A_653 = vector.broadcast %lt3A_652 : i32 to vector<16xi32>
      %lt3A_654 = arith.cmpi slt, %xor3A_21, %lt3A_653 : vector<16xi32>
      %add3A_655 = arith.constant 16 : i32
      %add3A_656 = vector.broadcast %add3A_655 : i32 to vector<16xi32>
      %add3A_657 = arith.addi %xor3A_21, %add3A_656 : vector<16xi32>
      %select_n3A_658 = arith.select %lt3A_654, %add3A_657, %xor3A_21 : vector<16xi1>, vector<16xi32>
      %broadcast_in_dim3A_659 = vector.shape_cast %select_n3A_658 : vector<16xi32> to vector<16x1xi32>
      %gather3A_660 = vector.shape_cast %broadcast_in_dim3A_659 : vector<16x1xi32> to vector<16xi32>
      %gather3A_661 = tpu.dynamic_gather %add3A_651[%gather3A_660] in [0] : vector<16xf32>, vector<16xi32> -> vector<16xf32>
      %add3A_662 = arith.addf %add3A_651, %gather3A_661 : vector<16xf32>
      %lt3A_663 = arith.constant 0 : i32
      %lt3A_664 = vector.broadcast %lt3A_663 : i32 to vector<16xi32>
      %lt3A_665 = arith.cmpi slt, %xor3A_24, %lt3A_664 : vector<16xi32>
      %add3A_666 = arith.constant 16 : i32
      %add3A_667 = vector.broadcast %add3A_666 : i32 to vector<16xi32>
      %add3A_668 = arith.addi %xor3A_24, %add3A_667 : vector<16xi32>
      %select_n3A_669 = arith.select %lt3A_665, %add3A_668, %xor3A_24 : vector<16xi1>, vector<16xi32>
      %broadcast_in_dim3A_670 = vector.shape_cast %select_n3A_669 : vector<16xi32> to vector<16x1xi32>
      %gather3A_671 = vector.shape_cast %broadcast_in_dim3A_670 : vector<16x1xi32> to vector<16xi32>
      %gather3A_672 = tpu.dynamic_gather %add3A_662[%gather3A_671] in [0] : vector<16xf32>, vector<16xi32> -> vector<16xf32>
      %add3A_673 = arith.addf %add3A_662, %gather3A_672 : vector<16xf32>
      %lt3A_674 = arith.constant 0 : i32
      %lt3A_675 = vector.broadcast %lt3A_674 : i32 to vector<16xi32>
      %lt3A_676 = arith.cmpi slt, %xor3A_27, %lt3A_675 : vector<16xi32>
      %add3A_677 = arith.constant 16 : i32
      %add3A_678 = vector.broadcast %add3A_677 : i32 to vector<16xi32>
      %add3A_679 = arith.addi %xor3A_27, %add3A_678 : vector<16xi32>
      %select_n3A_680 = arith.select %lt3A_676, %add3A_679, %xor3A_27 : vector<16xi1>, vector<16xi32>
      %broadcast_in_dim3A_681 = vector.shape_cast %select_n3A_680 : vector<16xi32> to vector<16x1xi32>
      %gather3A_682 = vector.shape_cast %broadcast_in_dim3A_681 : vector<16x1xi32> to vector<16xi32>
      %gather3A_683 = tpu.dynamic_gather %add3A_673[%gather3A_682] in [0] : vector<16xf32>, vector<16xi32> -> vector<16xf32>
      %add3A_684 = arith.addf %add3A_673, %gather3A_683 : vector<16xf32>
      %lt3A_685 = arith.constant 0 : i32
      %lt3A_686 = vector.broadcast %lt3A_685 : i32 to vector<16xi32>
      %lt3A_687 = arith.cmpi slt, %xor3A_30, %lt3A_686 : vector<16xi32>
      %add3A_688 = arith.constant 16 : i32
      %add3A_689 = vector.broadcast %add3A_688 : i32 to vector<16xi32>
      %add3A_690 = arith.addi %xor3A_30, %add3A_689 : vector<16xi32>
      %select_n3A_691 = arith.select %lt3A_687, %add3A_690, %xor3A_30 : vector<16xi1>, vector<16xi32>
      %broadcast_in_dim3A_692 = vector.shape_cast %select_n3A_691 : vector<16xi32> to vector<16x1xi32>
      %gather3A_693 = vector.shape_cast %broadcast_in_dim3A_692 : vector<16x1xi32> to vector<16xi32>
      %gather3A_694 = tpu.dynamic_gather %add3A_684[%gather3A_693] in [0] : vector<16xf32>, vector<16xi32> -> vector<16xf32>
      %add3A_695 = arith.addf %add3A_684, %gather3A_694 : vector<16xf32>
      %eq3A_696 = arith.constant 7 : i32
      %eq3A_697 = vector.broadcast %eq3A_696 : i32 to vector<16xi32>
      %eq3A_698 = arith.cmpi eq, %iota3A, %eq3A_697 : vector<16xi32>
      %select_n3A_699 = arith.select %eq3A_698, %add3A_695, %select_n3A_616 : vector<16xi1>, vector<16xf32>
      %mul3A_700 = arith.constant 16 : i32
      %mul3A_701 = arith.muli %scan3A_38, %mul3A_700 : i32
      %add3A_702 = arith.constant 8 : i32
      %add3A_703 = arith.addi %mul3A_701, %add3A_702 : i32
      %get3A_704 = arith.index_cast %add3A_703 : i32 to index
      %get3A_705 = arith.constant 0 : index
      %get3A_706 = tpu.vector_load %arg9[%get3A_704, %get3A_705] {strides = array<i32>} : memref<128x64xf32, #tpu.memory_space<vmem>>, vector<16xf32>,
      %get3A_707 = arith.index_cast %add3A_703 : i32 to index
      %get3A_708 = arith.constant 0 : index
      %get3A_709 = tpu.vector_load %arg10[%get3A_707, %get3A_708] {strides = array<i32>} : memref<128x64xf32, #tpu.memory_space<vmem>>, vector<16xf32>,
      %mul3A_710 = arith.mulf %get3A_706, %get3A_709 : vector<16xf32>
      %get3A_711 = arith.index_cast %add3A_703 : i32 to index
      %get3A_712 = arith.constant 16 : index
      %get3A_713 = tpu.vector_load %arg9[%get3A_711, %get3A_712] {strides = array<i32>} : memref<128x64xf32, #tpu.memory_space<vmem>>, vector<16xf32>,
      %get3A_714 = arith.index_cast %add3A_703 : i32 to index
      %get3A_715 = arith.constant 16 : index
      %get3A_716 = tpu.vector_load %arg10[%get3A_714, %get3A_715] {strides = array<i32>} : memref<128x64xf32, #tpu.memory_space<vmem>>, vector<16xf32>,
      %mul3A_717 = arith.mulf %get3A_713, %get3A_716 : vector<16xf32>
      %add3A_718 = arith.addf %mul3A_710, %mul3A_717 : vector<16xf32>
      %get3A_719 = arith.index_cast %add3A_703 : i32 to index
      %get3A_720 = arith.constant 32 : index
      %get3A_721 = tpu.vector_load %arg9[%get3A_719, %get3A_720] {strides = array<i32>} : memref<128x64xf32, #tpu.memory_space<vmem>>, vector<16xf32>,
      %get3A_722 = arith.index_cast %add3A_703 : i32 to index
      %get3A_723 = arith.constant 32 : index
      %get3A_724 = tpu.vector_load %arg10[%get3A_722, %get3A_723] {strides = array<i32>} : memref<128x64xf32, #tpu.memory_space<vmem>>, vector<16xf32>,
      %mul3A_725 = arith.mulf %get3A_721, %get3A_724 : vector<16xf32>
      %add3A_726 = arith.addf %add3A_718, %mul3A_725 : vector<16xf32>
      %get3A_727 = arith.index_cast %add3A_703 : i32 to index
      %get3A_728 = arith.constant 48 : index
      %get3A_729 = tpu.vector_load %arg9[%get3A_727, %get3A_728] {strides = array<i32>} : memref<128x64xf32, #tpu.memory_space<vmem>>, vector<16xf32>,
      %get3A_730 = arith.index_cast %add3A_703 : i32 to index
      %get3A_731 = arith.constant 48 : index
      %get3A_732 = tpu.vector_load %arg10[%get3A_730, %get3A_731] {strides = array<i32>} : memref<128x64xf32, #tpu.memory_space<vmem>>, vector<16xf32>,
      %mul3A_733 = arith.mulf %get3A_729, %get3A_732 : vector<16xf32>
      %add3A_734 = arith.addf %add3A_726, %mul3A_733 : vector<16xf32>
      %lt3A_735 = arith.constant 0 : i32
      %lt3A_736 = vector.broadcast %lt3A_735 : i32 to vector<16xi32>
      %lt3A_737 = arith.cmpi slt, %xor3A_21, %lt3A_736 : vector<16xi32>
      %add3A_738 = arith.constant 16 : i32
      %add3A_739 = vector.broadcast %add3A_738 : i32 to vector<16xi32>
      %add3A_740 = arith.addi %xor3A_21, %add3A_739 : vector<16xi32>
      %select_n3A_741 = arith.select %lt3A_737, %add3A_740, %xor3A_21 : vector<16xi1>, vector<16xi32>
      %broadcast_in_dim3A_742 = vector.shape_cast %select_n3A_741 : vector<16xi32> to vector<16x1xi32>
      %gather3A_743 = vector.shape_cast %broadcast_in_dim3A_742 : vector<16x1xi32> to vector<16xi32>
      %gather3A_744 = tpu.dynamic_gather %add3A_734[%gather3A_743] in [0] : vector<16xf32>, vector<16xi32> -> vector<16xf32>
      %add3A_745 = arith.addf %add3A_734, %gather3A_744 : vector<16xf32>
      %lt3A_746 = arith.constant 0 : i32
      %lt3A_747 = vector.broadcast %lt3A_746 : i32 to vector<16xi32>
      %lt3A_748 = arith.cmpi slt, %xor3A_24, %lt3A_747 : vector<16xi32>
      %add3A_749 = arith.constant 16 : i32
      %add3A_750 = vector.broadcast %add3A_749 : i32 to vector<16xi32>
      %add3A_751 = arith.addi %xor3A_24, %add3A_750 : vector<16xi32>
      %select_n3A_752 = arith.select %lt3A_748, %add3A_751, %xor3A_24 : vector<16xi1>, vector<16xi32>
      %broadcast_in_dim3A_753 = vector.shape_cast %select_n3A_752 : vector<16xi32> to vector<16x1xi32>
      %gather3A_754 = vector.shape_cast %broadcast_in_dim3A_753 : vector<16x1xi32> to vector<16xi32>
      %gather3A_755 = tpu.dynamic_gather %add3A_745[%gather3A_754] in [0] : vector<16xf32>, vector<16xi32> -> vector<16xf32>
      %add3A_756 = arith.addf %add3A_745, %gather3A_755 : vector<16xf32>
      %lt3A_757 = arith.constant 0 : i32
      %lt3A_758 = vector.broadcast %lt3A_757 : i32 to vector<16xi32>
      %lt3A_759 = arith.cmpi slt, %xor3A_27, %lt3A_758 : vector<16xi32>
      %add3A_760 = arith.constant 16 : i32
      %add3A_761 = vector.broadcast %add3A_760 : i32 to vector<16xi32>
      %add3A_762 = arith.addi %xor3A_27, %add3A_761 : vector<16xi32>
      %select_n3A_763 = arith.select %lt3A_759, %add3A_762, %xor3A_27 : vector<16xi1>, vector<16xi32>
      %broadcast_in_dim3A_764 = vector.shape_cast %select_n3A_763 : vector<16xi32> to vector<16x1xi32>
      %gather3A_765 = vector.shape_cast %broadcast_in_dim3A_764 : vector<16x1xi32> to vector<16xi32>
      %gather3A_766 = tpu.dynamic_gather %add3A_756[%gather3A_765] in [0] : vector<16xf32>, vector<16xi32> -> vector<16xf32>
      %add3A_767 = arith.addf %add3A_756, %gather3A_766 : vector<16xf32>
      %lt3A_768 = arith.constant 0 : i32
      %lt3A_769 = vector.broadcast %lt3A_768 : i32 to vector<16xi32>
      %lt3A_770 = arith.cmpi slt, %xor3A_30, %lt3A_769 : vector<16xi32>
      %add3A_771 = arith.constant 16 : i32
      %add3A_772 = vector.broadcast %add3A_771 : i32 to vector<16xi32>
      %add3A_773 = arith.addi %xor3A_30, %add3A_772 : vector<16xi32>
      %select_n3A_774 = arith.select %lt3A_770, %add3A_773, %xor3A_30 : vector<16xi1>, vector<16xi32>
      %broadcast_in_dim3A_775 = vector.shape_cast %select_n3A_774 : vector<16xi32> to vector<16x1xi32>
      %gather3A_776 = vector.shape_cast %broadcast_in_dim3A_775 : vector<16x1xi32> to vector<16xi32>
      %gather3A_777 = tpu.dynamic_gather %add3A_767[%gather3A_776] in [0] : vector<16xf32>, vector<16xi32> -> vector<16xf32>
      %add3A_778 = arith.addf %add3A_767, %gather3A_777 : vector<16xf32>
      %eq3A_779 = arith.constant 8 : i32
      %eq3A_780 = vector.broadcast %eq3A_779 : i32 to vector<16xi32>
      %eq3A_781 = arith.cmpi eq, %iota3A, %eq3A_780 : vector<16xi32>
      %select_n3A_782 = arith.select %eq3A_781, %add3A_778, %select_n3A_699 : vector<16xi1>, vector<16xf32>
      %mul3A_783 = arith.constant 16 : i32
      %mul3A_784 = arith.muli %scan3A_38, %mul3A_783 : i32
      %add3A_785 = arith.constant 9 : i32
      %add3A_786 = arith.addi %mul3A_784, %add3A_785 : i32
      %get3A_787 = arith.index_cast %add3A_786 : i32 to index
      %get3A_788 = arith.constant 0 : index
      %get3A_789 = tpu.vector_load %arg9[%get3A_787, %get3A_788] {strides = array<i32>} : memref<128x64xf32, #tpu.memory_space<vmem>>, vector<16xf32>,
      %get3A_790 = arith.index_cast %add3A_786 : i32 to index
      %get3A_791 = arith.constant 0 : index
      %get3A_792 = tpu.vector_load %arg10[%get3A_790, %get3A_791] {strides = array<i32>} : memref<128x64xf32, #tpu.memory_space<vmem>>, vector<16xf32>,
      %mul3A_793 = arith.mulf %get3A_789, %get3A_792 : vector<16xf32>
      %get3A_794 = arith.index_cast %add3A_786 : i32 to index
      %get3A_795 = arith.constant 16 : index
      %get3A_796 = tpu.vector_load %arg9[%get3A_794, %get3A_795] {strides = array<i32>} : memref<128x64xf32, #tpu.memory_space<vmem>>, vector<16xf32>,
      %get3A_797 = arith.index_cast %add3A_786 : i32 to index
      %get3A_798 = arith.constant 16 : index
      %get3A_799 = tpu.vector_load %arg10[%get3A_797, %get3A_798] {strides = array<i32>} : memref<128x64xf32, #tpu.memory_space<vmem>>, vector<16xf32>,
      %mul3A_800 = arith.mulf %get3A_796, %get3A_799 : vector<16xf32>
      %add3A_801 = arith.addf %mul3A_793, %mul3A_800 : vector<16xf32>
      %get3A_802 = arith.index_cast %add3A_786 : i32 to index
      %get3A_803 = arith.constant 32 : index
      %get3A_804 = tpu.vector_load %arg9[%get3A_802, %get3A_803] {strides = array<i32>} : memref<128x64xf32, #tpu.memory_space<vmem>>, vector<16xf32>,
      %get3A_805 = arith.index_cast %add3A_786 : i32 to index
      %get3A_806 = arith.constant 32 : index
      %get3A_807 = tpu.vector_load %arg10[%get3A_805, %get3A_806] {strides = array<i32>} : memref<128x64xf32, #tpu.memory_space<vmem>>, vector<16xf32>,
      %mul3A_808 = arith.mulf %get3A_804, %get3A_807 : vector<16xf32>
      %add3A_809 = arith.addf %add3A_801, %mul3A_808 : vector<16xf32>
      %get3A_810 = arith.index_cast %add3A_786 : i32 to index
      %get3A_811 = arith.constant 48 : index
      %get3A_812 = tpu.vector_load %arg9[%get3A_810, %get3A_811] {strides = array<i32>} : memref<128x64xf32, #tpu.memory_space<vmem>>, vector<16xf32>,
      %get3A_813 = arith.index_cast %add3A_786 : i32 to index
      %get3A_814 = arith.constant 48 : index
      %get3A_815 = tpu.vector_load %arg10[%get3A_813, %get3A_814] {strides = array<i32>} : memref<128x64xf32, #tpu.memory_space<vmem>>, vector<16xf32>,
      %mul3A_816 = arith.mulf %get3A_812, %get3A_815 : vector<16xf32>
      %add3A_817 = arith.addf %add3A_809, %mul3A_816 : vector<16xf32>
      %lt3A_818 = arith.constant 0 : i32
      %lt3A_819 = vector.broadcast %lt3A_818 : i32 to vector<16xi32>
      %lt3A_820 = arith.cmpi slt, %xor3A_21, %lt3A_819 : vector<16xi32>
      %add3A_821 = arith.constant 16 : i32
      %add3A_822 = vector.broadcast %add3A_821 : i32 to vector<16xi32>
      %add3A_823 = arith.addi %xor3A_21, %add3A_822 : vector<16xi32>
      %select_n3A_824 = arith.select %lt3A_820, %add3A_823, %xor3A_21 : vector<16xi1>, vector<16xi32>
      %broadcast_in_dim3A_825 = vector.shape_cast %select_n3A_824 : vector<16xi32> to vector<16x1xi32>
      %gather3A_826 = vector.shape_cast %broadcast_in_dim3A_825 : vector<16x1xi32> to vector<16xi32>
      %gather3A_827 = tpu.dynamic_gather %add3A_817[%gather3A_826] in [0] : vector<16xf32>, vector<16xi32> -> vector<16xf32>
      %add3A_828 = arith.addf %add3A_817, %gather3A_827 : vector<16xf32>
      %lt3A_829 = arith.constant 0 : i32
      %lt3A_830 = vector.broadcast %lt3A_829 : i32 to vector<16xi32>
      %lt3A_831 = arith.cmpi slt, %xor3A_24, %lt3A_830 : vector<16xi32>
      %add3A_832 = arith.constant 16 : i32
      %add3A_833 = vector.broadcast %add3A_832 : i32 to vector<16xi32>
      %add3A_834 = arith.addi %xor3A_24, %add3A_833 : vector<16xi32>
      %select_n3A_835 = arith.select %lt3A_831, %add3A_834, %xor3A_24 : vector<16xi1>, vector<16xi32>
      %broadcast_in_dim3A_836 = vector.shape_cast %select_n3A_835 : vector<16xi32> to vector<16x1xi32>
      %gather3A_837 = vector.shape_cast %broadcast_in_dim3A_836 : vector<16x1xi32> to vector<16xi32>
      %gather3A_838 = tpu.dynamic_gather %add3A_828[%gather3A_837] in [0] : vector<16xf32>, vector<16xi32> -> vector<16xf32>
      %add3A_839 = arith.addf %add3A_828, %gather3A_838 : vector<16xf32>
      %lt3A_840 = arith.constant 0 : i32
      %lt3A_841 = vector.broadcast %lt3A_840 : i32 to vector<16xi32>
      %lt3A_842 = arith.cmpi slt, %xor3A_27, %lt3A_841 : vector<16xi32>
      %add3A_843 = arith.constant 16 : i32
      %add3A_844 = vector.broadcast %add3A_843 : i32 to vector<16xi32>
      %add3A_845 = arith.addi %xor3A_27, %add3A_844 : vector<16xi32>
      %select_n3A_846 = arith.select %lt3A_842, %add3A_845, %xor3A_27 : vector<16xi1>, vector<16xi32>
      %broadcast_in_dim3A_847 = vector.shape_cast %select_n3A_846 : vector<16xi32> to vector<16x1xi32>
      %gather3A_848 = vector.shape_cast %broadcast_in_dim3A_847 : vector<16x1xi32> to vector<16xi32>
      %gather3A_849 = tpu.dynamic_gather %add3A_839[%gather3A_848] in [0] : vector<16xf32>, vector<16xi32> -> vector<16xf32>
      %add3A_850 = arith.addf %add3A_839, %gather3A_849 : vector<16xf32>
      %lt3A_851 = arith.constant 0 : i32
      %lt3A_852 = vector.broadcast %lt3A_851 : i32 to vector<16xi32>
      %lt3A_853 = arith.cmpi slt, %xor3A_30, %lt3A_852 : vector<16xi32>
      %add3A_854 = arith.constant 16 : i32
      %add3A_855 = vector.broadcast %add3A_854 : i32 to vector<16xi32>
      %add3A_856 = arith.addi %xor3A_30, %add3A_855 : vector<16xi32>
      %select_n3A_857 = arith.select %lt3A_853, %add3A_856, %xor3A_30 : vector<16xi1>, vector<16xi32>
      %broadcast_in_dim3A_858 = vector.shape_cast %select_n3A_857 : vector<16xi32> to vector<16x1xi32>
      %gather3A_859 = vector.shape_cast %broadcast_in_dim3A_858 : vector<16x1xi32> to vector<16xi32>
      %gather3A_860 = tpu.dynamic_gather %add3A_850[%gather3A_859] in [0] : vector<16xf32>, vector<16xi32> -> vector<16xf32>
      %add3A_861 = arith.addf %add3A_850, %gather3A_860 : vector<16xf32>
      %eq3A_862 = arith.constant 9 : i32
      %eq3A_863 = vector.broadcast %eq3A_862 : i32 to vector<16xi32>
      %eq3A_864 = arith.cmpi eq, %iota3A, %eq3A_863 : vector<16xi32>
      %select_n3A_865 = arith.select %eq3A_864, %add3A_861, %select_n3A_782 : vector<16xi1>, vector<16xf32>
      %mul3A_866 = arith.constant 16 : i32
      %mul3A_867 = arith.muli %scan3A_38, %mul3A_866 : i32
      %add3A_868 = arith.constant 10 : i32
      %add3A_869 = arith.addi %mul3A_867, %add3A_868 : i32
      %get3A_870 = arith.index_cast %add3A_869 : i32 to index
      %get3A_871 = arith.constant 0 : index
      %get3A_872 = tpu.vector_load %arg9[%get3A_870, %get3A_871] {strides = array<i32>} : memref<128x64xf32, #tpu.memory_space<vmem>>, vector<16xf32>,
      %get3A_873 = arith.index_cast %add3A_869 : i32 to index
      %get3A_874 = arith.constant 0 : index
      %get3A_875 = tpu.vector_load %arg10[%get3A_873, %get3A_874] {strides = array<i32>} : memref<128x64xf32, #tpu.memory_space<vmem>>, vector<16xf32>,
      %mul3A_876 = arith.mulf %get3A_872, %get3A_875 : vector<16xf32>
      %get3A_877 = arith.index_cast %add3A_869 : i32 to index
      %get3A_878 = arith.constant 16 : index
      %get3A_879 = tpu.vector_load %arg9[%get3A_877, %get3A_878] {strides = array<i32>} : memref<128x64xf32, #tpu.memory_space<vmem>>, vector<16xf32>,
      %get3A_880 = arith.index_cast %add3A_869 : i32 to index
      %get3A_881 = arith.constant 16 : index
      %get3A_882 = tpu.vector_load %arg10[%get3A_880, %get3A_881] {strides = array<i32>} : memref<128x64xf32, #tpu.memory_space<vmem>>, vector<16xf32>,
      %mul3A_883 = arith.mulf %get3A_879, %get3A_882 : vector<16xf32>
      %add3A_884 = arith.addf %mul3A_876, %mul3A_883 : vector<16xf32>
      %get3A_885 = arith.index_cast %add3A_869 : i32 to index
      %get3A_886 = arith.constant 32 : index
      %get3A_887 = tpu.vector_load %arg9[%get3A_885, %get3A_886] {strides = array<i32>} : memref<128x64xf32, #tpu.memory_space<vmem>>, vector<16xf32>,
      %get3A_888 = arith.index_cast %add3A_869 : i32 to index
      %get3A_889 = arith.constant 32 : index
      %get3A_890 = tpu.vector_load %arg10[%get3A_888, %get3A_889] {strides = array<i32>} : memref<128x64xf32, #tpu.memory_space<vmem>>, vector<16xf32>,
      %mul3A_891 = arith.mulf %get3A_887, %get3A_890 : vector<16xf32>
      %add3A_892 = arith.addf %add3A_884, %mul3A_891 : vector<16xf32>
      %get3A_893 = arith.index_cast %add3A_869 : i32 to index
      %get3A_894 = arith.constant 48 : index
      %get3A_895 = tpu.vector_load %arg9[%get3A_893, %get3A_894] {strides = array<i32>} : memref<128x64xf32, #tpu.memory_space<vmem>>, vector<16xf32>,
      %get3A_896 = arith.index_cast %add3A_869 : i32 to index
      %get3A_897 = arith.constant 48 : index
      %get3A_898 = tpu.vector_load %arg10[%get3A_896, %get3A_897] {strides = array<i32>} : memref<128x64xf32, #tpu.memory_space<vmem>>, vector<16xf32>,
      %mul3A_899 = arith.mulf %get3A_895, %get3A_898 : vector<16xf32>
      %add3A_900 = arith.addf %add3A_892, %mul3A_899 : vector<16xf32>
      %lt3A_901 = arith.constant 0 : i32
      %lt3A_902 = vector.broadcast %lt3A_901 : i32 to vector<16xi32>
      %lt3A_903 = arith.cmpi slt, %xor3A_21, %lt3A_902 : vector<16xi32>
      %add3A_904 = arith.constant 16 : i32
      %add3A_905 = vector.broadcast %add3A_904 : i32 to vector<16xi32>
      %add3A_906 = arith.addi %xor3A_21, %add3A_905 : vector<16xi32>
      %select_n3A_907 = arith.select %lt3A_903, %add3A_906, %xor3A_21 : vector<16xi1>, vector<16xi32>
      %broadcast_in_dim3A_908 = vector.shape_cast %select_n3A_907 : vector<16xi32> to vector<16x1xi32>
      %gather3A_909 = vector.shape_cast %broadcast_in_dim3A_908 : vector<16x1xi32> to vector<16xi32>
      %gather3A_910 = tpu.dynamic_gather %add3A_900[%gather3A_909] in [0] : vector<16xf32>, vector<16xi32> -> vector<16xf32>
      %add3A_911 = arith.addf %add3A_900, %gather3A_910 : vector<16xf32>
      %lt3A_912 = arith.constant 0 : i32
      %lt3A_913 = vector.broadcast %lt3A_912 : i32 to vector<16xi32>
      %lt3A_914 = arith.cmpi slt, %xor3A_24, %lt3A_913 : vector<16xi32>
      %add3A_915 = arith.constant 16 : i32
      %add3A_916 = vector.broadcast %add3A_915 : i32 to vector<16xi32>
      %add3A_917 = arith.addi %xor3A_24, %add3A_916 : vector<16xi32>
      %select_n3A_918 = arith.select %lt3A_914, %add3A_917, %xor3A_24 : vector<16xi1>, vector<16xi32>
      %broadcast_in_dim3A_919 = vector.shape_cast %select_n3A_918 : vector<16xi32> to vector<16x1xi32>
      %gather3A_920 = vector.shape_cast %broadcast_in_dim3A_919 : vector<16x1xi32> to vector<16xi32>
      %gather3A_921 = tpu.dynamic_gather %add3A_911[%gather3A_920] in [0] : vector<16xf32>, vector<16xi32> -> vector<16xf32>
      %add3A_922 = arith.addf %add3A_911, %gather3A_921 : vector<16xf32>
      %lt3A_923 = arith.constant 0 : i32
      %lt3A_924 = vector.broadcast %lt3A_923 : i32 to vector<16xi32>
      %lt3A_925 = arith.cmpi slt, %xor3A_27, %lt3A_924 : vector<16xi32>
      %add3A_926 = arith.constant 16 : i32
      %add3A_927 = vector.broadcast %add3A_926 : i32 to vector<16xi32>
      %add3A_928 = arith.addi %xor3A_27, %add3A_927 : vector<16xi32>
      %select_n3A_929 = arith.select %lt3A_925, %add3A_928, %xor3A_27 : vector<16xi1>, vector<16xi32>
      %broadcast_in_dim3A_930 = vector.shape_cast %select_n3A_929 : vector<16xi32> to vector<16x1xi32>
      %gather3A_931 = vector.shape_cast %broadcast_in_dim3A_930 : vector<16x1xi32> to vector<16xi32>
      %gather3A_932 = tpu.dynamic_gather %add3A_922[%gather3A_931] in [0] : vector<16xf32>, vector<16xi32> -> vector<16xf32>
      %add3A_933 = arith.addf %add3A_922, %gather3A_932 : vector<16xf32>
      %lt3A_934 = arith.constant 0 : i32
      %lt3A_935 = vector.broadcast %lt3A_934 : i32 to vector<16xi32>
      %lt3A_936 = arith.cmpi slt, %xor3A_30, %lt3A_935 : vector<16xi32>
      %add3A_937 = arith.constant 16 : i32
      %add3A_938 = vector.broadcast %add3A_937 : i32 to vector<16xi32>
      %add3A_939 = arith.addi %xor3A_30, %add3A_938 : vector<16xi32>
      %select_n3A_940 = arith.select %lt3A_936, %add3A_939, %xor3A_30 : vector<16xi1>, vector<16xi32>
      %broadcast_in_dim3A_941 = vector.shape_cast %select_n3A_940 : vector<16xi32> to vector<16x1xi32>
      %gather3A_942 = vector.shape_cast %broadcast_in_dim3A_941 : vector<16x1xi32> to vector<16xi32>
      %gather3A_943 = tpu.dynamic_gather %add3A_933[%gather3A_942] in [0] : vector<16xf32>, vector<16xi32> -> vector<16xf32>
      %add3A_944 = arith.addf %add3A_933, %gather3A_943 : vector<16xf32>
      %eq3A_945 = arith.constant 10 : i32
      %eq3A_946 = vector.broadcast %eq3A_945 : i32 to vector<16xi32>
      %eq3A_947 = arith.cmpi eq, %iota3A, %eq3A_946 : vector<16xi32>
      %select_n3A_948 = arith.select %eq3A_947, %add3A_944, %select_n3A_865 : vector<16xi1>, vector<16xf32>
      %mul3A_949 = arith.constant 16 : i32
      %mul3A_950 = arith.muli %scan3A_38, %mul3A_949 : i32
      %add3A_951 = arith.constant 11 : i32
      %add3A_952 = arith.addi %mul3A_950, %add3A_951 : i32
      %get3A_953 = arith.index_cast %add3A_952 : i32 to index
      %get3A_954 = arith.constant 0 : index
      %get3A_955 = tpu.vector_load %arg9[%get3A_953, %get3A_954] {strides = array<i32>} : memref<128x64xf32, #tpu.memory_space<vmem>>, vector<16xf32>,
      %get3A_956 = arith.index_cast %add3A_952 : i32 to index
      %get3A_957 = arith.constant 0 : index
      %get3A_958 = tpu.vector_load %arg10[%get3A_956, %get3A_957] {strides = array<i32>} : memref<128x64xf32, #tpu.memory_space<vmem>>, vector<16xf32>,
      %mul3A_959 = arith.mulf %get3A_955, %get3A_958 : vector<16xf32>
      %get3A_960 = arith.index_cast %add3A_952 : i32 to index
      %get3A_961 = arith.constant 16 : index
      %get3A_962 = tpu.vector_load %arg9[%get3A_960, %get3A_961] {strides = array<i32>} : memref<128x64xf32, #tpu.memory_space<vmem>>, vector<16xf32>,
      %get3A_963 = arith.index_cast %add3A_952 : i32 to index
      %get3A_964 = arith.constant 16 : index
      %get3A_965 = tpu.vector_load %arg10[%get3A_963, %get3A_964] {strides = array<i32>} : memref<128x64xf32, #tpu.memory_space<vmem>>, vector<16xf32>,
      %mul3A_966 = arith.mulf %get3A_962, %get3A_965 : vector<16xf32>
      %add3A_967 = arith.addf %mul3A_959, %mul3A_966 : vector<16xf32>
      %get3A_968 = arith.index_cast %add3A_952 : i32 to index
      %get3A_969 = arith.constant 32 : index
      %get3A_970 = tpu.vector_load %arg9[%get3A_968, %get3A_969] {strides = array<i32>} : memref<128x64xf32, #tpu.memory_space<vmem>>, vector<16xf32>,
      %get3A_971 = arith.index_cast %add3A_952 : i32 to index
      %get3A_972 = arith.constant 32 : index
      %get3A_973 = tpu.vector_load %arg10[%get3A_971, %get3A_972] {strides = array<i32>} : memref<128x64xf32, #tpu.memory_space<vmem>>, vector<16xf32>,
      %mul3A_974 = arith.mulf %get3A_970, %get3A_973 : vector<16xf32>
      %add3A_975 = arith.addf %add3A_967, %mul3A_974 : vector<16xf32>
      %get3A_976 = arith.index_cast %add3A_952 : i32 to index
      %get3A_977 = arith.constant 48 : index
      %get3A_978 = tpu.vector_load %arg9[%get3A_976, %get3A_977] {strides = array<i32>} : memref<128x64xf32, #tpu.memory_space<vmem>>, vector<16xf32>,
      %get3A_979 = arith.index_cast %add3A_952 : i32 to index
      %get3A_980 = arith.constant 48 : index
      %get3A_981 = tpu.vector_load %arg10[%get3A_979, %get3A_980] {strides = array<i32>} : memref<128x64xf32, #tpu.memory_space<vmem>>, vector<16xf32>,
      %mul3A_982 = arith.mulf %get3A_978, %get3A_981 : vector<16xf32>
      %add3A_983 = arith.addf %add3A_975, %mul3A_982 : vector<16xf32>
      %lt3A_984 = arith.constant 0 : i32
      %lt3A_985 = vector.broadcast %lt3A_984 : i32 to vector<16xi32>
      %lt3A_986 = arith.cmpi slt, %xor3A_21, %lt3A_985 : vector<16xi32>
      %add3A_987 = arith.constant 16 : i32
      %add3A_988 = vector.broadcast %add3A_987 : i32 to vector<16xi32>
      %add3A_989 = arith.addi %xor3A_21, %add3A_988 : vector<16xi32>
      %select_n3A_990 = arith.select %lt3A_986, %add3A_989, %xor3A_21 : vector<16xi1>, vector<16xi32>
      %broadcast_in_dim3A_991 = vector.shape_cast %select_n3A_990 : vector<16xi32> to vector<16x1xi32>
      %gather3A_992 = vector.shape_cast %broadcast_in_dim3A_991 : vector<16x1xi32> to vector<16xi32>
      %gather3A_993 = tpu.dynamic_gather %add3A_983[%gather3A_992] in [0] : vector<16xf32>, vector<16xi32> -> vector<16xf32>
      %add3A_994 = arith.addf %add3A_983, %gather3A_993 : vector<16xf32>
      %lt3A_995 = arith.constant 0 : i32
      %lt3A_996 = vector.broadcast %lt3A_995 : i32 to vector<16xi32>
      %lt3A_997 = arith.cmpi slt, %xor3A_24, %lt3A_996 : vector<16xi32>
      %add3A_998 = arith.constant 16 : i32
      %add3A_999 = vector.broadcast %add3A_998 : i32 to vector<16xi32>
      %add3A_1000 = arith.addi %xor3A_24, %add3A_999 : vector<16xi32>
      %select_n3A_1001 = arith.select %lt3A_997, %add3A_1000, %xor3A_24 : vector<16xi1>, vector<16xi32>
      %broadcast_in_dim3A_1002 = vector.shape_cast %select_n3A_1001 : vector<16xi32> to vector<16x1xi32>
      %gather3A_1003 = vector.shape_cast %broadcast_in_dim3A_1002 : vector<16x1xi32> to vector<16xi32>
      %gather3A_1004 = tpu.dynamic_gather %add3A_994[%gather3A_1003] in [0] : vector<16xf32>, vector<16xi32> -> vector<16xf32>
      %add3A_1005 = arith.addf %add3A_994, %gather3A_1004 : vector<16xf32>
      %lt3A_1006 = arith.constant 0 : i32
      %lt3A_1007 = vector.broadcast %lt3A_1006 : i32 to vector<16xi32>
      %lt3A_1008 = arith.cmpi slt, %xor3A_27, %lt3A_1007 : vector<16xi32>
      %add3A_1009 = arith.constant 16 : i32
      %add3A_1010 = vector.broadcast %add3A_1009 : i32 to vector<16xi32>
      %add3A_1011 = arith.addi %xor3A_27, %add3A_1010 : vector<16xi32>
      %select_n3A_1012 = arith.select %lt3A_1008, %add3A_1011, %xor3A_27 : vector<16xi1>, vector<16xi32>
      %broadcast_in_dim3A_1013 = vector.shape_cast %select_n3A_1012 : vector<16xi32> to vector<16x1xi32>
      %gather3A_1014 = vector.shape_cast %broadcast_in_dim3A_1013 : vector<16x1xi32> to vector<16xi32>
      %gather3A_1015 = tpu.dynamic_gather %add3A_1005[%gather3A_1014] in [0] : vector<16xf32>, vector<16xi32> -> vector<16xf32>
      %add3A_1016 = arith.addf %add3A_1005, %gather3A_1015 : vector<16xf32>
      %lt3A_1017 = arith.constant 0 : i32
      %lt3A_1018 = vector.broadcast %lt3A_1017 : i32 to vector<16xi32>
      %lt3A_1019 = arith.cmpi slt, %xor3A_30, %lt3A_1018 : vector<16xi32>
      %add3A_1020 = arith.constant 16 : i32
      %add3A_1021 = vector.broadcast %add3A_1020 : i32 to vector<16xi32>
      %add3A_1022 = arith.addi %xor3A_30, %add3A_1021 : vector<16xi32>
      %select_n3A_1023 = arith.select %lt3A_1019, %add3A_1022, %xor3A_30 : vector<16xi1>, vector<16xi32>
      %broadcast_in_dim3A_1024 = vector.shape_cast %select_n3A_1023 : vector<16xi32> to vector<16x1xi32>
      %gather3A_1025 = vector.shape_cast %broadcast_in_dim3A_1024 : vector<16x1xi32> to vector<16xi32>
      %gather3A_1026 = tpu.dynamic_gather %add3A_1016[%gather3A_1025] in [0] : vector<16xf32>, vector<16xi32> -> vector<16xf32>
      %add3A_1027 = arith.addf %add3A_1016, %gather3A_1026 : vector<16xf32>
      %eq3A_1028 = arith.constant 11 : i32
      %eq3A_1029 = vector.broadcast %eq3A_1028 : i32 to vector<16xi32>
      %eq3A_1030 = arith.cmpi eq, %iota3A, %eq3A_1029 : vector<16xi32>
      %select_n3A_1031 = arith.select %eq3A_1030, %add3A_1027, %select_n3A_948 : vector<16xi1>, vector<16xf32>
      %mul3A_1032 = arith.constant 16 : i32
      %mul3A_1033 = arith.muli %scan3A_38, %mul3A_1032 : i32
      %add3A_1034 = arith.constant 12 : i32
      %add3A_1035 = arith.addi %mul3A_1033, %add3A_1034 : i32
      %get3A_1036 = arith.index_cast %add3A_1035 : i32 to index
      %get3A_1037 = arith.constant 0 : index
      %get3A_1038 = tpu.vector_load %arg9[%get3A_1036, %get3A_1037] {strides = array<i32>} : memref<128x64xf32, #tpu.memory_space<vmem>>, vector<16xf32>,
      %get3A_1039 = arith.index_cast %add3A_1035 : i32 to index
      %get3A_1040 = arith.constant 0 : index
      %get3A_1041 = tpu.vector_load %arg10[%get3A_1039, %get3A_1040] {strides = array<i32>} : memref<128x64xf32, #tpu.memory_space<vmem>>, vector<16xf32>,
      %mul3A_1042 = arith.mulf %get3A_1038, %get3A_1041 : vector<16xf32>
      %get3A_1043 = arith.index_cast %add3A_1035 : i32 to index
      %get3A_1044 = arith.constant 16 : index
      %get3A_1045 = tpu.vector_load %arg9[%get3A_1043, %get3A_1044] {strides = array<i32>} : memref<128x64xf32, #tpu.memory_space<vmem>>, vector<16xf32>,
      %get3A_1046 = arith.index_cast %add3A_1035 : i32 to index
      %get3A_1047 = arith.constant 16 : index
      %get3A_1048 = tpu.vector_load %arg10[%get3A_1046, %get3A_1047] {strides = array<i32>} : memref<128x64xf32, #tpu.memory_space<vmem>>, vector<16xf32>,
      %mul3A_1049 = arith.mulf %get3A_1045, %get3A_1048 : vector<16xf32>
      %add3A_1050 = arith.addf %mul3A_1042, %mul3A_1049 : vector<16xf32>
      %get3A_1051 = arith.index_cast %add3A_1035 : i32 to index
      %get3A_1052 = arith.constant 32 : index
      %get3A_1053 = tpu.vector_load %arg9[%get3A_1051, %get3A_1052] {strides = array<i32>} : memref<128x64xf32, #tpu.memory_space<vmem>>, vector<16xf32>,
      %get3A_1054 = arith.index_cast %add3A_1035 : i32 to index
      %get3A_1055 = arith.constant 32 : index
      %get3A_1056 = tpu.vector_load %arg10[%get3A_1054, %get3A_1055] {strides = array<i32>} : memref<128x64xf32, #tpu.memory_space<vmem>>, vector<16xf32>,
      %mul3A_1057 = arith.mulf %get3A_1053, %get3A_1056 : vector<16xf32>
      %add3A_1058 = arith.addf %add3A_1050, %mul3A_1057 : vector<16xf32>
      %get3A_1059 = arith.index_cast %add3A_1035 : i32 to index
      %get3A_1060 = arith.constant 48 : index
      %get3A_1061 = tpu.vector_load %arg9[%get3A_1059, %get3A_1060] {strides = array<i32>} : memref<128x64xf32, #tpu.memory_space<vmem>>, vector<16xf32>,
      %get3A_1062 = arith.index_cast %add3A_1035 : i32 to index
      %get3A_1063 = arith.constant 48 : index
      %get3A_1064 = tpu.vector_load %arg10[%get3A_1062, %get3A_1063] {strides = array<i32>} : memref<128x64xf32, #tpu.memory_space<vmem>>, vector<16xf32>,
      %mul3A_1065 = arith.mulf %get3A_1061, %get3A_1064 : vector<16xf32>
      %add3A_1066 = arith.addf %add3A_1058, %mul3A_1065 : vector<16xf32>
      %lt3A_1067 = arith.constant 0 : i32
      %lt3A_1068 = vector.broadcast %lt3A_1067 : i32 to vector<16xi32>
      %lt3A_1069 = arith.cmpi slt, %xor3A_21, %lt3A_1068 : vector<16xi32>
      %add3A_1070 = arith.constant 16 : i32
      %add3A_1071 = vector.broadcast %add3A_1070 : i32 to vector<16xi32>
      %add3A_1072 = arith.addi %xor3A_21, %add3A_1071 : vector<16xi32>
      %select_n3A_1073 = arith.select %lt3A_1069, %add3A_1072, %xor3A_21 : vector<16xi1>, vector<16xi32>
      %broadcast_in_dim3A_1074 = vector.shape_cast %select_n3A_1073 : vector<16xi32> to vector<16x1xi32>
      %gather3A_1075 = vector.shape_cast %broadcast_in_dim3A_1074 : vector<16x1xi32> to vector<16xi32>
      %gather3A_1076 = tpu.dynamic_gather %add3A_1066[%gather3A_1075] in [0] : vector<16xf32>, vector<16xi32> -> vector<16xf32>
      %add3A_1077 = arith.addf %add3A_1066, %gather3A_1076 : vector<16xf32>
      %lt3A_1078 = arith.constant 0 : i32
      %lt3A_1079 = vector.broadcast %lt3A_1078 : i32 to vector<16xi32>
      %lt3A_1080 = arith.cmpi slt, %xor3A_24, %lt3A_1079 : vector<16xi32>
      %add3A_1081 = arith.constant 16 : i32
      %add3A_1082 = vector.broadcast %add3A_1081 : i32 to vector<16xi32>
      %add3A_1083 = arith.addi %xor3A_24, %add3A_1082 : vector<16xi32>
      %select_n3A_1084 = arith.select %lt3A_1080, %add3A_1083, %xor3A_24 : vector<16xi1>, vector<16xi32>
      %broadcast_in_dim3A_1085 = vector.shape_cast %select_n3A_1084 : vector<16xi32> to vector<16x1xi32>
      %gather3A_1086 = vector.shape_cast %broadcast_in_dim3A_1085 : vector<16x1xi32> to vector<16xi32>
      %gather3A_1087 = tpu.dynamic_gather %add3A_1077[%gather3A_1086] in [0] : vector<16xf32>, vector<16xi32> -> vector<16xf32>
      %add3A_1088 = arith.addf %add3A_1077, %gather3A_1087 : vector<16xf32>
      %lt3A_1089 = arith.constant 0 : i32
      %lt3A_1090 = vector.broadcast %lt3A_1089 : i32 to vector<16xi32>
      %lt3A_1091 = arith.cmpi slt, %xor3A_27, %lt3A_1090 : vector<16xi32>
      %add3A_1092 = arith.constant 16 : i32
      %add3A_1093 = vector.broadcast %add3A_1092 : i32 to vector<16xi32>
      %add3A_1094 = arith.addi %xor3A_27, %add3A_1093 : vector<16xi32>
      %select_n3A_1095 = arith.select %lt3A_1091, %add3A_1094, %xor3A_27 : vector<16xi1>, vector<16xi32>
      %broadcast_in_dim3A_1096 = vector.shape_cast %select_n3A_1095 : vector<16xi32> to vector<16x1xi32>
      %gather3A_1097 = vector.shape_cast %broadcast_in_dim3A_1096 : vector<16x1xi32> to vector<16xi32>
      %gather3A_1098 = tpu.dynamic_gather %add3A_1088[%gather3A_1097] in [0] : vector<16xf32>, vector<16xi32> -> vector<16xf32>
      %add3A_1099 = arith.addf %add3A_1088, %gather3A_1098 : vector<16xf32>
      %lt3A_1100 = arith.constant 0 : i32
      %lt3A_1101 = vector.broadcast %lt3A_1100 : i32 to vector<16xi32>
      %lt3A_1102 = arith.cmpi slt, %xor3A_30, %lt3A_1101 : vector<16xi32>
      %add3A_1103 = arith.constant 16 : i32
      %add3A_1104 = vector.broadcast %add3A_1103 : i32 to vector<16xi32>
      %add3A_1105 = arith.addi %xor3A_30, %add3A_1104 : vector<16xi32>
      %select_n3A_1106 = arith.select %lt3A_1102, %add3A_1105, %xor3A_30 : vector<16xi1>, vector<16xi32>
      %broadcast_in_dim3A_1107 = vector.shape_cast %select_n3A_1106 : vector<16xi32> to vector<16x1xi32>
      %gather3A_1108 = vector.shape_cast %broadcast_in_dim3A_1107 : vector<16x1xi32> to vector<16xi32>
      %gather3A_1109 = tpu.dynamic_gather %add3A_1099[%gather3A_1108] in [0] : vector<16xf32>, vector<16xi32> -> vector<16xf32>
      %add3A_1110 = arith.addf %add3A_1099, %gather3A_1109 : vector<16xf32>
      %eq3A_1111 = arith.constant 12 : i32
      %eq3A_1112 = vector.broadcast %eq3A_1111 : i32 to vector<16xi32>
      %eq3A_1113 = arith.cmpi eq, %iota3A, %eq3A_1112 : vector<16xi32>
      %select_n3A_1114 = arith.select %eq3A_1113, %add3A_1110, %select_n3A_1031 : vector<16xi1>, vector<16xf32>
      %mul3A_1115 = arith.constant 16 : i32
      %mul3A_1116 = arith.muli %scan3A_38, %mul3A_1115 : i32
      %add3A_1117 = arith.constant 13 : i32
      %add3A_1118 = arith.addi %mul3A_1116, %add3A_1117 : i32
      %get3A_1119 = arith.index_cast %add3A_1118 : i32 to index
      %get3A_1120 = arith.constant 0 : index
      %get3A_1121 = tpu.vector_load %arg9[%get3A_1119, %get3A_1120] {strides = array<i32>} : memref<128x64xf32, #tpu.memory_space<vmem>>, vector<16xf32>,
      %get3A_1122 = arith.index_cast %add3A_1118 : i32 to index
      %get3A_1123 = arith.constant 0 : index
      %get3A_1124 = tpu.vector_load %arg10[%get3A_1122, %get3A_1123] {strides = array<i32>} : memref<128x64xf32, #tpu.memory_space<vmem>>, vector<16xf32>,
      %mul3A_1125 = arith.mulf %get3A_1121, %get3A_1124 : vector<16xf32>
      %get3A_1126 = arith.index_cast %add3A_1118 : i32 to index
      %get3A_1127 = arith.constant 16 : index
      %get3A_1128 = tpu.vector_load %arg9[%get3A_1126, %get3A_1127] {strides = array<i32>} : memref<128x64xf32, #tpu.memory_space<vmem>>, vector<16xf32>,
      %get3A_1129 = arith.index_cast %add3A_1118 : i32 to index
      %get3A_1130 = arith.constant 16 : index
      %get3A_1131 = tpu.vector_load %arg10[%get3A_1129, %get3A_1130] {strides = array<i32>} : memref<128x64xf32, #tpu.memory_space<vmem>>, vector<16xf32>,
      %mul3A_1132 = arith.mulf %get3A_1128, %get3A_1131 : vector<16xf32>
      %add3A_1133 = arith.addf %mul3A_1125, %mul3A_1132 : vector<16xf32>
      %get3A_1134 = arith.index_cast %add3A_1118 : i32 to index
      %get3A_1135 = arith.constant 32 : index
      %get3A_1136 = tpu.vector_load %arg9[%get3A_1134, %get3A_1135] {strides = array<i32>} : memref<128x64xf32, #tpu.memory_space<vmem>>, vector<16xf32>,
      %get3A_1137 = arith.index_cast %add3A_1118 : i32 to index
      %get3A_1138 = arith.constant 32 : index
      %get3A_1139 = tpu.vector_load %arg10[%get3A_1137, %get3A_1138] {strides = array<i32>} : memref<128x64xf32, #tpu.memory_space<vmem>>, vector<16xf32>,
      %mul3A_1140 = arith.mulf %get3A_1136, %get3A_1139 : vector<16xf32>
      %add3A_1141 = arith.addf %add3A_1133, %mul3A_1140 : vector<16xf32>
      %get3A_1142 = arith.index_cast %add3A_1118 : i32 to index
      %get3A_1143 = arith.constant 48 : index
      %get3A_1144 = tpu.vector_load %arg9[%get3A_1142, %get3A_1143] {strides = array<i32>} : memref<128x64xf32, #tpu.memory_space<vmem>>, vector<16xf32>,
      %get3A_1145 = arith.index_cast %add3A_1118 : i32 to index
      %get3A_1146 = arith.constant 48 : index
      %get3A_1147 = tpu.vector_load %arg10[%get3A_1145, %get3A_1146] {strides = array<i32>} : memref<128x64xf32, #tpu.memory_space<vmem>>, vector<16xf32>,
      %mul3A_1148 = arith.mulf %get3A_1144, %get3A_1147 : vector<16xf32>
      %add3A_1149 = arith.addf %add3A_1141, %mul3A_1148 : vector<16xf32>
      %lt3A_1150 = arith.constant 0 : i32
      %lt3A_1151 = vector.broadcast %lt3A_1150 : i32 to vector<16xi32>
      %lt3A_1152 = arith.cmpi slt, %xor3A_21, %lt3A_1151 : vector<16xi32>
      %add3A_1153 = arith.constant 16 : i32
      %add3A_1154 = vector.broadcast %add3A_1153 : i32 to vector<16xi32>
      %add3A_1155 = arith.addi %xor3A_21, %add3A_1154 : vector<16xi32>
      %select_n3A_1156 = arith.select %lt3A_1152, %add3A_1155, %xor3A_21 : vector<16xi1>, vector<16xi32>
      %broadcast_in_dim3A_1157 = vector.shape_cast %select_n3A_1156 : vector<16xi32> to vector<16x1xi32>
      %gather3A_1158 = vector.shape_cast %broadcast_in_dim3A_1157 : vector<16x1xi32> to vector<16xi32>
      %gather3A_1159 = tpu.dynamic_gather %add3A_1149[%gather3A_1158] in [0] : vector<16xf32>, vector<16xi32> -> vector<16xf32>
      %add3A_1160 = arith.addf %add3A_1149, %gather3A_1159 : vector<16xf32>
      %lt3A_1161 = arith.constant 0 : i32
      %lt3A_1162 = vector.broadcast %lt3A_1161 : i32 to vector<16xi32>
      %lt3A_1163 = arith.cmpi slt, %xor3A_24, %lt3A_1162 : vector<16xi32>
      %add3A_1164 = arith.constant 16 : i32
      %add3A_1165 = vector.broadcast %add3A_1164 : i32 to vector<16xi32>
      %add3A_1166 = arith.addi %xor3A_24, %add3A_1165 : vector<16xi32>
      %select_n3A_1167 = arith.select %lt3A_1163, %add3A_1166, %xor3A_24 : vector<16xi1>, vector<16xi32>
      %broadcast_in_dim3A_1168 = vector.shape_cast %select_n3A_1167 : vector<16xi32> to vector<16x1xi32>
      %gather3A_1169 = vector.shape_cast %broadcast_in_dim3A_1168 : vector<16x1xi32> to vector<16xi32>
      %gather3A_1170 = tpu.dynamic_gather %add3A_1160[%gather3A_1169] in [0] : vector<16xf32>, vector<16xi32> -> vector<16xf32>
      %add3A_1171 = arith.addf %add3A_1160, %gather3A_1170 : vector<16xf32>
      %lt3A_1172 = arith.constant 0 : i32
      %lt3A_1173 = vector.broadcast %lt3A_1172 : i32 to vector<16xi32>
      %lt3A_1174 = arith.cmpi slt, %xor3A_27, %lt3A_1173 : vector<16xi32>
      %add3A_1175 = arith.constant 16 : i32
      %add3A_1176 = vector.broadcast %add3A_1175 : i32 to vector<16xi32>
      %add3A_1177 = arith.addi %xor3A_27, %add3A_1176 : vector<16xi32>
      %select_n3A_1178 = arith.select %lt3A_1174, %add3A_1177, %xor3A_27 : vector<16xi1>, vector<16xi32>
      %broadcast_in_dim3A_1179 = vector.shape_cast %select_n3A_1178 : vector<16xi32> to vector<16x1xi32>
      %gather3A_1180 = vector.shape_cast %broadcast_in_dim3A_1179 : vector<16x1xi32> to vector<16xi32>
      %gather3A_1181 = tpu.dynamic_gather %add3A_1171[%gather3A_1180] in [0] : vector<16xf32>, vector<16xi32> -> vector<16xf32>
      %add3A_1182 = arith.addf %add3A_1171, %gather3A_1181 : vector<16xf32>
      %lt3A_1183 = arith.constant 0 : i32
      %lt3A_1184 = vector.broadcast %lt3A_1183 : i32 to vector<16xi32>
      %lt3A_1185 = arith.cmpi slt, %xor3A_30, %lt3A_1184 : vector<16xi32>
      %add3A_1186 = arith.constant 16 : i32
      %add3A_1187 = vector.broadcast %add3A_1186 : i32 to vector<16xi32>
      %add3A_1188 = arith.addi %xor3A_30, %add3A_1187 : vector<16xi32>
      %select_n3A_1189 = arith.select %lt3A_1185, %add3A_1188, %xor3A_30 : vector<16xi1>, vector<16xi32>
      %broadcast_in_dim3A_1190 = vector.shape_cast %select_n3A_1189 : vector<16xi32> to vector<16x1xi32>
      %gather3A_1191 = vector.shape_cast %broadcast_in_dim3A_1190 : vector<16x1xi32> to vector<16xi32>
      %gather3A_1192 = tpu.dynamic_gather %add3A_1182[%gather3A_1191] in [0] : vector<16xf32>, vector<16xi32> -> vector<16xf32>
      %add3A_1193 = arith.addf %add3A_1182, %gather3A_1192 : vector<16xf32>
      %eq3A_1194 = arith.constant 13 : i32
      %eq3A_1195 = vector.broadcast %eq3A_1194 : i32 to vector<16xi32>
      %eq3A_1196 = arith.cmpi eq, %iota3A, %eq3A_1195 : vector<16xi32>
      %select_n3A_1197 = arith.select %eq3A_1196, %add3A_1193, %select_n3A_1114 : vector<16xi1>, vector<16xf32>
      %mul3A_1198 = arith.constant 16 : i32
      %mul3A_1199 = arith.muli %scan3A_38, %mul3A_1198 : i32
      %add3A_1200 = arith.constant 14 : i32
      %add3A_1201 = arith.addi %mul3A_1199, %add3A_1200 : i32
      %get3A_1202 = arith.index_cast %add3A_1201 : i32 to index
      %get3A_1203 = arith.constant 0 : index
      %get3A_1204 = tpu.vector_load %arg9[%get3A_1202, %get3A_1203] {strides = array<i32>} : memref<128x64xf32, #tpu.memory_space<vmem>>, vector<16xf32>,
      %get3A_1205 = arith.index_cast %add3A_1201 : i32 to index
      %get3A_1206 = arith.constant 0 : index
      %get3A_1207 = tpu.vector_load %arg10[%get3A_1205, %get3A_1206] {strides = array<i32>} : memref<128x64xf32, #tpu.memory_space<vmem>>, vector<16xf32>,
      %mul3A_1208 = arith.mulf %get3A_1204, %get3A_1207 : vector<16xf32>
      %get3A_1209 = arith.index_cast %add3A_1201 : i32 to index
      %get3A_1210 = arith.constant 16 : index
      %get3A_1211 = tpu.vector_load %arg9[%get3A_1209, %get3A_1210] {strides = array<i32>} : memref<128x64xf32, #tpu.memory_space<vmem>>, vector<16xf32>,
      %get3A_1212 = arith.index_cast %add3A_1201 : i32 to index
      %get3A_1213 = arith.constant 16 : index
      %get3A_1214 = tpu.vector_load %arg10[%get3A_1212, %get3A_1213] {strides = array<i32>} : memref<128x64xf32, #tpu.memory_space<vmem>>, vector<16xf32>,
      %mul3A_1215 = arith.mulf %get3A_1211, %get3A_1214 : vector<16xf32>
      %add3A_1216 = arith.addf %mul3A_1208, %mul3A_1215 : vector<16xf32>
      %get3A_1217 = arith.index_cast %add3A_1201 : i32 to index
      %get3A_1218 = arith.constant 32 : index
      %get3A_1219 = tpu.vector_load %arg9[%get3A_1217, %get3A_1218] {strides = array<i32>} : memref<128x64xf32, #tpu.memory_space<vmem>>, vector<16xf32>,
      %get3A_1220 = arith.index_cast %add3A_1201 : i32 to index
      %get3A_1221 = arith.constant 32 : index
      %get3A_1222 = tpu.vector_load %arg10[%get3A_1220, %get3A_1221] {strides = array<i32>} : memref<128x64xf32, #tpu.memory_space<vmem>>, vector<16xf32>,
      %mul3A_1223 = arith.mulf %get3A_1219, %get3A_1222 : vector<16xf32>
      %add3A_1224 = arith.addf %add3A_1216, %mul3A_1223 : vector<16xf32>
      %get3A_1225 = arith.index_cast %add3A_1201 : i32 to index
      %get3A_1226 = arith.constant 48 : index
      %get3A_1227 = tpu.vector_load %arg9[%get3A_1225, %get3A_1226] {strides = array<i32>} : memref<128x64xf32, #tpu.memory_space<vmem>>, vector<16xf32>,
      %get3A_1228 = arith.index_cast %add3A_1201 : i32 to index
      %get3A_1229 = arith.constant 48 : index
      %get3A_1230 = tpu.vector_load %arg10[%get3A_1228, %get3A_1229] {strides = array<i32>} : memref<128x64xf32, #tpu.memory_space<vmem>>, vector<16xf32>,
      %mul3A_1231 = arith.mulf %get3A_1227, %get3A_1230 : vector<16xf32>
      %add3A_1232 = arith.addf %add3A_1224, %mul3A_1231 : vector<16xf32>
      %lt3A_1233 = arith.constant 0 : i32
      %lt3A_1234 = vector.broadcast %lt3A_1233 : i32 to vector<16xi32>
      %lt3A_1235 = arith.cmpi slt, %xor3A_21, %lt3A_1234 : vector<16xi32>
      %add3A_1236 = arith.constant 16 : i32
      %add3A_1237 = vector.broadcast %add3A_1236 : i32 to vector<16xi32>
      %add3A_1238 = arith.addi %xor3A_21, %add3A_1237 : vector<16xi32>
      %select_n3A_1239 = arith.select %lt3A_1235, %add3A_1238, %xor3A_21 : vector<16xi1>, vector<16xi32>
      %broadcast_in_dim3A_1240 = vector.shape_cast %select_n3A_1239 : vector<16xi32> to vector<16x1xi32>
      %gather3A_1241 = vector.shape_cast %broadcast_in_dim3A_1240 : vector<16x1xi32> to vector<16xi32>
      %gather3A_1242 = tpu.dynamic_gather %add3A_1232[%gather3A_1241] in [0] : vector<16xf32>, vector<16xi32> -> vector<16xf32>
      %add3A_1243 = arith.addf %add3A_1232, %gather3A_1242 : vector<16xf32>
      %lt3A_1244 = arith.constant 0 : i32
      %lt3A_1245 = vector.broadcast %lt3A_1244 : i32 to vector<16xi32>
      %lt3A_1246 = arith.cmpi slt, %xor3A_24, %lt3A_1245 : vector<16xi32>
      %add3A_1247 = arith.constant 16 : i32
      %add3A_1248 = vector.broadcast %add3A_1247 : i32 to vector<16xi32>
      %add3A_1249 = arith.addi %xor3A_24, %add3A_1248 : vector<16xi32>
      %select_n3A_1250 = arith.select %lt3A_1246, %add3A_1249, %xor3A_24 : vector<16xi1>, vector<16xi32>
      %broadcast_in_dim3A_1251 = vector.shape_cast %select_n3A_1250 : vector<16xi32> to vector<16x1xi32>
      %gather3A_1252 = vector.shape_cast %broadcast_in_dim3A_1251 : vector<16x1xi32> to vector<16xi32>
      %gather3A_1253 = tpu.dynamic_gather %add3A_1243[%gather3A_1252] in [0] : vector<16xf32>, vector<16xi32> -> vector<16xf32>
      %add3A_1254 = arith.addf %add3A_1243, %gather3A_1253 : vector<16xf32>
      %lt3A_1255 = arith.constant 0 : i32
      %lt3A_1256 = vector.broadcast %lt3A_1255 : i32 to vector<16xi32>
      %lt3A_1257 = arith.cmpi slt, %xor3A_27, %lt3A_1256 : vector<16xi32>
      %add3A_1258 = arith.constant 16 : i32
      %add3A_1259 = vector.broadcast %add3A_1258 : i32 to vector<16xi32>
      %add3A_1260 = arith.addi %xor3A_27, %add3A_1259 : vector<16xi32>
      %select_n3A_1261 = arith.select %lt3A_1257, %add3A_1260, %xor3A_27 : vector<16xi1>, vector<16xi32>
      %broadcast_in_dim3A_1262 = vector.shape_cast %select_n3A_1261 : vector<16xi32> to vector<16x1xi32>
      %gather3A_1263 = vector.shape_cast %broadcast_in_dim3A_1262 : vector<16x1xi32> to vector<16xi32>
      %gather3A_1264 = tpu.dynamic_gather %add3A_1254[%gather3A_1263] in [0] : vector<16xf32>, vector<16xi32> -> vector<16xf32>
      %add3A_1265 = arith.addf %add3A_1254, %gather3A_1264 : vector<16xf32>
      %lt3A_1266 = arith.constant 0 : i32
      %lt3A_1267 = vector.broadcast %lt3A_1266 : i32 to vector<16xi32>
      %lt3A_1268 = arith.cmpi slt, %xor3A_30, %lt3A_1267 : vector<16xi32>
      %add3A_1269 = arith.constant 16 : i32
      %add3A_1270 = vector.broadcast %add3A_1269 : i32 to vector<16xi32>
      %add3A_1271 = arith.addi %xor3A_30, %add3A_1270 : vector<16xi32>
      %select_n3A_1272 = arith.select %lt3A_1268, %add3A_1271, %xor3A_30 : vector<16xi1>, vector<16xi32>
      %broadcast_in_dim3A_1273 = vector.shape_cast %select_n3A_1272 : vector<16xi32> to vector<16x1xi32>
      %gather3A_1274 = vector.shape_cast %broadcast_in_dim3A_1273 : vector<16x1xi32> to vector<16xi32>
      %gather3A_1275 = tpu.dynamic_gather %add3A_1265[%gather3A_1274] in [0] : vector<16xf32>, vector<16xi32> -> vector<16xf32>
      %add3A_1276 = arith.addf %add3A_1265, %gather3A_1275 : vector<16xf32>
      %eq3A_1277 = arith.constant 14 : i32
      %eq3A_1278 = vector.broadcast %eq3A_1277 : i32 to vector<16xi32>
      %eq3A_1279 = arith.cmpi eq, %iota3A, %eq3A_1278 : vector<16xi32>
      %select_n3A_1280 = arith.select %eq3A_1279, %add3A_1276, %select_n3A_1197 : vector<16xi1>, vector<16xf32>
      %mul3A_1281 = arith.constant 16 : i32
      %mul3A_1282 = arith.muli %scan3A_38, %mul3A_1281 : i32
      %add3A_1283 = arith.constant 15 : i32
      %add3A_1284 = arith.addi %mul3A_1282, %add3A_1283 : i32
      %get3A_1285 = arith.index_cast %add3A_1284 : i32 to index
      %get3A_1286 = arith.constant 0 : index
      %get3A_1287 = tpu.vector_load %arg9[%get3A_1285, %get3A_1286] {strides = array<i32>} : memref<128x64xf32, #tpu.memory_space<vmem>>, vector<16xf32>,
      %get3A_1288 = arith.index_cast %add3A_1284 : i32 to index
      %get3A_1289 = arith.constant 0 : index
      %get3A_1290 = tpu.vector_load %arg10[%get3A_1288, %get3A_1289] {strides = array<i32>} : memref<128x64xf32, #tpu.memory_space<vmem>>, vector<16xf32>,
      %mul3A_1291 = arith.mulf %get3A_1287, %get3A_1290 : vector<16xf32>
      %get3A_1292 = arith.index_cast %add3A_1284 : i32 to index
      %get3A_1293 = arith.constant 16 : index
      %get3A_1294 = tpu.vector_load %arg9[%get3A_1292, %get3A_1293] {strides = array<i32>} : memref<128x64xf32, #tpu.memory_space<vmem>>, vector<16xf32>,
      %get3A_1295 = arith.index_cast %add3A_1284 : i32 to index
      %get3A_1296 = arith.constant 16 : index
      %get3A_1297 = tpu.vector_load %arg10[%get3A_1295, %get3A_1296] {strides = array<i32>} : memref<128x64xf32, #tpu.memory_space<vmem>>, vector<16xf32>,
      %mul3A_1298 = arith.mulf %get3A_1294, %get3A_1297 : vector<16xf32>
      %add3A_1299 = arith.addf %mul3A_1291, %mul3A_1298 : vector<16xf32>
      %get3A_1300 = arith.index_cast %add3A_1284 : i32 to index
      %get3A_1301 = arith.constant 32 : index
      %get3A_1302 = tpu.vector_load %arg9[%get3A_1300, %get3A_1301] {strides = array<i32>} : memref<128x64xf32, #tpu.memory_space<vmem>>, vector<16xf32>,
      %get3A_1303 = arith.index_cast %add3A_1284 : i32 to index
      %get3A_1304 = arith.constant 32 : index
      %get3A_1305 = tpu.vector_load %arg10[%get3A_1303, %get3A_1304] {strides = array<i32>} : memref<128x64xf32, #tpu.memory_space<vmem>>, vector<16xf32>,
      %mul3A_1306 = arith.mulf %get3A_1302, %get3A_1305 : vector<16xf32>
      %add3A_1307 = arith.addf %add3A_1299, %mul3A_1306 : vector<16xf32>
      %get3A_1308 = arith.index_cast %add3A_1284 : i32 to index
      %get3A_1309 = arith.constant 48 : index
      %get3A_1310 = tpu.vector_load %arg9[%get3A_1308, %get3A_1309] {strides = array<i32>} : memref<128x64xf32, #tpu.memory_space<vmem>>, vector<16xf32>,
      %get3A_1311 = arith.index_cast %add3A_1284 : i32 to index
      %get3A_1312 = arith.constant 48 : index
      %get3A_1313 = tpu.vector_load %arg10[%get3A_1311, %get3A_1312] {strides = array<i32>} : memref<128x64xf32, #tpu.memory_space<vmem>>, vector<16xf32>,
      %mul3A_1314 = arith.mulf %get3A_1310, %get3A_1313 : vector<16xf32>
      %add3A_1315 = arith.addf %add3A_1307, %mul3A_1314 : vector<16xf32>
      %lt3A_1316 = arith.constant 0 : i32
      %lt3A_1317 = vector.broadcast %lt3A_1316 : i32 to vector<16xi32>
      %lt3A_1318 = arith.cmpi slt, %xor3A_21, %lt3A_1317 : vector<16xi32>
      %add3A_1319 = arith.constant 16 : i32
      %add3A_1320 = vector.broadcast %add3A_1319 : i32 to vector<16xi32>
      %add3A_1321 = arith.addi %xor3A_21, %add3A_1320 : vector<16xi32>
      %select_n3A_1322 = arith.select %lt3A_1318, %add3A_1321, %xor3A_21 : vector<16xi1>, vector<16xi32>
      %broadcast_in_dim3A_1323 = vector.shape_cast %select_n3A_1322 : vector<16xi32> to vector<16x1xi32>
      %gather3A_1324 = vector.shape_cast %broadcast_in_dim3A_1323 : vector<16x1xi32> to vector<16xi32>
      %gather3A_1325 = tpu.dynamic_gather %add3A_1315[%gather3A_1324] in [0] : vector<16xf32>, vector<16xi32> -> vector<16xf32>
      %add3A_1326 = arith.addf %add3A_1315, %gather3A_1325 : vector<16xf32>
      %lt3A_1327 = arith.constant 0 : i32
      %lt3A_1328 = vector.broadcast %lt3A_1327 : i32 to vector<16xi32>
      %lt3A_1329 = arith.cmpi slt, %xor3A_24, %lt3A_1328 : vector<16xi32>
      %add3A_1330 = arith.constant 16 : i32
      %add3A_1331 = vector.broadcast %add3A_1330 : i32 to vector<16xi32>
      %add3A_1332 = arith.addi %xor3A_24, %add3A_1331 : vector<16xi32>
      %select_n3A_1333 = arith.select %lt3A_1329, %add3A_1332, %xor3A_24 : vector<16xi1>, vector<16xi32>
      %broadcast_in_dim3A_1334 = vector.shape_cast %select_n3A_1333 : vector<16xi32> to vector<16x1xi32>
      %gather3A_1335 = vector.shape_cast %broadcast_in_dim3A_1334 : vector<16x1xi32> to vector<16xi32>
      %gather3A_1336 = tpu.dynamic_gather %add3A_1326[%gather3A_1335] in [0] : vector<16xf32>, vector<16xi32> -> vector<16xf32>
      %add3A_1337 = arith.addf %add3A_1326, %gather3A_1336 : vector<16xf32>
      %lt3A_1338 = arith.constant 0 : i32
      %lt3A_1339 = vector.broadcast %lt3A_1338 : i32 to vector<16xi32>
      %lt3A_1340 = arith.cmpi slt, %xor3A_27, %lt3A_1339 : vector<16xi32>
      %add3A_1341 = arith.constant 16 : i32
      %add3A_1342 = vector.broadcast %add3A_1341 : i32 to vector<16xi32>
      %add3A_1343 = arith.addi %xor3A_27, %add3A_1342 : vector<16xi32>
      %select_n3A_1344 = arith.select %lt3A_1340, %add3A_1343, %xor3A_27 : vector<16xi1>, vector<16xi32>
      %broadcast_in_dim3A_1345 = vector.shape_cast %select_n3A_1344 : vector<16xi32> to vector<16x1xi32>
      %gather3A_1346 = vector.shape_cast %broadcast_in_dim3A_1345 : vector<16x1xi32> to vector<16xi32>
      %gather3A_1347 = tpu.dynamic_gather %add3A_1337[%gather3A_1346] in [0] : vector<16xf32>, vector<16xi32> -> vector<16xf32>
      %add3A_1348 = arith.addf %add3A_1337, %gather3A_1347 : vector<16xf32>
      %lt3A_1349 = arith.constant 0 : i32
      %lt3A_1350 = vector.broadcast %lt3A_1349 : i32 to vector<16xi32>
      %lt3A_1351 = arith.cmpi slt, %xor3A_30, %lt3A_1350 : vector<16xi32>
      %add3A_1352 = arith.constant 16 : i32
      %add3A_1353 = vector.broadcast %add3A_1352 : i32 to vector<16xi32>
      %add3A_1354 = arith.addi %xor3A_30, %add3A_1353 : vector<16xi32>
      %select_n3A_1355 = arith.select %lt3A_1351, %add3A_1354, %xor3A_30 : vector<16xi1>, vector<16xi32>
      %broadcast_in_dim3A_1356 = vector.shape_cast %select_n3A_1355 : vector<16xi32> to vector<16x1xi32>
      %gather3A_1357 = vector.shape_cast %broadcast_in_dim3A_1356 : vector<16x1xi32> to vector<16xi32>
      %gather3A_1358 = tpu.dynamic_gather %add3A_1348[%gather3A_1357] in [0] : vector<16xf32>, vector<16xi32> -> vector<16xf32>
      %add3A_1359 = arith.addf %add3A_1348, %gather3A_1358 : vector<16xf32>
      %eq3A_1360 = arith.constant 15 : i32
      %eq3A_1361 = vector.broadcast %eq3A_1360 : i32 to vector<16xi32>
      %eq3A_1362 = arith.cmpi eq, %iota3A, %eq3A_1361 : vector<16xi32>
      %select_n3A_1363 = arith.select %eq3A_1362, %add3A_1359, %select_n3A_1280 : vector<16xi1>, vector<16xf32>
      %mul3A_1364 = arith.constant 16 : i32
      %mul3A_1365 = arith.muli %scan3A_38, %mul3A_1364 : i32
      %swap3A = arith.index_cast %mul3A_1365 : i32 to index
      %swap3A_1366 = tpu.vector_load %arg11[%swap3A] {strides = array<i32>} : memref<128xf32, #tpu.memory_space<vmem>>, vector<16xf32>,
      tpu.vector_store %arg11[%swap3A], %select_n3A_1363 {strides = array<i32>} : memref<128xf32, #tpu.memory_space<vmem>>, vector<16xf32>,
      %scan3A_1367 = arith.constant 0 : i32
      scf.yield %scan3A_1367 : i32
    }
    %scan3A_37 = arith.constant 8 : i32
    "tpu.region"() ({
      %run_scoped3A = tpu.sem_alloc : memref<!tpu.dma_semaphore, #tpu.memory_space<semaphore_mem>>
      %dma_start3A = tpu.memref_slice %arg6[%mul3A_2] : memref<4096xf32, #tpu.memory_space<hbm>> -> memref<128xf32, #tpu.memory_space<hbm>>
      %dma_start3A_38 = tpu.memref_slice %arg6[%mul3A_2] : memref<4096xf32, #tpu.memory_space<hbm>> -> memref<128xf32, #tpu.memory_space<hbm>>
      tpu.enqueue_dma source(%arg11 : memref<128xf32, #tpu.memory_space<vmem>>) target(%dma_start3A_38 : memref<128xf32, #tpu.memory_space<hbm>>) target_semaphore(%run_scoped3A : memref<!tpu.dma_semaphore, #tpu.memory_space<semaphore_mem>>)
      %dma_wait3A_39 = tpu.memref_slice %arg6[%mul3A_2] : memref<4096xf32, #tpu.memory_space<hbm>> -> memref<128xf32, #tpu.memory_space<hbm>>
      %dma_wait3A_40 = tpu.memref_slice %arg6[%mul3A_2] : memref<4096xf32, #tpu.memory_space<hbm>> -> memref<128xf32, #tpu.memory_space<hbm>>
      tpu.wait_dma2 semaphore(%run_scoped3A : memref<!tpu.dma_semaphore, #tpu.memory_space<semaphore_mem>>) src(%arg11 : memref<128xf32, #tpu.memory_space<vmem>>) dst(%dma_wait3A_40 : memref<128xf32, #tpu.memory_space<hbm>>)
      tpu.yield
    }) : () -> ()
    return
  }
}

</mosaic_0001>

<sc_bundles>
// kernel: kernel.3.cloned.1.call-start
scs
__scs_entry_jumppad:
0x0: {  	(pc) =	sbr.rel $0x88, $3  }
0x1: {  	(tag) =	ssettag $0x0;
	lr =	simm.s32 $0x1  }
0x2: {  	[smem:$0x3F9D] =	sst lr;
	_ =	strace $0xD0000000  }
0x3: {  	_ = 	snop  }
0x4: {  	_ = 	snop  }
0x5: {  	_ = 	snop  }
0x6: {  	_ = 	snop  }
0x7: {  	_ = 	snop  }
__scs_overlays_trampoline_lowered:
0x8: {  	[smem:$0x3FAC] =	sst s0  }
0x9: {  	[smem:$0x3FAD] =	sst s1  }
0xa: {  	[smem:$0x3FAE] =	sst s2  }
0xb: {  	[smem:$0x3FAF] =	sst s3  }
0xc: {  	[smem:$0x3FB0] =	sst s4  }
0xd: {  	[smem:$0x3FB1] =	sst s5  }
0xe: {  	[smem:$0x3FB2] =	sst s6  }
0xf: {  	[smem:$0x3FB3] =	sst s7  }
0x10: {  	[smem:$0x3FB4] =	sst s8  }
0x11: {  	[smem:$0x3FB5] =	sst s9;
	s0 =	simm.s32 @!p0 $0x0  }
0x12: {  	s1 =	sld [smem:$0x3F9B];
	s0 =	simm.s32 @p0 $0x1  }
0x13: {  	[smem:$0x3FB6] =	sst s0;
	s0 =	simm.s32 @!p1 $0x0  }
0x14: {  	s2 =	sld [smem:$0x3F9A];
	s0 =	simm.s32 @p1 $0x1  }
0x15: {  	[smem:$0x3FB7] =	sst s0;
	s0 =	simm.s32 @!p2 $0x0  }
0x16: {  	s3 =	sld [smem:$0x3FDB];
	s0 =	simm.s32 @p2 $0x1  }
0x17: {  	s4 =	simm.s32 $0x1BF5;
	[smem:$0x3FB9] =	sst s0  }
0x18: {  	s0 =	sld [smem:$0x3F9C];
	_ =	swait.ge [sflag:s4], $0x0  }
0x19: {  	s7 =	sld [smem:$0x3F9D]  }
0x1a: {  	s8 =	sadd.s32 $0xFFFFE003, lr  }
0x1b: {  	s9 =	sadd.s32 $0xFFFFFEF7, lr;
	s5 =	simm.s32 $0xFFFFFFFF;
	p2 =	slt.u32 s8, $0xFFFFF086  }
0x1c: {  	p1 =	slt.u32 s9, $0xF7A;
	s5 =	simm.s32 @!p2 $0x0  }
0x1d: {  	s5 =	simm.s32 @p1 $0x1;
	p0 =	seq.s32 s7, s2  }
0x1e: {  	s7 =	smul.u32 @!p0 $0xF7A, s2;
	p2 =	seq.s32 @!p0 s5, $0x0  }
0x1f: {  	s9 =	smul.u32 $0xF7A, s1;
	s8 =	simm.s32 @!p0 $0x1BF5;
	p2 =	por !p2, p0  }
0x20: {  	[sflag:s8] =	ssyncset.s32 @!p0 $0xFFFFF086;
	s6 =	sadd.s32 @!p0 s3, s7;
	s7 =	simm.s32 @!p0 $0x108  }
0x21: {  	s3 =	sadd.s32 s3, s9;
	s6 =	sadd.s32 @!p0 $0x88, s6;
	s7 =	simm.s32 @p2 $0x1082  }
0x22: {  	[simem:s7], [sflag:s8] =	dma.local @!p0 [hbm:s6], $0xF7A  }
0x23: {  	s9 =	sor.u32 $0xD0000000, s2;
	s6 =	simm.s32 $0x108;
	_ =	swait.ge @!p0 [sflag:s8], $0x0  }
0x24: {  	s3 =	sadd.s32 $0x88, s3;
	s6 =	simm.s32 @!p1 $0x1082;
	[sflag:s4] =	ssyncset.s32 $0xFFFFF086  }
0x25: {  	[simem:s6], [sflag:s4] =	dma.local [hbm:s3], $0xF7A  }
0x26: {  	[smem:$0x3F9D] =	sst s1;
	(tag) =	ssettag s2;
	_ =	strace s9  }
0x27: {  	s1 =	sld [smem:$0x3FAD]  }
0x28: {  	s2 =	sld [smem:$0x3FAE]  }
0x29: {  	s4 =	sld [smem:$0x3FB0]  }
0x2a: {  	p0 =	seq.s32 s5, $0x0;
	s5 =	sld [smem:$0x3FB1]  }
0x2b: {  	s6 =	sld [smem:$0x3FB2]  }
0x2c: {  	s7 =	sld [smem:$0x3FB3]  }
0x2d: {  	s3 =	simm.s32 $0x108;
	s8 =	sld [smem:$0x3FB4]  }
0x2e: {  	s3 =	simm.s32 @!p0 $0x1082;
	s9 =	sld [smem:$0x3FB5]  }
0x2f: {  	lr =	sadd.s32 s0, s3;
	s0 =	sld [smem:$0x3FAC]  }
0x30: {  	s3 =	sld [smem:$0x3FAF]  }
0x31: {  	[smem:$0x3FB8] =	sst s10  }
0x32: {  	s10 =	sld [smem:$0x3FB6];
	_ =	sdelay $0x3  }
0x33: {  	p0 =	seq.s32 s10, $0x1;
	s10 =	sld [smem:$0x3FB8];
	_ =	sdelay $0x3  }
0x34: {  	[smem:$0x3FB8] =	sst s10  }
0x35: {  	s10 =	sld [smem:$0x3FB7];
	_ =	sdelay $0x3  }
0x36: {  	p1 =	seq.s32 s10, $0x1;
	s10 =	sld [smem:$0x3FB8];
	_ =	sdelay $0x3  }
0x37: {  	[smem:$0x3FB8] =	sst s10  }
0x38: {  	s10 =	sld [smem:$0x3FB9]  }
0x39: {  	_ = 	snop;
	(pc) =	sbr.ind lr, $3  }
0x3a: {  	_ = 	snop  }
0x3b: {  	_ = 	snop  }
0x3c: {  	p2 =	seq.s32 s10, $0x1;
	s10 =	sld [smem:$0x3FB8]  }
0x3d: {  	_ =	shalt  }
0x3e: {  	_ =	shalt  }
0x3f: {  	_ =	shalt  }
0x40: {  	_ =	shalt  }
0x41: {  	_ =	shalt  }
0x42: {  	_ =	shalt  }
0x43: {  	_ =	shalt  }
0x44: {  	_ =	shalt  }
0x45: {  	_ =	shalt  }
0x46: {  	_ =	shalt  }
0x47: {  	_ =	shalt  }
0x48: {  	_ =	shalt  }
0x49: {  	_ =	shalt  }
0x4a: {  	_ =	shalt  }
0x4b: {  	_ =	shalt  }
0x4c: {  	_ =	shalt  }
0x4d: {  	_ =	shalt  }
0x4e: {  	_ =	shalt  }
0x4f: {  	_ =	shalt  }
0x50: {  	_ =	shalt  }
0x51: {  	_ =	shalt  }
0x52: {  	_ =	shalt  }
0x53: {  	_ =	shalt  }
0x54: {  	_ =	shalt  }
0x55: {  	_ =	shalt  }
0x56: {  	_ =	shalt  }
0x57: {  	_ =	shalt  }
0x58: {  	_ =	shalt  }
0x59: {  	_ =	shalt  }
0x5a: {  	_ =	shalt  }
0x5b: {  	_ =	shalt  }
0x5c: {  	_ =	shalt  }
0x5d: {  	_ =	shalt  }
0x5e: {  	_ =	shalt  }
0x5f: {  	_ =	shalt  }
0x60: {  	_ =	shalt  }
0x61: {  	_ =	shalt  }
0x62: {  	_ =	shalt  }
0x63: {  	_ =	shalt  }
0x64: {  	_ =	shalt  }
0x65: {  	_ =	shalt  }
0x66: {  	_ =	shalt  }
0x67: {  	_ =	shalt  }
0x68: {  	_ =	shalt  }
0x69: {  	_ =	shalt  }
0x6a: {  	_ =	shalt  }
0x6b: {  	_ =	shalt  }
0x6c: {  	_ =	shalt  }
0x6d: {  	_ =	shalt  }
0x6e: {  	_ =	shalt  }
0x6f: {  	_ =	shalt  }
0x70: {  	_ =	shalt  }
0x71: {  	_ =	shalt  }
0x72: {  	_ =	shalt  }
0x73: {  	_ =	shalt  }
0x74: {  	_ =	shalt  }
0x75: {  	_ =	shalt  }
0x76: {  	_ =	shalt  }
0x77: {  	_ =	shalt  }
0x78: {  	_ =	shalt  }
0x79: {  	_ =	shalt  }
0x7a: {  	_ =	shalt  }
0x7b: {  	_ =	shalt  }
0x7c: {  	_ =	shalt  }
0x7d: {  	_ =	shalt  }
0x7e: {  	_ =	shalt  }
0x7f: {  	_ =	shalt  }
0x80: {  	_ =	shalt  }
0x81: {  	_ =	shalt  }
0x82: {  	_ =	shalt  }
0x83: {  	_ =	shalt  }
0x84: {  	_ =	shalt  }
0x85: {  	_ =	shalt  }
0x86: {  	_ =	shalt  }
0x87: {  	_ =	shalt  }
.Lfunc_end0:
.L_simem_size_0:
called_computation_lowered:
.L_overlay_start_0:
0x88: {  	s2 =	sld [smem:$0x3FD9]  }
0x89: {  	s3 =	sld [smem:$0x3FFE];
	_ =	sdelay $0x1  }
0x8a: {  	s1 =	srdreg.scid  }
0x8b: {  	s0 =	sand.u32 $0x1, s1  }
0x8c: {  	s17 =	sshll.u32 s0, $0xA;
	s2 =	sadd.s32 s3, s2  }
0x8d: {  	s2 =	sadd.s32 s2, s17  }
0x8e: {  	[smem:$0x3FC4] =	sst s2  }
0x8f: {  	_ = 	snop  }
0x90: {  	s2 =	sld [smem:$0x3FC9]  }
0x91: {  	s18 =	sld [smem:$0x3FC8]  }
0x92: {  	s4 =	sld [smem:$0x3FD0];
	(tm) =	ssettm $0x1  }
0x93: {  	s5 =	sld [smem:$0x3FFB];
	_ =	sdelay $0x3  }
0x94: {  	_ =	strace s5  }
0x95: {  	s5 =	sld [smem:$0x3FFC];
	_ =	sdelay $0x3  }
0x96: {  	_ =	strace s5  }
0x97: {  	s5 =	sld [smem:$0x3FFD];
	_ =	sdelay $0x3  }
0x98: {  	_ =	strace s5  }
0x99: {  	_ =	strace $0x8FFFFFFF  }
0x9a: {  	s19 =	sld [smem:$0x3FDB];
	_ =	sdelay $0x1  }
0x9b: {  	s6 =	simm.s32 $_scs_section_size  }
0x9c: {  	s7 =	simm.s32 $_size__tile_overlayer_lowered;
	s8 =	simm.s32 $_tile_overlayer_lowered  }
0x9d: {  	s22 =	simm.s32 $0x1BFF;
	s21 =	sshll.u32 s8, $0x1;
	s5 =	sadd.s32 s6, s19  }
0x9e: {  	s9 =	simm.s32 $0x0;
	s20 =	sshll.u32 s7, $0x1;
	s7 =	sadd.s32 s21, s5  }
0x9f: {  	[timem:s9], [sflag:s22] =	dma.local [hbm:s7], s20  }
0xa0: {  	_ =	swait.ge [sflag:s22], s20  }
0xa1: {  	s6 =	ssub.s32 $0x0, s20;
	[sflag:s22] =	ssyncset.done $0x0  }
0xa2: {  	[sflag:s22] =	ssyncadd.s32 s6;
	_ =	sdelay $0x1  }
0xa3: {  	s23 =	simm.s32 $0x1B8B  }
0xa4: {  	_ =	swait.ge [sflag:s23], $0x1  }
0xa5: {  	[sflag:s23] =	ssyncset.done $0x0  }
0xa6: {  	s25 =	simm.s32 $0x1B8E;
	s24 =	sld [smem:$0x3FFE];
	[sflag:s23] =	ssyncadd.s32 $0xFFFFFFFF  }
0xa7: {  	s26 =	simm.s32 $execute0_lowered;
	[smem:$0x3FD2] =	sst s25  }
0xa8: {  	s7 =	sshll.u32 s26, $0x1;
	_ =	strace $0x80000046;
	[dreg:$0x1] =	wrdreg $0xFFFFFFFF  }
0xa9: {  	s28 =	simm.s32 $_size_execute0_lowered;
	s5 =	sadd.s32 s5, s7;
	[dreg:$0x0] =	wrdreg $0x0  }
0xaa: {  	s7 =	sshll.u32 s28, $0x1;
	[dreg:$0x2] =	wrdreg s5  }
0xab: {  	[dreg:$0x3] =	wrdreg s7  }
0xac: {  	[dreg:$0x4] =	wrdreg $0xC0  }
0xad: {  	_ =	task [dreg:s9], $0x5FFFF  }
0xae: {  	[dreg:$0x1] =	wrdreg $0xFFFFFFFF  }
0xaf: {  	[dreg:$0x0] =	wrdreg $0x60  }
0xb0: {  	[dreg:$0x2] =	wrdreg s2  }
0xb1: {  	[dreg:$0x3] =	wrdreg s18  }
0xb2: {  	[dreg:$0x4] =	wrdreg s24  }
0xb3: {  	[dreg:$0x5] =	wrdreg s4  }
0xb4: {  	[dreg:$0x6] =	wrdreg $0x9  }
0xb5: {  	_ =	task.clear_ibuf [dreg:s9], $0x7FFFF;
	_ =	strace $0x90000046  }
0xb6: {  	s29 =	simm.s32 $0x9;
	_ =	strace $0x80000048  }
0xb7: {  	_ =	swait.ge [sflag:s29], $0x1  }
0xb8: {  	[sflag:s29] =	ssyncadd.s32 $0xFFFFFFFF  }
0xb9: {  	_ =	strace $0x90000048  }
0xba: {  	_ =	sfence  }
0xbb: {  	s30 =	sld [smem:$0x0];
	_ =	sdelay $0x2  }
0xbc: {  	s31 =	sshll.u32 s1, $0xD;
	s1 =	sshrl.u32 s1, $0x2  }
0xbd: {  	s3 =	sand.u32 $0x4000, s31;
	s1 =	sadd.s32 s1, s30  }
0xbe: {  	s0 =	sor.u32 s3, s0;
	s1 =	sshll.u32 s1, $0x11  }
0xbf: {  	s0 =	sor.u32 s1, s0  }
0xc0: {  	s0 =	sadd.s32 $0x8F2B, s0  }
0xc1: {  	[sflag:s0] =	ssyncadd.remote.s32 $0x1  }
0xc2: {  	_ =	sfence.sel $0xFFFF  }
0xc3: {  	[dreg:$0x0] =	wrdreg $0xFFFFFFFF;
	(pc) =	sbr.abs _section_cstart, $3  }
0xc4: {  	[dreg:$0x1] =	wrdreg $0xFFFFFFFF  }
0xc5: {  	_ =	task.clear_ibuf [dreg:s9], $0x2FFFF;
	_ =	strace $0x9FFFFFFF  }
0xc6: {  	(tm) =	ssettm $0x7FFFFFFF  }
0xc7: {  	_ =	shalt  }
tec
execute0_lowered:
.L_overlay_start_1:
0x0: {  	(tag) =	ssettag $0x1  }
0x1: {  	v0 =	vimm.s32 $0xEFCDAB89;
	v1 =	vimm.s32 $0x67452301  }
0x2: {  	v2 =	vimm.s32 $0xDCFE98BA;
	v3 =	vimm.s32 $0x54761032;
	v4 =	vimm.s32 $0xBA98FEDC  }
0x3: {  	v5 =	vimm.s32 $0x32107654;
	v6 =	vimm.s32 $0xFEDCBA98;
	v7 =	vimm.s32 $0x76543210  }
0x4: {  	vm0 =	vmmov $0x1;
	vm1 =	vmmov $0x3;
	vm2 =	vmmov $0x7  }
0x5: {  	s0 =	rddreg [dreg:$0x0];
	vm3 =	vmmov $0xf;
	vm4 =	vmmov $0x1f;
	vm5 =	vmmov $0x3f  }
0x6: {  	s1 =	rddreg [dreg:$0x1];
	vm6 =	vmmov $0x7f;
	vm7 =	vmmov $0xff;
	vm8 =	vmmov $0x1ff  }
0x7: {  	s2 =	rddreg [dreg:$0x2];
	vm9 =	vmmov $0x3ff;
	v0 =	vunpack.c.l.s4.s8 v0;
	v1 =	vunpack.c.l.s4.s8 v1  }
0x8: {  	s3 =	rddreg [dreg:$0x3];
	s4 =	srdreg.scid;
	v2 =	vunpack.c.l.s4.s8 v2;
	v3 =	vunpack.c.l.s4.s8 v3;
	v4 =	vunpack.c.l.s4.s8 v4  }
0x9: {  	s10 =	simm.s32 $0x0;
	s7 =	stileid.u32;
	v5 =	vunpack.c.l.s4.s8 v5;
	s4 =	sand.u32 $0x1, s4;
	v0 =	vunpack.c.0.s8.s32 v0;
	v1 =	vunpack.c.0.s8.s32 v1  }
0xa: {  	v6 =	vunpack.c.l.s4.s8 v6;
	s7 =	sshll.u32 s7, $0x5;
	s5 =	ssub.s32 $0x2, s4;
	s4 =	sshll.u32 s4, $0x4;
	v2 =	vunpack.c.0.s8.s32 v2;
	v3 =	vunpack.c.0.s8.s32 v3  }
0xb: {  	s17 =	simm.s32 $0x0;
	[smem:$0x7FF] =	sst s10;
	v4 =	vunpack.c.0.s8.s32 v4;
	v5 =	vunpack.c.0.s8.s32 v5;
	s4 =	sor.u32 s4, s7;
	v0 =	vcombine.low v1, v0  }
0xc: {  	vm10 =	vmmov $0x7ff;
	v7 =	vunpack.c.l.s4.s8 v7;
	s11 =	sadd.s32 $0xC00, s2;
	_ =	strace $0x80000047;
	s0 =	sadd.s32 s0, s4;
	v2 =	vcombine.low v3, v2  }
0xd: {  	v52 =	vunpack.c.0.s8.s32 v6;
	s6 =	sshrl.u32 s5, $0x1;
	s29 =	sadd.s32 s1, s4;
	v53 =	vcombine.low v5, v4;
	[dreg:$0xe] =	wrdreg s0;
	v60 =	vand.u32 $0xF, v0  }
0xe: {  	vm11 =	vmmov $0xfff;
	v54 =	vunpack.c.0.s8.s32 v7;
	s28 =	ssub.s32 s5, s6;
	s30 =	sadd.s32 s3, s4;
	[dreg:$0xf] =	wrdreg s29;
	v57 =	vand.u32 $0xF, v2;
	[tilespmem:$0x1FFD0] =	vst v60  }
0xf: {  	vm12 =	vmmov $0x1fff;
	s12 =	sadd.s32 $0x62800, s2;
	v55 =	vand.u32 $0xF, v52;
	[dreg:$0x10] =	wrdreg s30;
	s31 =	smax.u32 s28, $0x1;
	v61 =	vand.u32 $0xF, v53;
	[tilespmem:$0x1FFE0] =	vst v57  }
0x10: {  	vm13 =	vmmov $0x3fff;
	vm14 =	vmmov $0x7fff;
	s2 =	simm.s32 $0x3;
	s1 =	simm.s32 $0x0;
	v48 =	vcombine.low v55, v54;
	[dreg:$0x11] =	wrdreg s31;
	[tilespmem:$0x1FFF0] =	vst v61  }
.LBB2_1:
0x11: {  	[dreg:$0x12] =	wrdreg s1  }
0x12: {  	s0 =	rddreg [dreg:$0xe]  }
0x13: {  	[tilespmem:s10], [sflag:$0x3] =	stream.linear.gather [hbm4b:s0+s10], $0x80, $0x38;
	[tilespmem:$0x8180] =	vst v63  }
0x14: {  	_ =	swait.ge [sflag:s2], $0x80  }
0x15: {  	[sflag:s2] =	ssyncset.done $0x0  }
0x16: {  	s6 =	simm.s32 $0x80;
	s7 =	rddreg [dreg:$0xf];
	[sflag:s2] =	ssyncadd.s32 $0xFFFFFF80  }
0x17: {  	[tilespmem:s6], [sflag:$0x3] =	stream.linear.gather [hbm4b:s7+s10], $0x80, $0x38;
	[tilespmem:$0x8180] =	vst v63  }
0x18: {  	_ =	swait.ge [sflag:s2], $0x80  }
0x19: {  	[sflag:s2] =	ssyncset.done $0x0  }
0x1a: {  	[sflag:s2] =	ssyncadd.s32 $0xFFFFFF80  }
0x1b: {  	v4 =	vld [tilespmem:s10+$0x0];
	_ =	sdelay $0x1  }
0x1c: {  	v6 =	vld [tilespmem:s6+$0x0];
	_ =	sdelay $0x2  }
0x1d: {  	v5 =	vshll.u32 v4, $0x4  }
0x1e: {  	(v2sf) =	vpush v5, $0x0  }
0x1f: {  	v63 =	vshll.u32 v6, $0x4  }
0x20: {  	(v2sf) =	vpush v63, $0x0;
	_ =	sdelay $0x1  }
0x21: {  	(v2sf) =	vpush v5, $0x1  }
0x22: {  	(v2sf) =	vpush v63, $0x1;
	_ =	sdelay $0x1  }
0x23: {  	(v2sf) =	vpush v5, $0x2;
	_ =	sdelay $0x1  }
0x24: {  	(v2sf) =	vpush v63, $0x2;
	_ =	sdelay $0x1  }
0x25: {  	s15 =	simm.s32 $0x2000;
	(v2sf) =	vpush v5, $0x3  }
0x26: {  	s14 =	simm.s32 $0x0;
	s3 =	simm.s32 $0x4100;
	s1 =	simm.s32 $0x380  }
0x27: {  	s4 =	simm.s32 $0x100;
	s13 =	simm.s32 $0x180;
	s19 =	simm.s32 $0x4180  }
0x28: {  	s21 =	simm.s32 $0x200;
	s24 =	simm.s32 $0x4200;
	s30 =	simm.s32 $0x4300  }
0x29: {  	s31 =	simm.s32 $0x4800;
	s0 =	simm.s32 $0x4600;
	s5 =	spop (v2sf);
	(v2sf) =	vpush v63, $0x3  }
0x2a: {  	s7 =	simm.s32 $0x280;
	s2 =	simm.s32 $0x580;
	s5 =	sand.u32 $0x1FFFFFF0, s5  }
0x2b: {  	s6 =	simm.s32 $0x300;
	s8 =	spop (v2sf);
	(v2sf) =	vpush v5, $0x4;
	s5 =	sadd.s32 s11, s5  }
0x2c: {  	(v2sf) =	vpush v63, $0x4;
	[tilespmem:s4], [sflag:$0x1] =	stream.linear.gather [hbm4b:s5+s10], $0x80, $0x38;
	[tilespmem:$0x8180] =	vst v63  }
0x2d: {  	s8 =	sand.u32 $0x1FFFFFF0, s8;
	s9 =	spop (v2sf);
	s4 =	simm.s32 $0x4280  }
0x2e: {  	s5 =	sadd.s32 s12, s8;
	s8 =	sand.u32 $0x1FFFFFF0, s9;
	s9 =	spop (v2sf)  }
0x2f: {  	(v2sf) =	vpush v5, $0x5;
	[tilespmem:s3], [sflag:$0x2] =	stream.linear.gather [hbm4b:s5+s10], $0x80, $0x38;
	[tilespmem:$0x8180] =	vst v63  }
0x30: {  	s16 =	sadd.s32 s11, s8;
	s18 =	sand.u32 $0x1FFFFFF0, s9;
	s20 =	spop (v2sf);
	(v2sf) =	vpush v63, $0x5  }
0x31: {  	[tilespmem:s13], [sflag:$0x1] =	stream.linear.gather [hbm4b:s16+s10], $0x80, $0x38;
	[tilespmem:$0x8180] =	vst v63  }
0x32: {  	s8 =	sadd.s32 s12, s18;
	(v2sf) =	vpush v5, $0x6;
	s5 =	sand.u32 $0x1FFFFFF0, s20;
	s22 =	spop (v2sf)  }
0x33: {  	[tilespmem:s19], [sflag:$0x2] =	stream.linear.gather [hbm4b:s8+s10], $0x80, $0x38;
	[tilespmem:$0x8180] =	vst v63  }
0x34: {  	s5 =	sadd.s32 s11, s5;
	s23 =	spop (v2sf);
	(v2sf) =	vpush v63, $0x6;
	s8 =	sand.u32 $0x1FFFFFF0, s22  }
0x35: {  	[tilespmem:s21], [sflag:$0x1] =	stream.linear.gather [hbm4b:s5+s10], $0x80, $0x38;
	[tilespmem:$0x8180] =	vst v63  }
0x36: {  	s9 =	simm.s32 $0x4700;
	s26 =	sand.u32 $0x1FFFFFF0, s23;
	s25 =	sadd.s32 s12, s8  }
0x37: {  	[tilespmem:s24], [sflag:$0x2] =	stream.linear.gather [hbm4b:s25+s10], $0x80, $0x38;
	[tilespmem:$0x8180] =	vst v63  }
0x38: {  	s20 =	simm.s32 $0x4380;
	s29 =	sadd.s32 s11, s26;
	s28 =	spop (v2sf)  }
0x39: {  	[tilespmem:s7], [sflag:$0x1] =	stream.linear.gather [hbm4b:s29+s10], $0x80, $0x38;
	[tilespmem:$0x8180] =	vst v63  }
0x3a: {  	s22 =	simm.s32 $0x400;
	(v2sf) =	vpush v5, $0x7;
	s3 =	sand.u32 $0x1FFFFFF0, s28;
	s13 =	spop (v2sf)  }
0x3b: {  	s3 =	sadd.s32 s12, s3;
	s7 =	sand.u32 $0x1FFFFFF0, s13;
	s16 =	spop (v2sf)  }
0x3c: {  	(v2sf) =	vpush v63, $0x7;
	[tilespmem:s4], [sflag:$0x2] =	stream.linear.gather [hbm4b:s3+s10], $0x80, $0x38;
	[tilespmem:$0x8180] =	vst v63  }
0x3d: {  	s13 =	simm.s32 $0x780;
	(v2sf) =	vpush v5, $0x8;
	s18 =	sadd.s32 s11, s7;
	s19 =	sand.u32 $0x1FFFFFF0, s16  }
0x3e: {  	s21 =	spop (v2sf);
	s7 =	simm.s32 $0x4780;
	s4 =	sadd.s32 s12, s19  }
0x3f: {  	(v2sf) =	vpush v63, $0x8;
	s23 =	sand.u32 $0x1FFFFFF0, s21;
	s24 =	spop (v2sf);
	s21 =	simm.s32 $0x4480  }
0x40: {  	(v2sf) =	vpush v5, $0x9;
	[tilespmem:s6], [sflag:$0x1] =	stream.linear.gather [hbm4b:s18+s10], $0x80, $0x38;
	[tilespmem:$0x8180] =	vst v63  }
0x41: {  	s5 =	sadd.s32 s11, s23;
	s6 =	sand.u32 $0x1FFFFFF0, s24;
	s25 =	spop (v2sf)  }
0x42: {  	(v2sf) =	vpush v63, $0x9;
	[tilespmem:s30], [sflag:$0x2] =	stream.linear.gather [hbm4b:s4+s10], $0x80, $0x38;
	[tilespmem:$0x8180] =	vst v63  }
0x43: {  	s18 =	simm.s32 $0x480;
	s23 =	simm.s32 $0x500;
	s29 =	spop (v2sf)  }
0x44: {  	(v2sf) =	vpush v5, $0xA;
	[tilespmem:s1], [sflag:$0x1] =	stream.linear.gather [hbm4b:s5+s10], $0x80, $0x38;
	[tilespmem:$0x8180] =	vst v63  }
0x45: {  	s26 =	sadd.s32 s12, s6;
	s28 =	sand.u32 $0x1FFFFFF0, s25;
	s3 =	sand.u32 $0x1FFFFFF0, s29  }
0x46: {  	(v2sf) =	vpush v63, $0xA;
	[tilespmem:s20], [sflag:$0x2] =	stream.linear.gather [hbm4b:s26+s10], $0x80, $0x38;
	[tilespmem:$0x8180] =	vst v63  }
0x47: {  	s6 =	simm.s32 $0x4400;
	s30 =	sadd.s32 s11, s28;
	s3 =	sadd.s32 s12, s3  }
0x48: {  	[tilespmem:s22], [sflag:$0x1] =	stream.linear.gather [hbm4b:s30+s10], $0x80, $0x38;
	[tilespmem:$0x8180] =	vst v63  }
0x49: {  	s1 =	simm.s32 $0x4680;
	s26 =	simm.s32 $0x4500;
	s8 =	spop (v2sf)  }
0x4a: {  	(v2sf) =	vpush v5, $0xB;
	[tilespmem:s6], [sflag:$0x2] =	stream.linear.gather [hbm4b:s3+s10], $0x80, $0x38;
	[tilespmem:$0x8180] =	vst v63  }
0x4b: {  	s30 =	simm.s32 $0x4580;
	s5 =	sand.u32 $0x1FFFFFF0, s8;
	s16 =	spop (v2sf)  }
0x4c: {  	(v2sf) =	vpush v63, $0xB;
	s8 =	simm.s32 $0x600;
	s19 =	sadd.s32 s11, s5;
	s22 =	spop (v2sf)  }
0x4d: {  	[tilespmem:s18], [sflag:$0x1] =	stream.linear.gather [hbm4b:s19+s10], $0x80, $0x38;
	[tilespmem:$0x8180] =	vst v63  }
0x4e: {  	s20 =	sand.u32 $0x1FFFFFF0, s16;
	s4 =	sand.u32 $0x1FFFFFF0, s22;
	s24 =	spop (v2sf)  }
0x4f: {  	s5 =	sadd.s32 s12, s20;
	s4 =	sadd.s32 s11, s4;
	s25 =	spop (v2sf)  }
0x50: {  	(v2sf) =	vpush v5, $0xC;
	[tilespmem:s21], [sflag:$0x2] =	stream.linear.gather [hbm4b:s5+s10], $0x80, $0x38;
	[tilespmem:$0x8180] =	vst v63  }
0x51: {  	s5 =	sand.u32 $0x1FFFFFF0, s24;
	s29 =	sand.u32 $0x1FFFFFF0, s25;
	s6 =	spop (v2sf)  }
0x52: {  	(v2sf) =	vpush v63, $0xC;
	[tilespmem:s23], [sflag:$0x1] =	stream.linear.gather [hbm4b:s4+s10], $0x80, $0x38;
	[tilespmem:$0x8180] =	vst v63  }
0x53: {  	s25 =	simm.s32 $0x680;
	s28 =	sadd.s32 s12, s5;
	s16 =	spop (v2sf)  }
0x54: {  	[tilespmem:s26], [sflag:$0x2] =	stream.linear.gather [hbm4b:s28+s10], $0x80, $0x38;
	[tilespmem:$0x8180] =	vst v63  }
0x55: {  	s5 =	sadd.s32 s11, s29;
	s4 =	sand.u32 $0x1FFFFFF0, s6;
	s18 =	spop (v2sf)  }
0x56: {  	[tilespmem:s2], [sflag:$0x1] =	stream.linear.gather [hbm4b:s5+s10], $0x80, $0x38;
	[tilespmem:$0x8180] =	vst v63  }
0x57: {  	s4 =	sadd.s32 s12, s4;
	s20 =	sand.u32 $0x1FFFFFF0, s18;
	s5 =	sand.u32 $0x1FFFFFF0, s16  }
0x58: {  	[tilespmem:s30], [sflag:$0x2] =	stream.linear.gather [hbm4b:s4+s10], $0x80, $0x38;
	[tilespmem:$0x8180] =	vst v63  }
0x59: {  	s22 =	sadd.s32 s12, s20;
	s19 =	sadd.s32 s11, s5;
	s21 =	spop (v2sf)  }
0x5a: {  	[tilespmem:s8], [sflag:$0x1] =	stream.linear.gather [hbm4b:s19+s10], $0x80, $0x38;
	[tilespmem:$0x8180] =	vst v63  }
0x5b: {  	s20 =	simm.s32 $0x90;
	s23 =	sand.u32 $0x1FFFFFF0, s21;
	s24 =	spop (v2sf)  }
0x5c: {  	(v2sf) =	vpush v5, $0xD;
	[tilespmem:s0], [sflag:$0x2] =	stream.linear.gather [hbm4b:s22+s10], $0x80, $0x38;
	[tilespmem:$0x8180] =	vst v63  }
0x5d: {  	s19 =	simm.s32 $0x10;
	(v2sf) =	vpush v63, $0xD;
	s26 =	sadd.s32 s11, s23;
	s28 =	sand.u32 $0x1FFFFFF0, s24  }
0x5e: {  	(v2sf) =	vpush v5, $0xE;
	[tilespmem:s25], [sflag:$0x1] =	stream.linear.gather [hbm4b:s26+s10], $0x80, $0x38;
	[tilespmem:$0x8180] =	vst v63  }
0x5f: {  	s23 =	simm.s32 $0x700;
	s29 =	sadd.s32 s12, s28;
	(v2sf) =	vpush v63, $0xE;
	s30 =	spop (v2sf)  }
0x60: {  	(v2sf) =	vpush v5, $0xF;
	[tilespmem:s1], [sflag:$0x2] =	stream.linear.gather [hbm4b:s29+s10], $0x80, $0x38;
	[tilespmem:$0x8180] =	vst v63  }
0x61: {  	v0 =	vmov v48;
	s22 =	simm.s32 $0x800;
	s0 =	sand.u32 $0x1FFFFFF0, s30;
	(v2sf) =	vpush v63, $0xF;
	s1 =	spop (v2sf)  }
.LBB2_2:
0x62: {  	_ =	sdelay $0x4  }
0x63: {  	s0 =	sadd.s32 s11, s0;
	s1 =	sand.u32 $0x1FFFFFF0, s1  }
0x64: {  	[tilespmem:s23], [sflag:$0x1] =	stream.linear.gather [hbm4b:s0+s10], $0x80, $0x38;
	[tilespmem:$0x8180] =	vst v63  }
0x65: {  	s28 =	sadd.s32 s12, s1  }
0x66: {  	[tilespmem:s9], [sflag:$0x2] =	stream.linear.gather [hbm4b:s28+s10], $0x80, $0x38;
	[tilespmem:$0x8180] =	vst v63  }
0x67: {  	s2 =	spop (v2sf)  }
0x68: {  	s29 =	sand.u32 $0x1FFFFFF0, s2;
	s30 =	spop (v2sf)  }
0x69: {  	s1 =	sadd.s32 s11, s29;
	s3 =	sand.u32 $0x1FFFFFF0, s30;
	s4 =	spop (v2sf)  }
0x6a: {  	[tilespmem:s13], [sflag:$0x1] =	stream.linear.gather [hbm4b:s1+s10], $0x80, $0x38;
	[tilespmem:$0x8180] =	vst v63  }
0x6b: {  	s5 =	sadd.s32 s12, s3;
	s6 =	sand.u32 $0x1FFFFFF0, s4;
	s8 =	spop (v2sf)  }
0x6c: {  	[tilespmem:s7], [sflag:$0x2] =	stream.linear.gather [hbm4b:s5+s10], $0x80, $0x38;
	[tilespmem:$0x8180] =	vst v63  }
0x6d: {  	s9 =	sadd.s32 s11, s6;
	s13 =	sand.u32 $0x1FFFFFF0, s8;
	s16 =	spop (v2sf)  }
0x6e: {  	[tilespmem:s22], [sflag:$0x1] =	stream.linear.gather [hbm4b:s9+s10], $0x80, $0x38;
	[tilespmem:$0x8180] =	vst v63  }
0x6f: {  	s18 =	sadd.s32 s12, s13;
	s21 =	sand.u32 $0x1FFFFFF0, s16;
	s22 =	spop (v2sf)  }
0x70: {  	[tilespmem:s31], [sflag:$0x2] =	stream.linear.gather [hbm4b:s18+s10], $0x80, $0x38;
	[tilespmem:$0x8180] =	vst v63  }
0x71: {  	s23 =	sadd.s32 $0x880, s14;
	s1 =	sadd.s32 s11, s21;
	s2 =	sand.u32 $0x1FFFFFF0, s22  }
0x72: {  	[tilespmem:s23], [sflag:$0x1] =	stream.linear.gather [hbm4b:s1+s10], $0x80, $0x38;
	[tilespmem:$0x8180] =	vst v63  }
0x73: {  	s24 =	sadd.s32 $0x4880, s14;
	s25 =	sadd.s32 s12, s2  }
0x74: {  	[tilespmem:s24], [sflag:$0x2] =	stream.linear.gather [hbm4b:s25+s10], $0x80, $0x38;
	[tilespmem:$0x8180] =	vst v63  }
0x75: {  	v4 =	vld [tilespmem:s19+$0x0]  }
0x76: {  	v6 =	vld [tilespmem:s20+$0x0];
	_ =	sdelay $0x3  }
0x77: {  	s26 =	smov.u32 s15;
	v5 =	vshll.u32 v4, $0x4  }
0x78: {  	s14 =	sshra.s32 s26, $0x2;
	v63 =	vshll.u32 v6, $0x4;
	(v2sf) =	vpush v5, $0x0  }
0x79: {  	s0 =	sadd.s32 $0x580, s14;
	(v2sf) =	vpush v63, $0x0  }
0x7a: {  	s26 =	sadd.s32 $0x4480, s14;
	[dreg:$0x7] =	wrdreg s0;
	(v2sf) =	vpush v5, $0x1  }
0x7b: {  	p0 =	sne.s32 s15, $0xE000;
	s28 =	sadd.s32 $0x4600, s14;
	[dreg:$0xc] =	wrdreg s26  }
0x7c: {  	s15 =	sadd.s32 $0x2000, s15;
	[dreg:$0x5] =	wrdreg s28;
	s28 =	sadd.s32 $0x500, s14;
	(v2sf) =	vpush v63, $0x1  }
0x7d: {  	s0 =	sadd.s32 $0x4280, s14;
	[dreg:$0xb] =	wrdreg s28;
	s29 =	sadd.s32 $0x4580, s14  }
0x7e: {  	s30 =	sadd.s32 $0x600, s14;
	s4 =	sadd.s32 $0x4100, s14;
	[dreg:$0x9] =	wrdreg s29;
	(v2sf) =	vpush v5, $0x2  }
0x7f: {  	s3 =	sadd.s32 $0x200, s14;
	[dreg:$0x8] =	wrdreg s30;
	s8 =	sadd.s32 $0x4380, s14  }
0x80: {  	s6 =	sadd.s32 $0x4680, s14;
	s13 =	sadd.s32 $0x780, s14;
	s16 =	sadd.s32 $0x4180, s14;
	(v2sf) =	vpush v63, $0x2  }
0x81: {  	s5 =	sadd.s32 $0x400, s14;
	[dreg:$0x6] =	wrdreg s6;
	s7 =	sadd.s32 $0x4780, s14  }
0x82: {  	s6 =	sadd.s32 $0x4400, s14;
	s21 =	sadd.s32 $0x280, s14;
	s9 =	sadd.s32 $0x4700, s14;
	(v2sf) =	vpush v5, $0x3  }
0x83: {  	s22 =	sadd.s32 $0x800, s14;
	s2 =	sadd.s32 $0x380, s14;
	s18 =	sadd.s32 $0x4300, s14  }
0x84: {  	s31 =	sadd.s32 $0x4800, s14;
	s1 =	sadd.s32 $0x4200, s14;
	s23 =	sadd.s32 $0x480, s14;
	(v2sf) =	vpush v63, $0x3  }
0x85: {  	[dreg:$0xd] =	wrdreg s23;
	s23 =	sadd.s32 $0x700, s14;
	s25 =	sadd.s32 $0x4500, s14  }
0x86: {  	s24 =	sadd.s32 $0x100, s14;
	s10 =	sadd.s32 $0x300, s14;
	[dreg:$0xa] =	wrdreg s25;
	(v2sf) =	vpush v5, $0x4  }
0x87: {  	s25 =	sadd.s32 $0x180, s14;
	s19 =	sadd.s32 $0x10, s19;
	s30 =	spop (v2sf)  }
0x88: {  	s20 =	sadd.s32 $0x10, s20;
	s26 =	sand.u32 $0x1FFFFFF0, s30;
	s28 =	spop (v2sf);
	(v2sf) =	vpush v63, $0x4  }
0x89: {  	s26 =	sadd.s32 s11, s26;
	s28 =	sand.u32 $0x1FFFFFF0, s28;
	s29 =	spop (v2sf)  }
0x8a: {  	(v2sf) =	vpush v5, $0x5;
	[tilespmem:s24], [sflag:$0x1] =	stream.linear.gather [hbm4b:s26+s17], $0x80, $0x38;
	[tilespmem:$0x8180] =	vst v63  }
0x8b: {  	s24 =	sadd.s32 s12, s28;
	s26 =	sand.u32 $0x1FFFFFF0, s29;
	s29 =	spop (v2sf);
	(v2sf) =	vpush v63, $0x5  }
0x8c: {  	[tilespmem:s4], [sflag:$0x2] =	stream.linear.gather [hbm4b:s24+s17], $0x80, $0x38;
	[tilespmem:$0x8180] =	vst v63  }
0x8d: {  	s26 =	sadd.s32 s11, s26;
	s28 =	sand.u32 $0x1FFFFFF0, s29;
	s29 =	spop (v2sf);
	(v2sf) =	vpush v5, $0x6  }
0x8e: {  	[tilespmem:s25], [sflag:$0x1] =	stream.linear.gather [hbm4b:s26+s17], $0x80, $0x38;
	[tilespmem:$0x8180] =	vst v63  }
0x8f: {  	s25 =	sadd.s32 s12, s28;
	s28 =	sand.u32 $0x1FFFFFF0, s29;
	s29 =	spop (v2sf);
	(v2sf) =	vpush v63, $0x6  }
0x90: {  	[tilespmem:s16], [sflag:$0x2] =	stream.linear.gather [hbm4b:s25+s17], $0x80, $0x38;
	[tilespmem:$0x8180] =	vst v63  }
0x91: {  	s24 =	sand.u32 $0x1FFFFFF0, s29;
	s16 =	sadd.s32 s11, s28;
	s25 =	spop (v2sf)  }
0x92: {  	[tilespmem:s3], [sflag:$0x1] =	stream.linear.gather [hbm4b:s16+s17], $0x80, $0x38;
	[tilespmem:$0x8180] =	vst v63  }
0x93: {  	(v2sf) =	vpush v5, $0x7;
	s26 =	sadd.s32 s12, s24;
	s28 =	sand.u32 $0x1FFFFFF0, s25;
	s29 =	spop (v2sf)  }
0x94: {  	[tilespmem:s1], [sflag:$0x2] =	stream.linear.gather [hbm4b:s26+s17], $0x80, $0x38;
	[tilespmem:$0x8180] =	vst v63  }
0x95: {  	(v2sf) =	vpush v63, $0x7;
	s4 =	sadd.s32 s11, s28;
	s24 =	sand.u32 $0x1FFFFFF0, s29;
	s25 =	spop (v2sf)  }
0x96: {  	[tilespmem:s21], [sflag:$0x1] =	stream.linear.gather [hbm4b:s4+s17], $0x80, $0x38;
	[tilespmem:$0x8180] =	vst v63  }
0x97: {  	s30 =	sadd.s32 $0x680, s14;
	(v2sf) =	vpush v5, $0x8;
	s26 =	sadd.s32 s12, s24;
	s29 =	spop (v2sf)  }
0x98: {  	[tilespmem:s0], [sflag:$0x2] =	stream.linear.gather [hbm4b:s26+s17], $0x80, $0x38;
	[tilespmem:$0x8180] =	vst v63  }
0x99: {  	s28 =	sand.u32 $0x1FFFFFF0, s25;
	s16 =	sand.u32 $0x1FFFFFF0, s29;
	s21 =	spop (v2sf)  }
0x9a: {  	s3 =	sadd.s32 s11, s28;
	(v2sf) =	vpush v63, $0x8;
	s24 =	sadd.s32 s12, s16;
	s26 =	spop (v2sf)  }
0x9b: {  	(v2sf) =	vpush v5, $0x9;
	[tilespmem:s10], [sflag:$0x1] =	stream.linear.gather [hbm4b:s3+s17], $0x80, $0x38;
	[tilespmem:$0x8180] =	vst v63  }
0x9c: {  	s25 =	sand.u32 $0x1FFFFFF0, s21;
	s10 =	simm.s32 $0x0;
	s0 =	spop (v2sf)  }
0x9d: {  	(v2sf) =	vpush v63, $0x9;
	[tilespmem:s18], [sflag:$0x2] =	stream.linear.gather [hbm4b:s24+s10], $0x80, $0x38;
	[tilespmem:$0x8180] =	vst v63  }
0x9e: {  	s28 =	sadd.s32 s11, s25;
	s29 =	sand.u32 $0x1FFFFFF0, s26;
	s21 =	spop (v2sf)  }
0x9f: {  	(v2sf) =	vpush v5, $0xA;
	[tilespmem:s2], [sflag:$0x1] =	stream.linear.gather [hbm4b:s28+s10], $0x80, $0x38;
	[tilespmem:$0x8180] =	vst v63  }
0xa0: {  	s16 =	sadd.s32 s12, s29;
	s18 =	sand.u32 $0x1FFFFFF0, s0;
	s25 =	sand.u32 $0x1FFFFFF0, s21  }
0xa1: {  	[tilespmem:s8], [sflag:$0x2] =	stream.linear.gather [hbm4b:s16+s10], $0x80, $0x38;
	[tilespmem:$0x8180] =	vst v63  }
0xa2: {  	s24 =	sadd.s32 s11, s18;
	s26 =	spop (v2sf);
	s28 =	sadd.s32 s12, s25  }
0xa3: {  	(v2sf) =	vpush v63, $0xA;
	[tilespmem:s5], [sflag:$0x1] =	stream.linear.gather [hbm4b:s24+s10], $0x80, $0x38;
	[tilespmem:$0x8180] =	vst v63  }
0xa4: {  	s29 =	sand.u32 $0x1FFFFFF0, s26;
	s0 =	spop (v2sf);
	s8 =	rddreg [dreg:$0xd]  }
0xa5: {  	(v2sf) =	vpush v5, $0xB;
	[tilespmem:s6], [sflag:$0x2] =	stream.linear.gather [hbm4b:s28+s10], $0x80, $0x38;
	[tilespmem:$0x8180] =	vst v63  }
0xa6: {  	s4 =	sadd.s32 s11, s29;
	s29 =	rddreg [dreg:$0xb];
	s6 =	spop (v2sf)  }
0xa7: {  	(v2sf) =	vpush v63, $0xB;
	s5 =	sand.u32 $0x1FFFFFF0, s0;
	s24 =	rddreg [dreg:$0xc];
	s18 =	sand.u32 $0x1FFFFFF0, s6  }
0xa8: {  	[tilespmem:s8], [sflag:$0x1] =	stream.linear.gather [hbm4b:s4+s10], $0x80, $0x38;
	[tilespmem:$0x8180] =	vst v63  }
0xa9: {  	s16 =	sadd.s32 s12, s5;
	s21 =	spop (v2sf);
	s25 =	sadd.s32 s11, s18  }
0xaa: {  	(v2sf) =	vpush v5, $0xC;
	s8 =	rddreg [dreg:$0xa];
	s26 =	sand.u32 $0x1FFFFFF0, s21;
	s28 =	spop (v2sf)  }
0xab: {  	[tilespmem:s24], [sflag:$0x2] =	stream.linear.gather [hbm4b:s16+s10], $0x80, $0x38;
	[tilespmem:$0x8180] =	vst v63  }
0xac: {  	(v2sf) =	vpush v63, $0xC;
	s4 =	sadd.s32 s12, s26;
	s5 =	sand.u32 $0x1FFFFFF0, s28;
	s6 =	spop (v2sf)  }
0xad: {  	[tilespmem:s29], [sflag:$0x1] =	stream.linear.gather [hbm4b:s25+s10], $0x80, $0x38;
	[tilespmem:$0x8180] =	vst v63  }
0xae: {  	s24 =	rddreg [dreg:$0x7];
	s18 =	sand.u32 $0x1FFFFFF0, s6;
	s21 =	spop (v2sf)  }
0xaf: {  	[tilespmem:s8], [sflag:$0x2] =	stream.linear.gather [hbm4b:s4+s10], $0x80, $0x38;
	[tilespmem:$0x8180] =	vst v63  }
0xb0: {  	s16 =	sadd.s32 s11, s5;
	s25 =	sadd.s32 s12, s18;
	s26 =	sand.u32 $0x1FFFFFF0, s21  }
0xb1: {  	[tilespmem:s24], [sflag:$0x1] =	stream.linear.gather [hbm4b:s16+s10], $0x80, $0x38;
	[tilespmem:$0x8180] =	vst v63  }
0xb2: {  	s29 =	rddreg [dreg:$0x9];
	s28 =	spop (v2sf);
	s4 =	sadd.s32 s11, s26  }
0xb3: {  	[tilespmem:s29], [sflag:$0x2] =	stream.linear.gather [hbm4b:s25+s10], $0x80, $0x38;
	[tilespmem:$0x8180] =	vst v63  }
0xb4: {  	s8 =	rddreg [dreg:$0x8];
	s5 =	sand.u32 $0x1FFFFFF0, s28;
	s6 =	spop (v2sf)  }
0xb5: {  	[tilespmem:s8], [sflag:$0x1] =	stream.linear.gather [hbm4b:s4+s10], $0x80, $0x38;
	[tilespmem:$0x8180] =	vst v63  }
0xb6: {  	s16 =	sadd.s32 s12, s5;
	s24 =	rddreg [dreg:$0x5];
	s21 =	spop (v2sf)  }
0xb7: {  	(v2sf) =	vpush v5, $0xD;
	[tilespmem:s24], [sflag:$0x2] =	stream.linear.gather [hbm4b:s16+s10], $0x80, $0x38;
	[tilespmem:$0x8180] =	vst v63  }
.Ltmp0:
0xb8: {  	(v2sf) =	vpush v63, $0xD;
	s18 =	sand.u32 $0x1FFFFFF0, s6;
	s26 =	sand.u32 $0x1FFFFFF0, s21;
	(pc) =	sbr.rel @p0 .LBB2_2-.Ltmp0, $4  }
0xb9: {  	(v2sf) =	vpush v5, $0xE;
	s25 =	sadd.s32 s11, s18;
	s29 =	sadd.s32 s12, s26;
	s28 =	spop (v2sf)  }
0xba: {  	(v2sf) =	vpush v63, $0xE;
	[tilespmem:s30], [sflag:$0x1] =	stream.linear.gather [hbm4b:s25+s10], $0x80, $0x38;
	[tilespmem:$0x8180] =	vst v63  }
0xbb: {  	(v2sf) =	vpush v5, $0xF;
	s0 =	sand.u32 $0x1FFFFFF0, s28;
	s1 =	spop (v2sf);
	s30 =	rddreg [dreg:$0x6]  }
0xbc: {  	(v2sf) =	vpush v63, $0xF;
	[tilespmem:s30], [sflag:$0x2] =	stream.linear.gather [hbm4b:s29+s10], $0x80, $0x38;
	[tilespmem:$0x8180] =	vst v63  }
0xbd: {  	_ =	sdelay $0x4  }
0xbe: {  	s0 =	sadd.s32 s11, s0;
	s1 =	sand.u32 $0x1FFFFFF0, s1  }
0xbf: {  	[tilespmem:s23], [sflag:$0x1] =	stream.linear.gather [hbm4b:s0+s10], $0x80, $0x38;
	[tilespmem:$0x8180] =	vst v63  }
0xc0: {  	s3 =	sadd.s32 s12, s1  }
0xc1: {  	[tilespmem:s9], [sflag:$0x2] =	stream.linear.gather [hbm4b:s3+s10], $0x80, $0x38;
	[tilespmem:$0x8180] =	vst v63  }
0xc2: {  	s2 =	spop (v2sf)  }
0xc3: {  	s4 =	sand.u32 $0x1FFFFFF0, s2;
	s5 =	spop (v2sf)  }
0xc4: {  	s6 =	sadd.s32 s11, s4;
	s8 =	sand.u32 $0x1FFFFFF0, s5;
	s9 =	spop (v2sf)  }
0xc5: {  	[tilespmem:s13], [sflag:$0x1] =	stream.linear.gather [hbm4b:s6+s10], $0x80, $0x38;
	[tilespmem:$0x8180] =	vst v63  }
0xc6: {  	s15 =	sadd.s32 s12, s8;
	s16 =	sand.u32 $0x1FFFFFF0, s9;
	s18 =	spop (v2sf)  }
0xc7: {  	[tilespmem:s7], [sflag:$0x2] =	stream.linear.gather [hbm4b:s15+s10], $0x80, $0x38;
	[tilespmem:$0x8180] =	vst v63  }
0xc8: {  	s19 =	sadd.s32 s11, s16;
	s20 =	sand.u32 $0x1FFFFFF0, s18;
	s21 =	spop (v2sf)  }
0xc9: {  	[tilespmem:s22], [sflag:$0x1] =	stream.linear.gather [hbm4b:s19+s10], $0x80, $0x38;
	[tilespmem:$0x8180] =	vst v63  }
0xca: {  	s23 =	sand.u32 $0x1FFFFFF0, s21;
	s24 =	spop (v2sf);
	s22 =	sadd.s32 s12, s20  }
0xcb: {  	[tilespmem:s31], [sflag:$0x2] =	stream.linear.gather [hbm4b:s22+s10], $0x80, $0x38;
	[tilespmem:$0x8180] =	vst v63  }
0xcc: {  	s25 =	sadd.s32 $0x880, s14;
	s1 =	sadd.s32 s11, s23;
	s2 =	sand.u32 $0x1FFFFFF0, s24  }
0xcd: {  	[tilespmem:s25], [sflag:$0x1] =	stream.linear.gather [hbm4b:s1+s10], $0x80, $0x38;
	[tilespmem:$0x8180] =	vst v63  }
0xce: {  	s26 =	sadd.s32 $0x4880, s14;
	s29 =	simm.s32 $0x1;
	s28 =	sadd.s32 s12, s2  }
0xcf: {  	[tilespmem:s26], [sflag:$0x2] =	stream.linear.gather [hbm4b:s28+s10], $0x80, $0x38;
	[tilespmem:$0x8180] =	vst v63  }
0xd0: {  	_ =	swait.ge [sflag:s29], $0x4000  }
0xd1: {  	[sflag:s29] =	ssyncset.done $0x0  }
0xd2: {  	s30 =	simm.s32 $0x2;
	[sflag:s29] =	ssyncadd.s32 $0xFFFFC000  }
0xd3: {  	_ =	swait.ge [sflag:s30], $0x4000  }
0xd4: {  	[sflag:s30] =	ssyncset.done $0x0;
	v2 =	vld [tilespmem:$0x1FFE0]  }
0xd5: {  	s31 =	simm.s32 $0x0;
	v3 =	vld [tilespmem:$0x1FFF0];
	[sflag:s30] =	ssyncadd.s32 $0xFFFFC000  }
0xd6: {  	v4 =	vld [tilespmem:s31+$0x8B0]  }
0xd7: {  	v5 =	vld [tilespmem:s31+$0x48B0]  }
0xd8: {  	v6 =	vld [tilespmem:s31+$0x830]  }
0xd9: {  	v7 =	vld [tilespmem:s31+$0x4830]  }
0xda: {  	v10 =	vld [tilespmem:s31+$0x8A0]  }
0xdb: {  	v13 =	vld [tilespmem:s31+$0x48A0]  }
0xdc: {  	v15 =	vld [tilespmem:s31+$0x7B0]  }
0xdd: {  	v23 =	vld [tilespmem:s31+$0x47B0]  }
0xde: {  	v14 =	vld [tilespmem:s31+$0x820]  }
0xdf: {  	v16 =	vld [tilespmem:s31+$0x4820]  }
0xe0: {  	v24 =	vld [tilespmem:s31+$0x880]  }
0xe1: {  	v25 =	vld [tilespmem:s31+$0x4880]  }
0xe2: {  	v26 =	vld [tilespmem:s31+$0x890]  }
0xe3: {  	v27 =	vld [tilespmem:s31+$0x4890]  }
0xe4: {  	v28 =	vld [tilespmem:s31+$0x730]  }
0xe5: {  	v29 =	vld [tilespmem:s31+$0x4730]  }
0xe6: {  	v30 =	vld [tilespmem:s31+$0x7A0]  }
0xe7: {  	v31 =	vld [tilespmem:s31+$0x47A0]  }
0xe8: {  	v32 =	vld [tilespmem:s31+$0x800]  }
0xe9: {  	v33 =	vld [tilespmem:s31+$0x4800]  }
0xea: {  	v34 =	vld [tilespmem:s31+$0x810]  }
0xeb: {  	v35 =	vld [tilespmem:s31+$0x4810]  }
0xec: {  	v36 =	vld [tilespmem:s31+$0x6B0]  }
0xed: {  	v37 =	vld [tilespmem:s31+$0x46B0]  }
0xee: {  	v38 =	vld [tilespmem:s31+$0x720]  }
0xef: {  	v39 =	vld [tilespmem:s31+$0x4720]  }
0xf0: {  	v40 =	vld [tilespmem:s31+$0x780]  }
0xf1: {  	v41 =	vld [tilespmem:s31+$0x4780]  }
0xf2: {  	v42 =	vld [tilespmem:s31+$0x790]  }
0xf3: {  	v43 =	vld [tilespmem:s31+$0x4790]  }
0xf4: {  	v1 =	vld [tilespmem:s31+$0x630]  }
0xf5: {  	v45 =	vld [tilespmem:s31+$0x4630]  }
0xf6: {  	v46 =	vld [tilespmem:s31+$0x6A0]  }
0xf7: {  	v47 =	vld [tilespmem:s31+$0x46A0]  }
0xf8: {  	v48 =	vld [tilespmem:s31+$0x700]  }
0xf9: {  	v49 =	vld [tilespmem:s31+$0x4700]  }
0xfa: {  	v50 =	vld [tilespmem:s31+$0x710]  }
0xfb: {  	v51 =	vld [tilespmem:s31+$0x4710]  }
0xfc: {  	v52 =	vld [tilespmem:s31+$0x5B0]  }
0xfd: {  	v53 =	vld [tilespmem:s31+$0x45B0]  }
0xfe: {  	[tilespmem:$0x1FDC0] =	vst v1;
	v1 =	vld [tilespmem:s31+$0x530]  }
0xff: {  	v54 =	vld [tilespmem:s31+$0x620]  }
0x100: {  	v55 =	vld [tilespmem:s31+$0x4620]  }
0x101: {  	v56 =	vld [tilespmem:s31+$0x680]  }
0x102: {  	v57 =	vld [tilespmem:s31+$0x4680]  }
0x103: {  	[tilespmem:$0x1FE10] =	vst v1;
	v1 =	vld [tilespmem:s31+$0x4530]  }
0x104: {  	v58 =	vld [tilespmem:s31+$0x690]  }
0x105: {  	v59 =	vld [tilespmem:s31+$0x4690]  }
0x106: {  	v60 =	vld [tilespmem:s31+$0x5A0]  }
0x107: {  	v61 =	vld [tilespmem:s31+$0x45A0]  }
0x108: {  	[tilespmem:$0x1FE20] =	vst v1;
	v1 =	vld [tilespmem:s31+$0x4B0]  }
0x109: {  	v62 =	vld [tilespmem:s31+$0x600]  }
0x10a: {  	v63 =	vld [tilespmem:s31+$0x4600]  }
0x10b: {  	v44 =	vld [tilespmem:s31+$0x610]  }
0x10c: {  	v22 =	vld [tilespmem:s31+$0x4610]  }
0x10d: {  	[tilespmem:$0x1FE30] =	vst v1;
	v1 =	vld [tilespmem:s31+$0x44B0]  }
0x10e: {  	v21 =	vld [tilespmem:s31+$0x580]  }
0x10f: {  	v19 =	vld [tilespmem:s31+$0x4580]  }
0x110: {  	v20 =	vld [tilespmem:s31+$0x590]  }
0x111: {  	v18 =	vld [tilespmem:s31+$0x4590]  }
0x112: {  	[tilespmem:$0x1FE40] =	vst v1;
	v1 =	vld [tilespmem:s31+$0x520]  }
0x113: {  	v17 =	vld [tilespmem:s31+$0x500]  }
0x114: {  	v11 =	vld [tilespmem:s31+$0x4500]  }
0x115: {  	v12 =	vld [tilespmem:s31+$0x510]  }
0x116: {  	v9 =	vld [tilespmem:s31+$0x4510]  }
0x117: {  	[tilespmem:$0x1FDD0] =	vst v1;
	v1 =	vld [tilespmem:s31+$0x4520]  }
0x118: {  	v8 =	vld [tilespmem:s31+$0x480]  }
0x119: {  	v6 =	vmul.f32 v7, v6;
	v7 =	vld [tilespmem:s31+$0x4480]  }
0x11a: {  	v4 =	vmul.f32 v5, v4;
	v5 =	vmul.f32 v25, v24;
	v25 =	vld [tilespmem:s31+$0x490]  }
0x11b: {  	v24 =	vmul.f32 v27, v26;
	v27 =	vld [tilespmem:s31+$0x4490]  }
0x11c: {  	[tilespmem:$0x1FDE0] =	vst v1;
	v1 =	vld [tilespmem:s31+$0x430]  }
0x11d: {  	v26 =	vmul.f32 v16, v14;
	v14 =	vmul.f32 v13, v10;
	v10 =	vld [tilespmem:s31+$0x330]  }
0x11e: {  	v13 =	vld [tilespmem:s31+$0x4330]  }
0x11f: {  	v16 =	vmul.f32 v33, v32;
	v32 =	vmul.f32 v35, v34;
	v34 =	vld [tilespmem:s31+$0x400]  }
0x120: {  	v35 =	vld [tilespmem:s31+$0x4400]  }
0x121: {  	[tilespmem:$0x1FE70] =	vst v1;
	v1 =	vld [tilespmem:s31+$0x4430]  }
0x122: {  	v28 =	vmul.f32 v29, v28;
	v29 =	vld [tilespmem:s31+$0x4410]  }
0x123: {  	v43 =	vmul.f32 v43, v42;
	v42 =	vmul.f32 v39, v38;
	v38 =	vld [tilespmem:s31+$0x4320]  }
0x124: {  	v39 =	vld [tilespmem:s31+$0x380]  }
0x125: {  	v33 =	vld [tilespmem:s31+$0x4380]  }
0x126: {  	[tilespmem:$0x1FE80] =	vst v1;
	v1 =	vld [tilespmem:s31+$0x4A0]  }
0x127: {  	v22 =	vmul.f32 v22, v44;
	v44 =	vld [tilespmem:s31+$0x130]  }
0x128: {  	v18 =	vmul.f32 v18, v20;
	v20 =	vld [tilespmem:s31+$0x4130]  }
0x129: {  	v11 =	vmul.f32 v11, v17;
	v17 =	vld [tilespmem:s31+$0x1B0]  }
0x12a: {  	v30 =	vmul.f32 v31, v30;
	v31 =	vadd.f32 v32, v16;
	v16 =	vld [tilespmem:s31+$0x43A0]  }
0x12b: {  	v19 =	vmul.f32 v19, v21;
	[tilespmem:$0x1FDF0] =	vst v1;
	v1 =	vld [tilespmem:s31+$0x44A0]  }
0x12c: {  	v5 =	vadd.f32 v24, v5;
	v32 =	vld [tilespmem:s31+$0x390]  }
0x12d: {  	v18 =	vadd.f32 v18, v19;
	v19 =	vld [tilespmem:s31+$0x220]  }
0x12e: {  	v49 =	vmul.f32 v49, v48;
	v15 =	vmul.f32 v23, v15;
	v5 =	vadd.f32 v14, v5;
	v14 =	vld [tilespmem:s31+$0x3A0]  }
0x12f: {  	v24 =	vmul.f32 v41, v40;
	v40 =	vmul.f32 v51, v50;
	v23 =	vadd.f32 v26, v31;
	v26 =	vld [tilespmem:s31+$0x410]  }
0x130: {  	[tilespmem:$0x1FE00] =	vst v1;
	v1 =	vld [tilespmem:s31+$0x3B0]  }
0x131: {  	v9 =	vmul.f32 v9, v12;
	v41 =	vadd.f32 v40, v49;
	v40 =	vld [tilespmem:s31+$0x4390]  }
0x132: {  	v31 =	vmul.f32 v57, v56;
	v56 =	vld [tilespmem:$0x1FDC0]  }
0x133: {  	v9 =	vadd.f32 v9, v11;
	v11 =	vld [tilespmem:$0x1FDD0]  }
0x134: {  	v7 =	vmul.f32 v7, v8;
	v8 =	vmul.f32 v27, v25;
	v21 =	vld [tilespmem:$0x1FDE0]  }
0x135: {  	v63 =	vmul.f32 v63, v62;
	[tilespmem:$0x1FE90] =	vst v1;
	v1 =	vld [tilespmem:s31+$0x43B0]  }
0x136: {  	v7 =	vadd.f32 v8, v7;
	v8 =	vld [tilespmem:$0x1FDF0]  }
0x137: {  	v12 =	vadd.f32 v22, v63;
	v22 =	vld [tilespmem:$0x1FE00]  }
0x138: {  	v24 =	vadd.f32 v43, v24;
	v43 =	vmul.f32 v59, v58;
	v58 =	vmul.f32 v53, v52;
	v52 =	vld [tilespmem:s31+$0x310]  }
0x139: {  	v6 =	vadd.f32 v6, v23;
	v23 =	vld [tilespmem:s31+$0x320]  }
0x13a: {  	v11 =	vmul.f32 v21, v11;
	[tilespmem:$0x1FEA0] =	vst v1;
	v1 =	vld [tilespmem:s31+$0x420]  }
0x13b: {  	v25 =	vld [tilespmem:$0x1FE20]  }
0x13c: {  	v9 =	vadd.f32 v11, v9;
	v11 =	vld [tilespmem:$0x1FE10];
	v8 =	vmul.f32 v22, v8  }
0x13d: {  	v27 =	vld [tilespmem:$0x1FE40]  }
0x13e: {  	v7 =	vadd.f32 v8, v7;
	v8 =	vld [tilespmem:$0x1FE30]  }
0x13f: {  	[tilespmem:$0x1FE50] =	vst v1;
	v1 =	vld [tilespmem:s31+$0x4420]  }
0x140: {  	v21 =	vld [tilespmem:s31+$0x280]  }
0x141: {  	v61 =	vmul.f32 v61, v60;
	v11 =	vmul.f32 v25, v11;
	v25 =	vld [tilespmem:s31+$0x290]  }
0x142: {  	v59 =	vmul.f32 v55, v54;
	v34 =	vmul.f32 v35, v34;
	v22 =	vld [tilespmem:s31+$0x4280]  }
0x143: {  	v18 =	vadd.f32 v61, v18;
	v10 =	vmul.f32 v13, v10;
	v8 =	vmul.f32 v27, v8;
	v27 =	vld [tilespmem:s31+$0x4290]  }
0x144: {  	v33 =	vmul.f32 v33, v39;
	v4 =	vadd.f32 v4, v5;
	v5 =	vadd.f32 v30, v24;
	[tilespmem:$0x1FE60] =	vst v1;
	v1 =	vld [tilespmem:$0x1FFD0]  }
0x145: {  	v54 =	vld [tilespmem:s31+$0x4310];
	v20 =	vmul.f32 v20, v44;
	v30 =	vadd.f32 v42, v41;
	v12 =	vadd.f32 v59, v12  }
0x146: {  	v53 =	vld [tilespmem:s31+$0x4110];
	v18 =	vadd.f32 v58, v18;
	v26 =	vmul.f32 v29, v26;
	v14 =	vmul.f32 v16, v14  }
0x147: {  	v35 =	vld [tilespmem:s31+$0x4120];
	v5 =	vadd.f32 v15, v5;
	v32 =	vmul.f32 v40, v32;
	v23 =	vmul.f32 v38, v23  }
0x148: {  	v24 =	vld [tilespmem:s31+$0x2B0];
	v28 =	vadd.f32 v28, v30;
	v21 =	vmul.f32 v22, v21;
	v22 =	vmul.f32 v27, v25  }
0x149: {  	v59 =	vld [tilespmem:$0x1FE80];
	v7 =	vadd.f32 v8, v7;
	v15 =	vperm.xlane v4, v1;
	v30 =	vperm.xlane v5, v1  }
0x14a: {  	v9 =	vadd.f32 v11, v9;
	v11 =	vld [tilespmem:s31+$0x120];
	v48 =	vperm.xlane v6, v1;
	v49 =	vperm.xlane v28, v1  }
0x14b: {  	v26 =	vadd.f32 v26, v34;
	v63 =	vld [tilespmem:$0x1FE90];
	v8 =	vperm.xlane v18, v1;
	v58 =	vperm.xlane v7, v1  }
0x14c: {  	v55 =	vld [tilespmem:$0x1FE50];
	v4 =	vadd.f32 v4, v15;
	v15 =	vadd.f32 v43, v31;
	v31 =	vmul.f32 v47, v46  }
0x14d: {  	v5 =	vadd.f32 v5, v30;
	v6 =	vadd.f32 v6, v48;
	v43 =	vmul.f32 v45, v56;
	v46 =	vld [tilespmem:s31+$0x300]  }
0x14e: {  	v28 =	vadd.f32 v28, v49;
	v56 =	vld [tilespmem:$0x1FE60];
	v8 =	vadd.f32 v18, v8;
	v30 =	vperm.xlane v4, v2  }
0x14f: {  	v18 =	vld [tilespmem:s31+$0x200];
	v15 =	vadd.f32 v31, v15;
	v31 =	vmul.f32 v37, v36;
	v12 =	vadd.f32 v43, v12  }
0x150: {  	v7 =	vadd.f32 v7, v58;
	v45 =	vld [tilespmem:s31+$0x210];
	v50 =	vperm.xlane v5, v2;
	v51 =	vperm.xlane v6, v2  }
0x151: {  	v49 =	vld [tilespmem:s31+$0x110];
	v60 =	vperm.xlane v8, v2;
	v31 =	vadd.f32 v31, v15;
	v29 =	vperm.xlane v12, v1  }
0x152: {  	v37 =	vld [tilespmem:s31+$0x2A0];
	v62 =	vperm.xlane v7, v2;
	v4 =	vadd.f32 v4, v30;
	v36 =	vadd.f32 v5, v50  }
0x153: {  	v30 =	vperm.xlane v28, v2;
	v5 =	vadd.f32 v6, v51;
	v12 =	vadd.f32 v12, v29;
	v29 =	vld [tilespmem:$0x1FE70]  }
0x154: {  	v43 =	vld [tilespmem:s31+$0x100];
	v7 =	vadd.f32 v7, v62;
	v34 =	vmul.f32 v56, v55;
	v6 =	vperm.xlane v31, v1  }
0x155: {  	v25 =	vadd.f32 v32, v33;
	v15 =	vld [tilespmem:s31+$0x230];
	v41 =	vperm.xlane v4, v3;
	v57 =	vperm.xlane v5, v3  }
0x156: {  	v50 =	vld [tilespmem:s31+$0x4300];
	v42 =	vperm.xlane v36, v3;
	v13 =	vperm.xlane v7, v3;
	v26 =	vadd.f32 v34, v26  }
0x157: {  	v62 =	vld [tilespmem:s31+$0x180];
	v31 =	vadd.f32 v31, v6;
	v5 =	vadd.f32 v5, v57;
	v57 =	vperm.xlane v9, v1  }
0x158: {  	v6 =	vadd.f32 v36, v42;
	v36 =	vadd.f32 v8, v60;
	v60 =	vld [tilespmem:$0x1FEA0];
	v29 =	vmul.f32 v59, v29  }
0x159: {  	v34 =	vld [tilespmem:s31+$0x4200];
	v4 =	vadd.f32 v4, v41;
	v41 =	vperm.xlane v31, v2;
	v9 =	vadd.f32 v9, v57  }
0x15a: {  	v28 =	vadd.f32 v28, v30;
	v42 =	vld [tilespmem:s31+$0x1A0];
	v61 =	vperm.xlane v12, v2;
	v26 =	vadd.f32 v29, v26  }
0x15b: {  	v7 =	vadd.f32 v7, v13;
	v13 =	vld [tilespmem:s31+$0x4220];
	v31 =	vadd.f32 v31, v41;
	v29 =	vperm.xlane v9, v2  }
0x15c: {  	v48 =	vperm.xlane v28, v3;
	v12 =	vadd.f32 v12, v61;
	v41 =	vld [tilespmem:s31+$0x4100];
	v8 =	vperm.xlane v26, v1  }
0x15d: {  	v55 =	vmul.f32 v60, v63;
	v63 =	vld [tilespmem:s31+$0x4190];
	v9 =	vadd.f32 v9, v29;
	v29 =	vperm.xlane v31, v3  }
0x15e: {  	v47 =	vperm.xlane v36, v3;
	v26 =	vadd.f32 v26, v8;
	v8 =	vadd.f32 v28, v48;
	v28 =	vld [tilespmem:s31+$0x4180]  }
0x15f: {  	v11 =	vmul.f32 v35, v11;
	v51 =	vperm.xlane v12, v3;
	v29 =	vadd.f32 v31, v29;
	v31 =	vld [tilespmem:s31+$0x190]  }
0x160: {  	v14 =	vadd.f32 v14, v25;
	v50 =	vmul.f32 v50, v46;
	v36 =	vadd.f32 v36, v47;
	v48 =	vld [tilespmem:s31+$0x4210]  }
0x161: {  	v18 =	vmul.f32 v34, v18;
	v12 =	vadd.f32 v12, v51;
	v51 =	vmul.f32 v54, v52;
	v52 =	vld [tilespmem:s31+$0x41A0]  }
0x162: {  	v56 =	vld [tilespmem:s31+$0x41B0];
	v13 =	vmul.f32 v13, v19;
	v19 =	vadd.f32 v22, v21;
	v16 =	vperm.xlane v26, v2  }
0x163: {  	v30 =	vld [tilespmem:s31+$0x42A0];
	v54 =	vmul.f32 v53, v49;
	v14 =	vadd.f32 v55, v14;
	v27 =	vmul.f32 v41, v43  }
0x164: {  	v16 =	vadd.f32 v26, v16;
	v26 =	vmul.f32 v28, v62;
	v28 =	vmul.f32 v63, v31;
	v31 =	vld [tilespmem:s31+$0x4230]  }
0x165: {  	v57 =	vld [tilespmem:s31+$0x42B0];
	v58 =	vadd.f32 v51, v50;
	v27 =	vadd.f32 v54, v27;
	v25 =	vmul.f32 v48, v45  }
0x166: {  	v61 =	vperm.xlane v9, v3;
	v26 =	vadd.f32 v28, v26;
	v28 =	vmul.f32 v52, v42  }
0x167: {  	v17 =	vmul.f32 v56, v17;
	v11 =	vadd.f32 v11, v27;
	v18 =	vadd.f32 v25, v18  }
0x168: {  	v30 =	vmul.f32 v30, v37;
	v9 =	vadd.f32 v9, v61;
	v21 =	vadd.f32 v28, v26  }
0x169: {  	v11 =	vadd.f32 v20, v11;
	v13 =	vadd.f32 v13, v18;
	v15 =	vmul.f32 v31, v15  }
0x16a: {  	v18 =	vadd.f32 v30, v19;
	v19 =	vmul.f32 v57, v24;
	v17 =	vadd.f32 v17, v21  }
0x16b: {  	v13 =	vadd.f32 v15, v13;
	v15 =	vadd.f32 v23, v58  }
0x16c: {  	v21 =	vperm.xlane v11, v1;
	v18 =	vadd.f32 v19, v18;
	v22 =	vperm.xlane v17, v1  }
0x16d: {  	v20 =	vperm.xlane v16, v3;
	v19 =	vperm.xlane v13, v1;
	v10 =	vadd.f32 v10, v15  }
0x16e: {  	v11 =	vadd.f32 v11, v21;
	v15 =	vadd.f32 v17, v22;
	v17 =	vperm.xlane v18, v1  }
0x16f: {  	v21 =	vperm.xlane v14, v1;
	v13 =	vadd.f32 v13, v19;
	v19 =	vperm.xlane v10, v1  }
0x170: {  	v22 =	vperm.xlane v11, v2;
	v23 =	vperm.xlane v15, v2;
	v17 =	vadd.f32 v18, v17  }
0x171: {  	v14 =	vadd.f32 v14, v21;
	v18 =	vperm.xlane v13, v2;
	v10 =	vadd.f32 v10, v19  }
0x172: {  	v11 =	vadd.f32 v11, v22;
	v15 =	vadd.f32 v15, v23;
	v19 =	vperm.xlane v17, v2  }
0x173: {  	v21 =	vperm.xlane v14, v2;
	v13 =	vadd.f32 v13, v18;
	v18 =	vperm.xlane v10, v2  }
0x174: {  	v22 =	vperm.xlane v11, v3;
	v23 =	vperm.xlane v15, v3;
	v17 =	vadd.f32 v17, v19  }
0x175: {  	v14 =	vadd.f32 v14, v21;
	v19 =	vperm.xlane v13, v3;
	v10 =	vadd.f32 v10, v18  }
0x176: {  	v11 =	vadd.f32 v11, v22;
	v15 =	vadd.f32 v15, v23;
	v18 =	vperm.xlane v17, v3  }
0x177: {  	v21 =	vperm.xlane v14, v3;
	v13 =	vadd.f32 v13, v19;
	v19 =	vperm.xlane v10, v3  }
0x178: {  	v22 =	vperm.xlane v11, v0;
	v23 =	vperm.xlane v15, v0;
	v17 =	vadd.f32 v17, v18  }
0x179: {  	v14 =	vadd.f32 v14, v21;
	v18 =	vperm.xlane v13, v0;
	v10 =	vadd.f32 v10, v19  }
0x17a: {  	v11 =	vadd.f32 v11, v22;
	v15 =	vadd.f32 v15, v23;
	v19 =	vperm.xlane v17, v0  }
0x17b: {  	v16 =	vadd.f32 v16, v20;
	v13 =	vadd.f32 v13, v18;
	v18 =	vperm.xlane v10, v0  }
0x17c: {  	v11 =	vsel vm0, v11, v15;
	v15 =	vadd.f32 v17, v19;
	v17 =	vperm.xlane v14, v0  }
0x17d: {  	v11 =	vsel vm1, v11, v13;
	v10 =	vadd.f32 v10, v18;
	v13 =	vperm.xlane v16, v0  }
0x17e: {  	v11 =	vsel vm2, v11, v15;
	v14 =	vadd.f32 v14, v17;
	v15 =	vperm.xlane v7, v0  }
0x17f: {  	v10 =	vsel vm3, v11, v10;
	v11 =	vadd.f32 v16, v13;
	v13 =	vperm.xlane v9, v0  }
0x180: {  	v10 =	vsel vm4, v10, v14;
	v7 =	vadd.f32 v7, v15;
	v14 =	vperm.xlane v36, v0  }
0x181: {  	v10 =	vsel vm5, v10, v11;
	v9 =	vadd.f32 v9, v13;
	v11 =	vperm.xlane v12, v0  }
0x182: {  	v13 =	vperm.xlane v29, v0;
	v7 =	vsel vm6, v10, v7;
	v10 =	vadd.f32 v36, v14  }
0x183: {  	v7 =	vsel vm7, v7, v9;
	v9 =	vadd.f32 v12, v11;
	v11 =	vperm.xlane v8, v0  }
0x184: {  	v12 =	vperm.xlane v6, v0;
	v7 =	vsel vm8, v7, v10;
	v10 =	vadd.f32 v29, v13  }
0x185: {  	v7 =	vsel vm9, v7, v9;
	v8 =	vadd.f32 v8, v11;
	v9 =	vperm.xlane v5, v0  }
0x186: {  	v6 =	vadd.f32 v6, v12;
	v7 =	vsel vm10, v7, v10;
	v10 =	vperm.xlane v4, v0  }
0x187: {  	v7 =	vsel vm11, v7, v8;
	v5 =	vadd.f32 v5, v9  }
0x188: {  	v6 =	vsel vm12, v7, v6;
	v4 =	vadd.f32 v4, v10  }
0x189: {  	v5 =	vsel vm13, v6, v5  }
0x18a: {  	s14 =	simm.s32 $0x8100;
	v4 =	vsel vm14, v5, v4  }
0x18b: {  	s15 =	simm.s32 $0x800;
	[tilespmem:s14+$0x0] =	vst v4  }
0x18c: {  	v4 =	vld [tilespmem:s15+$0x8B0]  }
0x18d: {  	v5 =	vld [tilespmem:s15+$0x48B0]  }
0x18e: {  	v6 =	vld [tilespmem:s15+$0x830]  }
0x18f: {  	v7 =	vld [tilespmem:s15+$0x4830]  }
0x190: {  	v8 =	vld [tilespmem:s15+$0x8A0]  }
0x191: {  	v12 =	vld [tilespmem:s15+$0x48A0]  }
0x192: {  	v13 =	vld [tilespmem:s15+$0x7B0]  }
0x193: {  	v14 =	vld [tilespmem:s15+$0x47B0]  }
0x194: {  	v11 =	vld [tilespmem:s15+$0x820]  }
0x195: {  	v15 =	vld [tilespmem:s15+$0x4820]  }
0x196: {  	v16 =	vld [tilespmem:s15+$0x880]  }
0x197: {  	v17 =	vld [tilespmem:s15+$0x4880]  }
0x198: {  	v18 =	vld [tilespmem:s15+$0x890]  }
0x199: {  	v19 =	vld [tilespmem:s15+$0x4890]  }
0x19a: {  	v20 =	vld [tilespmem:s15+$0x730]  }
0x19b: {  	v21 =	vld [tilespmem:s15+$0x4730]  }
0x19c: {  	v22 =	vld [tilespmem:s15+$0x7A0]  }
0x19d: {  	v23 =	vld [tilespmem:s15+$0x47A0]  }
0x19e: {  	v27 =	vld [tilespmem:s15+$0x800]  }
0x19f: {  	v29 =	vld [tilespmem:s15+$0x4800]  }
0x1a0: {  	v33 =	vld [tilespmem:s15+$0x810]  }
0x1a1: {  	v34 =	vld [tilespmem:s15+$0x4810]  }
0x1a2: {  	v48 =	vmov v0;
	v0 =	vld [tilespmem:s15+$0x6B0]  }
0x1a3: {  	v45 =	vld [tilespmem:s15+$0x46B0]  }
0x1a4: {  	v9 =	vld [tilespmem:s15+$0x530]  }
0x1a5: {  	v39 =	vld [tilespmem:s15+$0x720]  }
0x1a6: {  	v40 =	vld [tilespmem:s15+$0x4720]  }
0x1a7: {  	v26 =	vld [tilespmem:s15+$0x780]  }
0x1a8: {  	v41 =	vld [tilespmem:s15+$0x4780]  }
0x1a9: {  	[tilespmem:$0x1FF30] =	vst v9;
	v9 =	vld [tilespmem:s15+$0x4530]  }
0x1aa: {  	v42 =	vld [tilespmem:s15+$0x790]  }
0x1ab: {  	v43 =	vld [tilespmem:s15+$0x4790]  }
0x1ac: {  	v46 =	vld [tilespmem:s15+$0x6A0]  }
0x1ad: {  	v47 =	vld [tilespmem:s15+$0x46A0]  }
0x1ae: {  	[tilespmem:$0x1FF40] =	vst v9;
	v9 =	vld [tilespmem:s15+$0x610]  }
0x1af: {  	v49 =	vld [tilespmem:s15+$0x4700]  }
0x1b0: {  	v50 =	vld [tilespmem:s15+$0x710]  }
0x1b1: {  	v51 =	vld [tilespmem:s15+$0x4710]  }
0x1b2: {  	v52 =	vld [tilespmem:s15+$0x5B0]  }
0x1b3: {  	[tilespmem:$0x1FEE0] =	vst v9;
	v9 =	vld [tilespmem:s15+$0x4B0]  }
0x1b4: {  	v53 =	vld [tilespmem:s15+$0x45B0]  }
0x1b5: {  	v54 =	vld [tilespmem:s15+$0x620]  }
0x1b6: {  	v55 =	vld [tilespmem:s15+$0x4620]  }
0x1b7: {  	v56 =	vld [tilespmem:s15+$0x680]  }
0x1b8: {  	[tilespmem:$0x1FF50] =	vst v9;
	v9 =	vld [tilespmem:s15+$0x44B0]  }
0x1b9: {  	v57 =	vld [tilespmem:s15+$0x4680]  }
0x1ba: {  	v58 =	vld [tilespmem:s15+$0x690]  }
0x1bb: {  	v59 =	vld [tilespmem:s15+$0x4690]  }
0x1bc: {  	v60 =	vld [tilespmem:s15+$0x5A0]  }
0x1bd: {  	[tilespmem:$0x1FF60] =	vst v9;
	v9 =	vld [tilespmem:s15+$0x520]  }
0x1be: {  	v61 =	vld [tilespmem:s15+$0x45A0]  }
0x1bf: {  	v62 =	vld [tilespmem:s15+$0x600]  }
0x1c0: {  	v63 =	vld [tilespmem:s15+$0x4600]  }
0x1c1: {  	v44 =	vld [tilespmem:s15+$0x4610]  }
0x1c2: {  	[tilespmem:$0x1FEF0] =	vst v9;
	v9 =	vld [tilespmem:s15+$0x4520]  }
0x1c3: {  	[tilespmem:$0x1FEB0] =	vst v0;
	v0 =	vld [tilespmem:s15+$0x630]  }
0x1c4: {  	v38 =	vld [tilespmem:s15+$0x580]  }
0x1c5: {  	v37 =	vld [tilespmem:s15+$0x4580]  }
0x1c6: {  	v36 =	vld [tilespmem:s15+$0x590]  }
0x1c7: {  	[tilespmem:$0x1FF00] =	vst v9;
	v9 =	vld [tilespmem:s15+$0x430]  }
0x1c8: {  	[tilespmem:$0x1FEC0] =	vst v0;
	v0 =	vld [tilespmem:s15+$0x4630]  }
0x1c9: {  	v35 =	vld [tilespmem:s15+$0x4590]  }
0x1ca: {  	v32 =	vld [tilespmem:s15+$0x500]  }
0x1cb: {  	v31 =	vld [tilespmem:s15+$0x4500]  }
0x1cc: {  	v6 =	vmul.f32 v7, v6;
	[tilespmem:$0x1FF90] =	vst v9;
	v9 =	vld [tilespmem:s15+$0x4430]  }
0x1cd: {  	v4 =	vmul.f32 v5, v4;
	v5 =	vmul.f32 v17, v16;
	[tilespmem:$0x1FED0] =	vst v0;
	v0 =	vld [tilespmem:s15+$0x700]  }
0x1ce: {  	v30 =	vld [tilespmem:s15+$0x510];
	v7 =	vmul.f32 v19, v18;
	v15 =	vmul.f32 v15, v11  }
0x1cf: {  	v28 =	vld [tilespmem:s15+$0x4510];
	v16 =	vmul.f32 v41, v26;
	v17 =	vmul.f32 v43, v42  }
0x1d0: {  	v25 =	vld [tilespmem:s15+$0x480];
	v8 =	vmul.f32 v12, v8;
	v12 =	vmul.f32 v29, v27;
	v5 =	vadd.f32 v7, v5  }
0x1d1: {  	v7 =	vmul.f32 v34, v33;
	v16 =	vadd.f32 v17, v16;
	v17 =	vmul.f32 v23, v22;
	[tilespmem:$0x1FFA0] =	vst v9;
	v9 =	vld [tilespmem:s15+$0x4A0]  }
0x1d2: {  	v24 =	vld [tilespmem:s15+$0x4480];
	v19 =	vmul.f32 v51, v50;
	v5 =	vadd.f32 v8, v5;
	v18 =	vmul.f32 v49, v0  }
0x1d3: {  	v10 =	vld [tilespmem:s15+$0x490];
	v7 =	vadd.f32 v7, v12;
	v8 =	vadd.f32 v17, v16;
	v12 =	vmul.f32 v14, v13  }
0x1d4: {  	v11 =	vld [tilespmem:s15+$0x330];
	v14 =	vmul.f32 v40, v39;
	v4 =	vadd.f32 v4, v5;
	v13 =	vadd.f32 v19, v18  }
0x1d5: {  	v26 =	vld [tilespmem:s15+$0x4330];
	v5 =	vadd.f32 v15, v7;
	v15 =	vmul.f32 v21, v20;
	v8 =	vadd.f32 v12, v8  }
0x1d6: {  	v12 =	vadd.f32 v14, v13;
	v13 =	vmul.f32 v57, v56;
	v14 =	vmul.f32 v59, v58;
	[tilespmem:$0x1FF10] =	vst v9;
	v9 =	vld [tilespmem:s15+$0x44A0]  }
0x1d7: {  	v27 =	vld [tilespmem:s15+$0x3A0]  }
0x1d8: {  	v29 =	vld [tilespmem:s15+$0x43A0];
	v15 =	vadd.f32 v15, v12;
	v12 =	vadd.f32 v14, v13;
	v13 =	vmul.f32 v47, v46  }
0x1d9: {  	v41 =	vld [tilespmem:s15+$0x400]  }
0x1da: {  	v13 =	vadd.f32 v13, v12;
	v12 =	vld [tilespmem:$0x1FEB0]  }
0x1db: {  	[tilespmem:$0x1FF20] =	vst v9;
	v9 =	vld [tilespmem:s15+$0x3B0]  }
0x1dc: {  	v42 =	vld [tilespmem:s15+$0x4400];
	v5 =	vadd.f32 v6, v5;
	v6 =	vperm.xlane v4, v1  }
0x1dd: {  	v43 =	vld [tilespmem:s15+$0x320];
	v16 =	vperm.xlane v8, v1  }
0x1de: {  	v35 =	vmul.f32 v35, v36;
	v36 =	vld [tilespmem:s15+$0x200];
	v4 =	vadd.f32 v4, v6;
	v14 =	vperm.xlane v5, v1  }
0x1df: {  	v22 =	vld [tilespmem:s15+$0x130];
	v6 =	vadd.f32 v8, v16;
	v8 =	vperm.xlane v15, v1  }
0x1e0: {  	v5 =	vadd.f32 v5, v14;
	v14 =	vperm.xlane v4, v2;
	v16 =	vmul.f32 v45, v12;
	[tilespmem:$0x1FFB0] =	vst v9;
	v9 =	vld [tilespmem:s15+$0x43B0]  }
0x1e1: {  	v18 =	vadd.f32 v15, v8;
	v8 =	vld [tilespmem:$0x1FEC0]  }
0x1e2: {  	v4 =	vadd.f32 v4, v14;
	v14 =	vperm.xlane v5, v2;
	v19 =	vadd.f32 v16, v13;
	v16 =	vld [tilespmem:$0x1FED0]  }
0x1e3: {  	v54 =	vmul.f32 v55, v54;
	v33 =	vld [tilespmem:s15+$0x280]  }
0x1e4: {  	v55 =	vmul.f32 v61, v60;
	v60 =	vmovc v1;
	v5 =	vadd.f32 v5, v14;
	v14 =	vperm.xlane v19, v1;
	v1 =	vld [tilespmem:$0x1FEE0]  }
0x1e5: {  	[tilespmem:$0x1FFC0] =	vst v9;
	v9 =	vld [tilespmem:s15+$0x420]  }
0x1e6: {  	v34 =	vld [tilespmem:s15+$0x290];
	v15 =	vperm.xlane v6, v2  }
0x1e7: {  	v39 =	vld [tilespmem:s15+$0x410];
	v59 =	vmul.f32 v16, v8;
	v16 =	vperm.xlane v18, v2  }
0x1e8: {  	v40 =	vld [tilespmem:s15+$0x4410];
	v6 =	vadd.f32 v6, v15  }
0x1e9: {  	v49 =	vadd.f32 v18, v16;
	v18 =	vperm.xlane v4, v3;
	v44 =	vmul.f32 v44, v1;
	v1 =	vld [tilespmem:$0x1FEF0]  }
0x1ea: {  	v47 =	vadd.f32 v19, v14;
	[tilespmem:$0x1FF70] =	vst v9;
	v9 =	vld [tilespmem:s15+$0x4420]  }
0x1eb: {  	v61 =	vmovc v3;
	v14 =	vperm.xlane v5, v3;
	v4 =	vadd.f32 v4, v18;
	v18 =	vperm.xlane v6, v3;
	v3 =	vld [tilespmem:$0x1FF00]  }
0x1ec: {  	v17 =	vld [tilespmem:s15+$0x42A0]  }
0x1ed: {  	v7 =	vld [tilespmem:s15+$0x4320]  }
0x1ee: {  	v28 =	vmul.f32 v28, v30;
	v20 =	vld [tilespmem:s15+$0x310];
	v6 =	vadd.f32 v6, v18;
	v18 =	vmul.f32 v31, v32  }
0x1ef: {  	[tilespmem:$0x1FF80] =	vst v9;
	v9 =	vld [tilespmem:s15+$0x4490]  }
0x1f0: {  	v24 =	vmul.f32 v24, v25;
	v25 =	vadd.f32 v28, v18;
	v28 =	vmul.f32 v3, v1;
	v1 =	vld [tilespmem:$0x1FF10]  }
0x1f1: {  	v3 =	vld [tilespmem:$0x1FF20]  }
0x1f2: {  	v21 =	vld [tilespmem:s15+$0x4310]  }
0x1f3: {  	v40 =	vmul.f32 v40, v39;
	v39 =	vld [tilespmem:s15+$0x4120]  }
0x1f4: {  	v0 =	vld [tilespmem:s15+$0x2B0];
	v9 =	vmul.f32 v9, v10  }
0x1f5: {  	v57 =	vld [tilespmem:s15+$0x380]  }
0x1f6: {  	v9 =	vadd.f32 v9, v24;
	v24 =	vmul.f32 v3, v1;
	v1 =	vld [tilespmem:$0x1FF30]  }
0x1f7: {  	v3 =	vld [tilespmem:$0x1FF40]  }
0x1f8: {  	v58 =	vld [tilespmem:s15+$0x4380]  }
0x1f9: {  	v15 =	vld [tilespmem:s15+$0x2A0]  }
0x1fa: {  	v12 =	vld [tilespmem:s15+$0x390]  }
0x1fb: {  	v13 =	vld [tilespmem:s15+$0x4390]  }
0x1fc: {  	v25 =	vadd.f32 v28, v25;
	v28 =	vmul.f32 v3, v1;
	v1 =	vld [tilespmem:$0x1FF50]  }
0x1fd: {  	v3 =	vld [tilespmem:$0x1FF60]  }
0x1fe: {  	v19 =	vld [tilespmem:s15+$0x4300]  }
0x1ff: {  	v8 =	vld [tilespmem:s15+$0x230];
	v5 =	vadd.f32 v5, v14;
	v14 =	vmul.f32 v37, v38;
	v38 =	vperm.xlane v47, v2  }
0x200: {  	v16 =	vld [tilespmem:s15+$0x300]  }
0x201: {  	v38 =	vadd.f32 v47, v38;
	v47 =	vld [tilespmem:s15+$0x4110]  }
0x202: {  	v23 =	vmul.f32 v63, v62;
	v9 =	vadd.f32 v24, v9;
	v24 =	vmul.f32 v3, v1;
	v1 =	vld [tilespmem:$0x1FF70]  }
0x203: {  	v10 =	vadd.f32 v35, v14;
	v3 =	vld [tilespmem:$0x1FF80]  }
0x204: {  	v30 =	vadd.f32 v44, v23;
	v23 =	vld [tilespmem:s15+$0x4130]  }
0x205: {  	v53 =	vmul.f32 v53, v52;
	v44 =	vld [tilespmem:s15+$0x110];
	v10 =	vadd.f32 v55, v10  }
0x206: {  	v31 =	vld [tilespmem:s15+$0x120]  }
0x207: {  	v18 =	vld [tilespmem:s15+$0x220];
	v10 =	vadd.f32 v53, v10  }
0x208: {  	v30 =	vadd.f32 v54, v30;
	v63 =	vmul.f32 v3, v1;
	v1 =	vld [tilespmem:$0x1FF90]  }
0x209: {  	v28 =	vadd.f32 v28, v25;
	v9 =	vadd.f32 v24, v9;
	v24 =	vperm.xlane v10, v60;
	v3 =	vld [tilespmem:$0x1FFA0]  }
0x20a: {  	v56 =	vadd.f32 v59, v30;
	v30 =	vld [tilespmem:s15+$0x4290];
	v59 =	vmul.f32 v42, v41  }
0x20b: {  	v41 =	vld [tilespmem:s15+$0x4100];
	v50 =	vperm.xlane v28, v60;
	v51 =	vperm.xlane v9, v60;
	v10 =	vadd.f32 v10, v24  }
0x20c: {  	v26 =	vmul.f32 v26, v11;
	v42 =	vld [tilespmem:s15+$0x100];
	v62 =	vperm.xlane v56, v60;
	v37 =	vadd.f32 v40, v59  }
0x20d: {  	v40 =	vld [tilespmem:s15+$0x210];
	v28 =	vadd.f32 v28, v50;
	v9 =	vadd.f32 v9, v51;
	v54 =	vperm.xlane v10, v2  }
0x20e: {  	v14 =	vld [tilespmem:s15+$0x1B0];
	v24 =	vadd.f32 v56, v62;
	v52 =	vadd.f32 v63, v37;
	v53 =	vmul.f32 v3, v1  }
0x20f: {  	v32 =	vperm.xlane v49, v61;
	v59 =	vperm.xlane v9, v2;
	v51 =	vadd.f32 v10, v54;
	v1 =	vld [tilespmem:$0x1FFB0]  }
0x210: {  	v56 =	vperm.xlane v28, v2;
	v55 =	vperm.xlane v24, v2;
	v3 =	vld [tilespmem:$0x1FFC0];
	v45 =	vadd.f32 v53, v52  }
0x211: {  	v35 =	vld [tilespmem:s15+$0x4280];
	v62 =	vperm.xlane v38, v61;
	v50 =	vadd.f32 v9, v59;
	v54 =	vperm.xlane v51, v61  }
0x212: {  	v25 =	vld [tilespmem:s15+$0x1A0];
	v9 =	vadd.f32 v49, v32;
	v53 =	vadd.f32 v24, v55;
	v10 =	vperm.xlane v45, v60  }
0x213: {  	v37 =	vld [tilespmem:s15+$0x4200];
	v52 =	vadd.f32 v28, v56;
	v28 =	vmul.f32 v29, v27;
	v55 =	vperm.xlane v50, v61  }
0x214: {  	v49 =	vld [tilespmem:s15+$0x180];
	v27 =	vmul.f32 v7, v43;
	v63 =	vperm.xlane v53, v61;
	v46 =	vadd.f32 v45, v10  }
0x215: {  	v29 =	vld [tilespmem:s15+$0x4180];
	v56 =	vperm.xlane v52, v61;
	v24 =	vmul.f32 v3, v1;
	v10 =	vadd.f32 v38, v62  }
0x216: {  	s16 =	simm.s32 $0x4000;
	v38 =	vmul.f32 v58, v57;
	v57 =	vmovc v2;
	v11 =	vadd.f32 v53, v63;
	v53 =	vld [tilespmem:s15+$0x190];
	v32 =	vperm.xlane v46, v2  }
.LBB2_4:
0x217: {  	v43 =	vld [tilespmem:s15+$0x4190];
	v15 =	vmul.f32 v17, v15  }
0x218: {  	v45 =	vld [tilespmem:s15+$0x4210];
	v32 =	vadd.f32 v46, v32;
	v17 =	vmul.f32 v13, v12;
	v16 =	vmul.f32 v19, v16  }
0x219: {  	v12 =	vadd.f32 v51, v54;
	v19 =	vmul.f32 v21, v20;
	v20 =	vmul.f32 v23, v22  }
0x21a: {  	v13 =	vadd.f32 v52, v56;
	v21 =	vld [tilespmem:s15+$0x41A0];
	v22 =	vmul.f32 v35, v33;
	v31 =	vmul.f32 v39, v31  }
0x21b: {  	v62 =	vld [tilespmem:s15+$0x4220];
	v23 =	vadd.f32 v50, v55;
	v30 =	vmul.f32 v30, v34;
	v63 =	vmul.f32 v41, v42  }
0x21c: {  	v47 =	vmul.f32 v47, v44;
	v50 =	vld [tilespmem:s15+$0x41B0];
	v29 =	vmul.f32 v29, v49;
	v17 =	vadd.f32 v17, v38  }
0x21d: {  	v52 =	vld [tilespmem:s15+$0x4230];
	v51 =	vmul.f32 v43, v53;
	v53 =	vmul.f32 v45, v40;
	v16 =	vadd.f32 v19, v16  }
0x21e: {  	v54 =	vld [tilespmem:s15+$0x42B0];
	v19 =	vadd.f32 v47, v63;
	v17 =	vadd.f32 v28, v17;
	v28 =	vmul.f32 v37, v36  }
0x21f: {  	v22 =	vadd.f32 v30, v22;
	v29 =	vadd.f32 v51, v29;
	v21 =	vmul.f32 v21, v25  }
0x220: {  	v18 =	vmul.f32 v62, v18;
	v19 =	vadd.f32 v31, v19;
	v25 =	vadd.f32 v53, v28  }
0x221: {  	v15 =	vadd.f32 v15, v22;
	v14 =	vmul.f32 v50, v14;
	v21 =	vadd.f32 v21, v29  }
0x222: {  	v16 =	vadd.f32 v27, v16;
	v8 =	vmul.f32 v52, v8;
	v18 =	vadd.f32 v18, v25  }
0x223: {  	v7 =	vmul.f32 v54, v0;
	v19 =	vadd.f32 v20, v19;
	v14 =	vadd.f32 v14, v21  }
0x224: {  	v16 =	vadd.f32 v26, v16;
	v8 =	vadd.f32 v8, v18  }
0x225: {  	v7 =	vadd.f32 v7, v15;
	v20 =	vperm.xlane v19, v60;
	v21 =	vperm.xlane v14, v60  }
0x226: {  	v17 =	vadd.f32 v24, v17;
	v18 =	vperm.xlane v32, v61;
	v15 =	vperm.xlane v8, v60  }
0x227: {  	v19 =	vadd.f32 v19, v20;
	v20 =	vperm.xlane v7, v60;
	v14 =	vadd.f32 v14, v21  }
0x228: {  	v21 =	vperm.xlane v17, v60;
	v8 =	vadd.f32 v8, v15;
	v15 =	vperm.xlane v16, v60  }
0x229: {  	v22 =	vperm.xlane v19, v57;
	v7 =	vadd.f32 v7, v20;
	v24 =	vperm.xlane v14, v57  }
0x22a: {  	v20 =	vperm.xlane v8, v57;
	v15 =	vadd.f32 v16, v15;
	v16 =	vadd.f32 v17, v21  }
0x22b: {  	v17 =	vadd.f32 v19, v22;
	v19 =	vperm.xlane v7, v57;
	v14 =	vadd.f32 v14, v24  }
0x22c: {  	v8 =	vadd.f32 v8, v20;
	v20 =	vperm.xlane v15, v57;
	v21 =	vperm.xlane v16, v57  }
0x22d: {  	v22 =	vperm.xlane v17, v61;
	v7 =	vadd.f32 v7, v19;
	v24 =	vperm.xlane v14, v61  }
0x22e: {  	v19 =	vperm.xlane v8, v61;
	v15 =	vadd.f32 v15, v20;
	v16 =	vadd.f32 v16, v21  }
0x22f: {  	v17 =	vadd.f32 v17, v22;
	v20 =	vperm.xlane v7, v61;
	v14 =	vadd.f32 v14, v24  }
0x230: {  	v8 =	vadd.f32 v8, v19;
	v19 =	vperm.xlane v15, v61;
	v21 =	vperm.xlane v16, v61  }
0x231: {  	v22 =	vperm.xlane v17, v48;
	v7 =	vadd.f32 v7, v20;
	v24 =	vperm.xlane v14, v48  }
0x232: {  	v20 =	vperm.xlane v8, v48;
	v15 =	vadd.f32 v15, v19;
	v16 =	vadd.f32 v16, v21  }
0x233: {  	v17 =	vadd.f32 v17, v22;
	v19 =	vperm.xlane v7, v48;
	v14 =	vadd.f32 v14, v24  }
0x234: {  	v18 =	vadd.f32 v32, v18;
	v8 =	vadd.f32 v8, v20;
	v20 =	vperm.xlane v15, v48  }
0x235: {  	v7 =	vadd.f32 v7, v19;
	v14 =	vsel vm0, v17, v14;
	v17 =	vperm.xlane v16, v48  }
0x236: {  	v8 =	vsel vm1, v14, v8;
	v14 =	vadd.f32 v15, v20;
	v15 =	vperm.xlane v18, v48  }
0x237: {  	v7 =	vsel vm2, v8, v7;
	v8 =	vadd.f32 v16, v17;
	v16 =	vperm.xlane v23, v48  }
0x238: {  	v7 =	vsel vm3, v7, v14;
	v14 =	vadd.f32 v18, v15;
	v15 =	vperm.xlane v13, v48  }
0x239: {  	v7 =	vsel vm4, v7, v8;
	v8 =	vadd.f32 v23, v16;
	v16 =	vperm.xlane v12, v48  }
0x23a: {  	v7 =	vsel vm5, v7, v14;
	v13 =	vadd.f32 v13, v15;
	v14 =	vperm.xlane v11, v48  }
0x23b: {  	v7 =	vsel vm6, v7, v8;
	v8 =	vadd.f32 v12, v16;
	v12 =	vperm.xlane v10, v48  }
0x23c: {  	v7 =	vsel vm7, v7, v13;
	v11 =	vadd.f32 v11, v14;
	v13 =	vperm.xlane v9, v48  }
0x23d: {  	v7 =	vsel vm8, v7, v8;
	v8 =	vadd.f32 v10, v12;
	v10 =	vperm.xlane v6, v48  }
0x23e: {  	v7 =	vsel vm9, v7, v11;
	v9 =	vadd.f32 v9, v13;
	v11 =	vperm.xlane v5, v48  }
0x23f: {  	v7 =	vsel vm10, v7, v8;
	v6 =	vadd.f32 v6, v10;
	v8 =	vperm.xlane v4, v48  }
0x240: {  	v7 =	vsel vm11, v7, v9;
	v5 =	vadd.f32 v5, v11  }
0x241: {  	v6 =	vsel vm12, v7, v6;
	v4 =	vadd.f32 v4, v8  }
0x242: {  	v5 =	vsel vm13, v6, v5  }
0x243: {  	s14 =	sadd.s32 $0x10, s14;
	v4 =	vsel vm14, v5, v4  }
0x244: {  	s15 =	sshra.s32 s16, $0x2;
	[tilespmem:s14+$0x0] =	vst v4  }
0x245: {  	v17 =	vld [tilespmem:s15+$0x8B0]  }
0x246: {  	v27 =	vld [tilespmem:s15+$0x48B0]  }
0x247: {  	v28 =	vld [tilespmem:s15+$0x830]  }
0x248: {  	v29 =	vld [tilespmem:s15+$0x4830]  }
0x249: {  	v16 =	vld [tilespmem:s15+$0x8A0]  }
0x24a: {  	v19 =	vld [tilespmem:s15+$0x48A0]  }
0x24b: {  	v31 =	vld [tilespmem:s15+$0x7B0]  }
0x24c: {  	v24 =	vld [tilespmem:s15+$0x47B0]  }
0x24d: {  	v32 =	vld [tilespmem:s15+$0x820]  }
0x24e: {  	v51 =	vld [tilespmem:s15+$0x4820]  }
0x24f: {  	v57 =	vld [tilespmem:s15+$0x880]  }
0x250: {  	v59 =	vld [tilespmem:s15+$0x4880]  }
0x251: {  	v60 =	vld [tilespmem:s15+$0x890]  }
0x252: {  	v61 =	vld [tilespmem:s15+$0x4890]  }
0x253: {  	v21 =	vld [tilespmem:s15+$0x730]  }
0x254: {  	v20 =	vld [tilespmem:s15+$0x4730]  }
0x255: {  	v38 =	vld [tilespmem:s15+$0x7A0]  }
0x256: {  	v43 =	vld [tilespmem:s15+$0x47A0]  }
0x257: {  	v63 =	vld [tilespmem:s15+$0x800]  }
0x258: {  	v14 =	vld [tilespmem:s15+$0x4800]  }
0x259: {  	v13 =	vld [tilespmem:s15+$0x810]  }
0x25a: {  	v12 =	vld [tilespmem:s15+$0x4810]  }
0x25b: {  	v0 =	vld [tilespmem:s15+$0x6B0]  }
0x25c: {  	v56 =	vld [tilespmem:s15+$0x720]  }
0x25d: {  	v58 =	vld [tilespmem:s15+$0x4720]  }
0x25e: {  	v10 =	vld [tilespmem:s15+$0x780]  }
0x25f: {  	v8 =	vld [tilespmem:s15+$0x4780]  }
0x260: {  	v6 =	vld [tilespmem:s15+$0x790]  }
0x261: {  	v4 =	vld [tilespmem:s15+$0x4790]  }
0x262: {  	v45 =	vld [tilespmem:s15+$0x6A0]  }
0x263: {  	v15 =	vld [tilespmem:s15+$0x46A0]  }
0x264: {  	v3 =	vld [tilespmem:s15+$0x700]  }
0x265: {  	v2 =	vld [tilespmem:s15+$0x4700]  }
0x266: {  	v1 =	vld [tilespmem:s15+$0x710]  }
0x267: {  	v5 =	vld [tilespmem:s15+$0x5B0]  }
0x268: {  	v26 =	vld [tilespmem:s15+$0x45B0]  }
0x269: {  	v30 =	vld [tilespmem:s15+$0x620]  }
0x26a: {  	v25 =	vld [tilespmem:s15+$0x4620]  }
0x26b: {  	v11 =	vld [tilespmem:s15+$0x680]  }
0x26c: {  	v9 =	vld [tilespmem:s15+$0x4680]  }
0x26d: {  	v7 =	vld [tilespmem:s15+$0x690]  }
0x26e: {  	v18 =	vld [tilespmem:s15+$0x530]  }
0x26f: {  	[tilespmem:$0x1FCF0] =	vst v0;
	v0 =	vld [tilespmem:s15+$0x46B0]  }
0x270: {  	v23 =	vld [tilespmem:s15+$0x5A0]  }
0x271: {  	v40 =	vld [tilespmem:s15+$0x45A0]  }
0x272: {  	v22 =	vld [tilespmem:s15+$0x600]  }
0x273: {  	v39 =	vld [tilespmem:s15+$0x4600]  }
0x274: {  	[tilespmem:$0x1FD00] =	vst v0;
	v0 =	vld [tilespmem:s15+$0x630]  }
0x275: {  	v41 =	vld [tilespmem:s15+$0x610]  }
0x276: {  	v44 =	vld [tilespmem:s15+$0x4610]  }
0x277: {  	v33 =	vld [tilespmem:s15+$0x520]  }
0x278: {  	v34 =	vld [tilespmem:s15+$0x4520]  }
0x279: {  	[tilespmem:$0x1FD10] =	vst v0;
	v0 =	vld [tilespmem:s15+$0x4630]  }
0x27a: {  	v46 =	vld [tilespmem:s15+$0x580]  }
0x27b: {  	v47 =	vld [tilespmem:s15+$0x4580]  }
0x27c: {  	v49 =	vld [tilespmem:s15+$0x590]  }
0x27d: {  	v50 =	vld [tilespmem:s15+$0x4590]  }
0x27e: {  	[tilespmem:$0x1FD20] =	vst v0;
	v0 =	vld [tilespmem:s15+$0x4710]  }
0x27f: {  	v35 =	vld [tilespmem:s15+$0x4A0]  }
0x280: {  	v42 =	vld [tilespmem:s15+$0x44A0];
	v28 =	vmul.f32 v29, v28  }
0x281: {  	v52 =	vld [tilespmem:s15+$0x500];
	v29 =	vmul.f32 v59, v57;
	v59 =	vmul.f32 v61, v60  }
0x282: {  	v53 =	vld [tilespmem:s15+$0x4500];
	v51 =	vmul.f32 v51, v32;
	v14 =	vmul.f32 v14, v63  }
0x283: {  	v54 =	vld [tilespmem:s15+$0x510];
	v2 =	vmul.f32 v2, v3;
	v0 =	vmul.f32 v0, v1  }
0x284: {  	v55 =	vld [tilespmem:s15+$0x4510];
	v8 =	vmul.f32 v8, v10;
	v4 =	vmul.f32 v4, v6  }
0x285: {  	v36 =	vld [tilespmem:s15+$0x420];
	v12 =	vmul.f32 v12, v13;
	v0 =	vadd.f32 v0, v2;
	v2 =	vmul.f32 v58, v56  }
0x286: {  	[tilespmem:$0x1FD30] =	vst v5;
	v5 =	vld [tilespmem:s15+$0x4690];
	v16 =	vmul.f32 v19, v16;
	v13 =	vadd.f32 v59, v29;
	v3 =	vadd.f32 v4, v8  }
0x287: {  	v4 =	vmul.f32 v43, v38;
	v6 =	vadd.f32 v12, v14;
	v2 =	vadd.f32 v2, v0;
	v0 =	vld [tilespmem:$0x1FFD0]  }
0x288: {  	v37 =	vld [tilespmem:s15+$0x4420];
	v17 =	vmul.f32 v27, v17;
	v8 =	vmul.f32 v20, v21;
	v1 =	vadd.f32 v16, v13  }
0x289: {  	v62 =	vld [tilespmem:s15+$0x480];
	v3 =	vadd.f32 v4, v3;
	v6 =	vadd.f32 v51, v6  }
0x28a: {  	v4 =	vmul.f32 v24, v31;
	v1 =	vadd.f32 v17, v1;
	v2 =	vadd.f32 v8, v2;
	v8 =	vld [tilespmem:$0x1FFD0]  }
0x28b: {  	[tilespmem:$0x1FD40] =	vst v18;
	v18 =	vld [tilespmem:s15+$0x4530];
	v9 =	vmul.f32 v9, v11;
	v5 =	vmul.f32 v5, v7  }
0x28c: {  	v27 =	vld [tilespmem:s15+$0x490];
	v3 =	vadd.f32 v4, v3;
	v4 =	vadd.f32 v28, v6;
	v6 =	vperm.xlane v1, v0  }
0x28d: {  	v60 =	vld [tilespmem:s15+$0x4490]  }
0x28e: {  	v57 =	vld [tilespmem:s15+$0x330];
	v5 =	vadd.f32 v5, v9;
	v1 =	vadd.f32 v1, v6;
	v6 =	vmul.f32 v15, v45  }
0x28f: {  	v10 =	vld [tilespmem:s15+$0x3A0];
	v8 =	vperm.xlane v4, v8  }
0x290: {  	v5 =	vadd.f32 v6, v5;
	v6 =	vld [tilespmem:$0x1FCF0]  }
0x291: {  	v4 =	vadd.f32 v4, v8;
	v8 =	vld [tilespmem:$0x1FD00]  }
0x292: {  	v7 =	vld [tilespmem:$0x1FFD0]  }
0x293: {  	[tilespmem:$0x1FD50] =	vst v18;
	v18 =	vld [tilespmem:s15+$0x4B0]  }
0x294: {  	v9 =	vld [tilespmem:$0x1FFD0]  }
0x295: {  	v32 =	vld [tilespmem:s15+$0x43A0]  }
0x296: {  	v6 =	vmul.f32 v8, v6;
	v8 =	vld [tilespmem:$0x1FFE0]  }
0x297: {  	v63 =	vld [tilespmem:s15+$0x4380];
	v7 =	vperm.xlane v3, v7  }
0x298: {  	v25 =	vmul.f32 v25, v30;
	v30 =	vmul.f32 v40, v23;
	v23 =	vld [tilespmem:s15+$0x4130]  }
0x299: {  	[tilespmem:$0x1FD60] =	vst v18;
	v18 =	vld [tilespmem:s15+$0x44B0];
	v3 =	vadd.f32 v3, v7;
	v9 =	vperm.xlane v2, v9  }
0x29a: {  	v7 =	vld [tilespmem:$0x1FFE0]  }
0x29b: {  	v2 =	vadd.f32 v2, v9;
	v9 =	vperm.xlane v3, v8;
	v8 =	vld [tilespmem:$0x1FFE0]  }
0x29c: {  	v40 =	vld [tilespmem:s15+$0x210]  }
0x29d: {  	v29 =	vld [tilespmem:s15+$0x4330]  }
0x29e: {  	v59 =	vld [tilespmem:s15+$0x400]  }
0x29f: {  	[tilespmem:$0x1FD70] =	vst v18;
	v18 =	vld [tilespmem:s15+$0x430]  }
0x2a0: {  	v38 =	vld [tilespmem:s15+$0x320];
	v7 =	vperm.xlane v1, v7;
	v11 =	vperm.xlane v4, v8  }
0x2a1: {  	v43 =	vld [tilespmem:s15+$0x4320]  }
0x2a2: {  	v1 =	vadd.f32 v1, v7;
	v7 =	vadd.f32 v4, v11;
	v4 =	vld [tilespmem:$0x1FFD0]  }
0x2a3: {  	v12 =	vld [tilespmem:s15+$0x390]  }
0x2a4: {  	[tilespmem:$0x1FD80] =	vst v18;
	v18 =	vld [tilespmem:s15+$0x4430]  }
0x2a5: {  	v5 =	vadd.f32 v6, v5;
	v6 =	vld [tilespmem:$0x1FFE0]  }
0x2a6: {  	v20 =	vld [tilespmem:s15+$0x310]  }
0x2a7: {  	v21 =	vld [tilespmem:s15+$0x4310];
	v4 =	vperm.xlane v5, v4  }
0x2a8: {  	v24 =	vld [tilespmem:s15+$0x410]  }
0x2a9: {  	v51 =	vadd.f32 v5, v4;
	v4 =	vld [tilespmem:$0x1FFF0]  }
0x2aa: {  	[tilespmem:$0x1FD90] =	vst v18;
	v18 =	vld [tilespmem:s15+$0x3B0];
	v6 =	vperm.xlane v2, v6  }
0x2ab: {  	v31 =	vld [tilespmem:s15+$0x4410]  }
0x2ac: {  	v14 =	vld [tilespmem:$0x1FD10];
	v2 =	vadd.f32 v2, v6  }
0x2ad: {  	v19 =	vld [tilespmem:$0x1FD20]  }
0x2ae: {  	v58 =	vperm.xlane v2, v4;
	v4 =	vld [tilespmem:$0x1FD30]  }
0x2af: {  	[tilespmem:$0x1FDA0] =	vst v18;
	v18 =	vld [tilespmem:s15+$0x43B0]  }
0x2b0: {  	v11 =	vld [tilespmem:$0x1FFF0]  }
0x2b1: {  	v6 =	vld [tilespmem:$0x1FFF0]  }
0x2b2: {  	v3 =	vadd.f32 v3, v9;
	v9 =	vld [tilespmem:$0x1FFF0]  }
0x2b3: {  	v26 =	vmul.f32 v26, v4;
	v4 =	vld [tilespmem:$0x1FFE0]  }
0x2b4: {  	v27 =	vmul.f32 v60, v27;
	v60 =	vld [tilespmem:$0x1FFD0]  }
0x2b5: {  	v24 =	vmul.f32 v31, v24;
	[tilespmem:$0x1FDB0] =	vst v18;
	v18 =	vld [tilespmem:s15+$0x4480];
	v11 =	vperm.xlane v7, v11  }
0x2b6: {  	v31 =	vld [tilespmem:s15+$0x120];
	v28 =	vmul.f32 v19, v14;
	v6 =	vperm.xlane v1, v6  }
0x2b7: {  	v13 =	vld [tilespmem:s15+$0x4390];
	v14 =	vmul.f32 v44, v41;
	v9 =	vperm.xlane v3, v9;
	v5 =	vadd.f32 v7, v11  }
0x2b8: {  	v16 =	vld [tilespmem:s15+$0x300];
	v7 =	vmul.f32 v47, v46;
	v61 =	vperm.xlane v51, v4;
	v4 =	vadd.f32 v1, v6  }
0x2b9: {  	v19 =	vld [tilespmem:s15+$0x4300];
	v6 =	vadd.f32 v3, v9;
	v3 =	vmul.f32 v53, v52;
	v9 =	vmul.f32 v55, v54  }
0x2ba: {  	v41 =	vld [tilespmem:s15+$0x4100];
	v11 =	vmul.f32 v50, v49;
	v55 =	vmul.f32 v18, v62  }
0x2bb: {  	v44 =	vld [tilespmem:s15+$0x110];
	v1 =	vmul.f32 v39, v22;
	v3 =	vadd.f32 v9, v3;
	v9 =	vmul.f32 v34, v33  }
0x2bc: {  	v7 =	vadd.f32 v11, v7;
	v11 =	vadd.f32 v27, v55;
	v27 =	vld [tilespmem:$0x1FD50]  }
0x2bd: {  	v1 =	vadd.f32 v14, v1;
	v3 =	vadd.f32 v9, v3;
	v9 =	vld [tilespmem:$0x1FD40]  }
0x2be: {  	v56 =	vld [tilespmem:s15+$0x4400]  }
0x2bf: {  	v17 =	vld [tilespmem:s15+$0x42A0];
	v1 =	vadd.f32 v25, v1;
	v25 =	vmul.f32 v42, v35  }
0x2c0: {  	v0 =	vld [tilespmem:s15+$0x2B0]  }
0x2c1: {  	v11 =	vadd.f32 v25, v11;
	v25 =	vld [tilespmem:$0x1FD60]  }
0x2c2: {  	v9 =	vmul.f32 v27, v9;
	v27 =	vld [tilespmem:$0x1FD70]  }
0x2c3: {  	v45 =	vld [tilespmem:s15+$0x380]  }
0x2c4: {  	v15 =	vld [tilespmem:s15+$0x2A0];
	v7 =	vadd.f32 v30, v7  }
0x2c5: {  	v8 =	vld [tilespmem:s15+$0x230]  }
0x2c6: {  	v47 =	vld [tilespmem:s15+$0x4110];
	v7 =	vadd.f32 v26, v7;
	v26 =	vmul.f32 v56, v59  }
0x2c7: {  	v49 =	vld [tilespmem:s15+$0x180];
	v25 =	vmul.f32 v27, v25  }
0x2c8: {  	v30 =	vld [tilespmem:s15+$0x4290];
	v24 =	vadd.f32 v24, v26;
	v26 =	vmul.f32 v37, v36  }
0x2c9: {  	v36 =	vld [tilespmem:s15+$0x200];
	v3 =	vadd.f32 v9, v3;
	v9 =	vadd.f32 v25, v11;
	v11 =	vperm.xlane v7, v60  }
0x2ca: {  	v37 =	vld [tilespmem:s15+$0x4200]  }
0x2cb: {  	v7 =	vadd.f32 v7, v11;
	v11 =	vadd.f32 v26, v24;
	v24 =	vld [tilespmem:$0x1FD80]  }
0x2cc: {  	v26 =	vld [tilespmem:$0x1FD90]  }
0x2cd: {  	v22 =	vld [tilespmem:s15+$0x130];
	v1 =	vadd.f32 v28, v1  }
0x2ce: {  	v18 =	vld [tilespmem:s15+$0x220];
	v28 =	vperm.xlane v3, v60  }
0x2cf: {  	v39 =	vld [tilespmem:s15+$0x4120];
	v27 =	vperm.xlane v1, v60  }
0x2d0: {  	v3 =	vadd.f32 v3, v28;
	v28 =	vld [tilespmem:$0x1FFE0]  }
0x2d1: {  	v1 =	vadd.f32 v1, v27;
	v27 =	vld [tilespmem:$0x1FFE0];
	v24 =	vmul.f32 v26, v24  }
0x2d2: {  	v59 =	vperm.xlane v9, v60;
	v26 =	vld [tilespmem:$0x1FFE0]  }
0x2d3: {  	v11 =	vadd.f32 v24, v11;
	v24 =	vld [tilespmem:$0x1FFE0]  }
0x2d4: {  	v14 =	vld [tilespmem:s15+$0x1B0];
	v9 =	vadd.f32 v9, v59  }
0x2d5: {  	v33 =	vld [tilespmem:s15+$0x280]  }
0x2d6: {  	v34 =	vld [tilespmem:s15+$0x290];
	v28 =	vperm.xlane v9, v28  }
0x2d7: {  	v53 =	vadd.f32 v51, v61;
	v61 =	vld [tilespmem:$0x1FFF0];
	v27 =	vperm.xlane v1, v27;
	v26 =	vperm.xlane v7, v26  }
0x2d8: {  	v50 =	vadd.f32 v9, v28;
	v9 =	vld [tilespmem:$0x1FDA0];
	v24 =	vperm.xlane v3, v24  }
0x2d9: {  	v1 =	vadd.f32 v1, v27;
	v51 =	vadd.f32 v7, v26;
	v26 =	vmul.f32 v29, v57;
	v57 =	vld [tilespmem:$0x1FFE0]  }
0x2da: {  	p0 =	sne.s32 s16, $0xE000;
	v27 =	vmul.f32 v43, v38;
	v38 =	vmul.f32 v63, v45;
	v52 =	vadd.f32 v3, v24;
	v24 =	vld [tilespmem:$0x1FDB0]  }
.Ltmp1:
0x2db: {  	v35 =	vld [tilespmem:s15+$0x4280];
	v28 =	vmul.f32 v32, v10;
	v7 =	vperm.xlane v11, v60;
	(pc) =	sbr.rel @p0 .LBB2_4-.Ltmp1, $4  }
0x2dc: {  	v42 =	vld [tilespmem:s15+$0x100];
	v62 =	vperm.xlane v1, v61;
	v3 =	vperm.xlane v53, v61  }
0x2dd: {  	v25 =	vld [tilespmem:s15+$0x1A0];
	v55 =	vperm.xlane v50, v61;
	v54 =	vperm.xlane v51, v61;
	v46 =	vadd.f32 v11, v7  }
0x2de: {  	v29 =	vld [tilespmem:s15+$0x4180];
	v11 =	vadd.f32 v1, v62;
	v56 =	vperm.xlane v52, v61;
	v10 =	vadd.f32 v53, v3  }
0x2df: {  	s16 =	sadd.s32 $0x2000, s16;
	v53 =	vld [tilespmem:s15+$0x190];
	v32 =	vperm.xlane v46, v57;
	v24 =	vmul.f32 v24, v9;
	v9 =	vadd.f32 v2, v58  }
0x2e0: {  	v2 =	vmul.f32 v17, v15  }
0x2e1: {  	v1 =	vld [tilespmem:s15+$0x4190];
	v3 =	vmul.f32 v13, v12;
	v13 =	vmul.f32 v19, v16  }
0x2e2: {  	v7 =	vadd.f32 v51, v54;
	v58 =	vld [tilespmem:s15+$0x4210];
	v59 =	vmul.f32 v21, v20;
	v62 =	vmul.f32 v23, v22  }
0x2e3: {  	v16 =	vadd.f32 v52, v56;
	v63 =	vld [tilespmem:s15+$0x41A0];
	v43 =	vmul.f32 v35, v33;
	v45 =	vmul.f32 v39, v31  }
0x2e4: {  	v21 =	vadd.f32 v50, v55;
	v50 =	vld [tilespmem:s15+$0x4220];
	v30 =	vmul.f32 v30, v34;
	v52 =	vmul.f32 v47, v44  }
0x2e5: {  	v54 =	vld [tilespmem:s15+$0x41B0];
	v56 =	vmul.f32 v37, v36;
	v51 =	vmul.f32 v41, v42;
	v32 =	vadd.f32 v46, v32  }
0x2e6: {  	v55 =	vld [tilespmem:s15+$0x4230];
	v3 =	vadd.f32 v3, v38;
	v29 =	vmul.f32 v29, v49;
	v1 =	vmul.f32 v1, v53  }
0x2e7: {  	v13 =	vadd.f32 v59, v13;
	v20 =	vadd.f32 v30, v43;
	v12 =	vmul.f32 v58, v40;
	v58 =	vld [tilespmem:s15+$0x42B0]  }
0x2e8: {  	v59 =	vadd.f32 v52, v51;
	v19 =	vmul.f32 v63, v25;
	v1 =	vadd.f32 v1, v29  }
0x2e9: {  	v3 =	vadd.f32 v28, v3;
	v18 =	vmul.f32 v50, v18;
	v12 =	vadd.f32 v12, v56  }
0x2ea: {  	v15 =	vadd.f32 v45, v59;
	v14 =	vmul.f32 v54, v14;
	v1 =	vadd.f32 v19, v1  }
0x2eb: {  	v2 =	vadd.f32 v2, v20;
	v8 =	vmul.f32 v55, v8;
	v12 =	vadd.f32 v18, v12  }
0x2ec: {  	v15 =	vadd.f32 v62, v15;
	v0 =	vmul.f32 v58, v0;
	v1 =	vadd.f32 v14, v1  }
0x2ed: {  	v63 =	vperm.xlane v32, v61;
	v62 =	vadd.f32 v27, v13;
	v8 =	vadd.f32 v8, v12  }
0x2ee: {  	v20 =	vperm.xlane v15, v60;
	v0 =	vadd.f32 v0, v2;
	v22 =	vperm.xlane v1, v60  }
0x2ef: {  	v3 =	vadd.f32 v24, v3;
	v12 =	vadd.f32 v26, v62;
	v23 =	vperm.xlane v8, v60  }
0x2f0: {  	v14 =	vadd.f32 v15, v20;
	v24 =	vperm.xlane v0, v60;
	v1 =	vadd.f32 v1, v22  }
0x2f1: {  	v26 =	vperm.xlane v3, v60;
	v25 =	vperm.xlane v12, v60;
	v2 =	vadd.f32 v8, v23  }
0x2f2: {  	v27 =	vperm.xlane v14, v57;
	v0 =	vadd.f32 v0, v24;
	v28 =	vperm.xlane v1, v57  }
0x2f3: {  	v3 =	vadd.f32 v3, v26;
	v8 =	vadd.f32 v12, v25;
	v29 =	vperm.xlane v2, v57  }
0x2f4: {  	v30 =	vadd.f32 v14, v27;
	v31 =	vperm.xlane v0, v57;
	v1 =	vadd.f32 v1, v28  }
0x2f5: {  	v17 =	vperm.xlane v3, v57;
	v33 =	vperm.xlane v8, v57;
	v2 =	vadd.f32 v2, v29  }
0x2f6: {  	v18 =	vperm.xlane v30, v61;
	v0 =	vadd.f32 v0, v31;
	v19 =	vperm.xlane v1, v61  }
0x2f7: {  	v3 =	vadd.f32 v3, v17;
	v8 =	vadd.f32 v8, v33;
	v34 =	vperm.xlane v2, v61  }
0x2f8: {  	v12 =	vadd.f32 v30, v18;
	v35 =	vperm.xlane v0, v61;
	v1 =	vadd.f32 v1, v19  }
0x2f9: {  	v17 =	vperm.xlane v3, v61;
	v36 =	vperm.xlane v8, v61;
	v2 =	vadd.f32 v2, v34  }
0x2fa: {  	v18 =	vperm.xlane v12, v48;
	v0 =	vadd.f32 v0, v35;
	v19 =	vperm.xlane v1, v48  }
0x2fb: {  	v3 =	vadd.f32 v3, v17;
	v8 =	vadd.f32 v8, v36;
	v37 =	vperm.xlane v2, v48  }
0x2fc: {  	v12 =	vadd.f32 v12, v18;
	v38 =	vperm.xlane v0, v48;
	v1 =	vadd.f32 v1, v19  }
0x2fd: {  	v13 =	vadd.f32 v32, v63;
	v39 =	vperm.xlane v8, v48;
	v2 =	vadd.f32 v2, v37  }
0x2fe: {  	v40 =	vperm.xlane v3, v48;
	v0 =	vadd.f32 v0, v38;
	v1 =	vsel vm0, v12, v1  }
0x2ff: {  	v42 =	vperm.xlane v13, v48;
	v41 =	vadd.f32 v8, v39;
	v1 =	vsel vm1, v1, v2  }
0x300: {  	v44 =	vperm.xlane v21, v48;
	v43 =	vadd.f32 v3, v40;
	v0 =	vsel vm2, v1, v0  }
0x301: {  	v46 =	vperm.xlane v16, v48;
	v45 =	vadd.f32 v13, v42;
	v0 =	vsel vm3, v0, v41  }
0x302: {  	v49 =	vperm.xlane v7, v48;
	v47 =	vadd.f32 v21, v44;
	v0 =	vsel vm4, v0, v43  }
0x303: {  	v51 =	vperm.xlane v11, v48;
	v50 =	vadd.f32 v16, v46;
	v0 =	vsel vm5, v0, v45  }
0x304: {  	v52 =	vadd.f32 v7, v49;
	v53 =	vperm.xlane v10, v48;
	v0 =	vsel vm6, v0, v47  }
0x305: {  	v54 =	vadd.f32 v11, v51;
	v55 =	vperm.xlane v9, v48;
	v0 =	vsel vm7, v0, v50  }
0x306: {  	v56 =	vadd.f32 v10, v53;
	v57 =	vperm.xlane v6, v48;
	v0 =	vsel vm8, v0, v52  }
0x307: {  	v59 =	vperm.xlane v5, v48;
	v58 =	vadd.f32 v9, v55;
	v0 =	vsel vm9, v0, v54  }
0x308: {  	v60 =	vadd.f32 v6, v57;
	v61 =	vperm.xlane v4, v48;
	v0 =	vsel vm10, v0, v56  }
0x309: {  	v62 =	vadd.f32 v5, v59;
	v0 =	vsel vm11, v0, v58  }
0x30a: {  	v63 =	vadd.f32 v4, v61;
	v0 =	vsel vm12, v0, v60  }
0x30b: {  	v0 =	vsel vm13, v0, v62  }
0x30c: {  	s0 =	sadd.s32 $0x10, s14;
	v0 =	vsel vm14, v0, v63  }
0x30d: {  	s29 =	rddreg [dreg:$0x10];
	s1 =	simm.s32 $0x8100;
	s2 =	simm.s32 $0x3;
	[tilespmem:s0+$0x0] =	vst v0  }
0x30e: {  	[hbm4b:s29+s10] =	stream.linear.scatter [tilespmem:s1], [sflag:$0x3], $0x80, $0x38;
	[tilespmem:$0x8180] =	vst v63  }
0x30f: {  	_ =	swait.ge [sflag:s2], $0x80  }
0x310: {  	s30 =	rddreg [dreg:$0x12]  }
0x311: {  	s31 =	rddreg [dreg:$0x11];
	s1 =	sadd.s32 $0x1, s30  }
0x312: {  	p0 =	sne.s32 s1, s31  }
.Ltmp2:
0x313: {  	_ = 	snop;
	(pc) =	sbr.rel @p0 .LBB2_1-.Ltmp2, $3  }
0x314: {  	_ =	sdelay $0x1  }
0x315: {  	[sflag:s2] =	ssyncset.done $0x0  }
0x316: {  	[sflag:s2] =	ssyncadd.s32 $0xFFFFFF80  }
0x317: {  	_ =	sfence.sel $0x180000  }
0x318: {  	[bflag:$0x0] =	sbarrier.arrive $0xFFFF  }
0x319: {  	_ =	strace $0x90000047  }
0x31a: {  	s0 =	stileid.u32;
	[bflag:$0x2] =	sbarrier.arrive $0xFFFF  }
0x31b: {  	p0 =	sne.s32 s0, $0x0;
	s0 =	rddreg [dreg:$0x4]  }
0x31c: {  	s0 =	sadd.s32 @!p0 $0x100000, s0  }
0x31d: {  	[sflag:s0] =	ssyncadd.tile.s32 @!p0 $0x1;
	_ =	shalt  }
.Lfunc_end2:
_tile_overlayer_lowered:
.L_overlay_start_2:
0x31e: {  	(tag) =	ssettag $0x2  }
0x31f: {  	s0 =	rddreg [dreg:$0x0];
	s2 =	stileid.u32  }
0x320: {  	s1 =	rddreg [dreg:$0x1];
	p0 =	sne.s32 s2, $0x0  }
0x321: {  	s3 =	rddreg [dreg:$0x2];
	[bflag:$0x3] =	sbarrier.arrive $0xFFFF;
	s2 =	simm.s32 @!p0 $0x1C03  }
0x322: {  	[timem:s3], [sflag:s2] =	dma.local @!p0 [hbm:s0], s1  }
0x323: {  	s0 =	simm.s32 @!p0 $0x3  }
0x324: {  	_ =	swait.ge @!p0 [sflag:s0], s1  }
0x325: {  	s1 =	ssub.s32 @!p0 $0x0, s1;
	[sflag:s0] =	ssyncset.done @!p0 $0x0  }
0x326: {  	[sflag:s0] =	ssyncadd.s32 @!p0 s1  }
0x327: {  	[bflag:$0x3] =	sbarrier.arrive $0xFFFF  }
0x328: {  	_ =	shalt  }

</sc_bundles>
